<compile_context>
chip_gen: v7x
topology: tpu7x:2x2x1
jax: 0.10.2.dev20260603
libtpu: 0.0.44.dev20260713+nightly
codegen_flags: <defaults>
</compile_context>

<pallas_src>
import functools

import jax
import jax.numpy as jnp
from jax import lax
from jax.experimental import pallas as pl
from jax.experimental.pallas import tpu as pltpu
from jax.experimental.pallas import tpu_sc as plsc

N = 10000
NP = 10240
E = 320000
G = 128
K = 30
NUM_CLASSES = 2
NC = 2
NS = 16
NW = NC * NS
EPW = E // NW
C = 80
DUMMY = NP - 8
RPT = NP // NS

_f32 = jnp.float32


def _make_sc_scatter(F):
  mesh = plsc.VectorSubcoreMesh(
      core_axis_name="c", subcore_axis_name="s", num_cores=NC,
      num_subcores=NS)

  @functools.partial(
      pl.kernel,
      out_type=jax.ShapeDtypeStruct((NC, NP, F), _f32),
      mesh=mesh,
      compiler_params=pltpu.CompilerParams(use_tc_tiling_on_sc=False),
      scratch_types=[
          pltpu.VMEM((C,), jnp.int32),
          pltpu.VMEM((C,), jnp.int32),
          pltpu.VMEM((C, F), _f32),
          pltpu.VMEM_SHARED((NP, F), _f32),
      ],
  )
  def k(tab_hbm, src_hbm, dst_hbm, zeros_hbm, out_hbm, sidx, didx, rows, acc):
    c = lax.axis_index("c")
    s = lax.axis_index("s")
    wid = s * NC + c
    r0 = pl.multiple_of(s * RPT, 8)
    pltpu.sync_copy(zeros_hbm.at[pl.ds(r0, RPT)], acc.at[pl.ds(r0, RPT)])
    plsc.subcore_barrier()
    base = wid * EPW

    def body(i, carry):
      off = pl.multiple_of(base + i * C, 8)
      pltpu.sync_copy(src_hbm.at[pl.ds(off, C)], sidx)
      pltpu.sync_copy(dst_hbm.at[pl.ds(off, C)], didx)
      pltpu.sync_copy(tab_hbm.at[sidx], rows)
      pltpu.sync_copy(rows, acc.at[didx], add=True)
      return carry

    lax.fori_loop(0, EPW // C, body, 0)
    plsc.subcore_barrier()
    pltpu.sync_copy(acc.at[pl.ds(r0, RPT)], out_hbm.at[c, pl.ds(r0, RPT)])

  return k


_sc32 = _make_sc_scatter(32)
_sc16 = _make_sc_scatter(16)


def _tc_pre(x, W1, degP):

  def body(x_ref, w_ref, dp_ref, g_ref, dv_ref):
    deg = dp_ref[0, :, 0:1] + dp_ref[1, :, 0:1] + 1.0
    dinv = lax.rsqrt(deg)
    dinv32 = jnp.broadcast_to(dinv, (NP, 32))
    dv_ref[...] = dinv32
    h = jnp.dot(x_ref[...], w_ref[...], preferred_element_type=_f32)
    g_ref[...] = dinv32 * h

  return pl.pallas_call(
      body,
      out_shape=(jax.ShapeDtypeStruct((NP, 32), _f32),
                 jax.ShapeDtypeStruct((NP, 32), _f32)),
  )(x, W1, degP)


def _tc_mid(P, Gcur, dinv32, b_row, Wn, Fn):

  def body(p_ref, g_ref, d_ref, b_ref, w_ref, xo_ref, gn_ref):
    acc = p_ref[0] + p_ref[1]
    xo = jnp.tanh(d_ref[...] * (acc + g_ref[...]) + b_ref[...])
    xo_ref[...] = xo
    h = jnp.dot(xo, w_ref[...], preferred_element_type=_f32)
    gn_ref[...] = d_ref[:, 0:Fn] * h

  return pl.pallas_call(
      body,
      out_shape=(jax.ShapeDtypeStruct((NP, 32), _f32),
                 jax.ShapeDtypeStruct((NP, Fn), _f32)),
  )(P, Gcur, dinv32, b_row, Wn)


def _tc_post(P, Gcur, dinv32, b_row):

  def body(p_ref, g_ref, d_ref, b_ref, xo_ref):
    acc = p_ref[0] + p_ref[1]
    xo_ref[...] = jnp.tanh(d_ref[:, 0:16] * (acc + g_ref[...]) + b_ref[...])

  return pl.pallas_call(
      body, out_shape=jax.ShapeDtypeStruct((NP, 16), _f32),
  )(P, Gcur, dinv32, b_row)


def _pool_head(xc, lastc, batchr, W5p, b5r, W6s, b6r, fc1r, f1br, fc2p, f2br):

  def body(xc_ref, lc_ref, bt_ref, w5_ref, b5_ref, w6_ref, b6_ref,
           f1_ref, f1b_ref, f2_ref, f2b_ref, out_ref):
    g = pl.program_id(0)
    neg = _f32(-1e30)
    mask = bt_ref[...] == g
    vals = jnp.where(mask, lc_ref[...], neg)
    cnt = jnp.sum(mask.astype(jnp.int32))
    r8 = lax.broadcasted_iota(jnp.int32, (8, NP // 8), 0)
    c8 = lax.broadcasted_iota(jnp.int32, (8, NP // 8), 1)
    flat = r8 * (NP // 8) + c8
    ms = []
    for kk in range(K):
      mval = jnp.max(vals)
      eq = vals == mval
      m = jnp.min(jnp.where(eq, flat, jnp.int32(NP)))
      ms.append(lax.broadcast_in_dim(m, (1, 1), ()))
      vals = jnp.where(flat == m, neg, vals)
    msv = jnp.concatenate(ms, axis=0)
    rowi = lax.broadcasted_iota(jnp.int32, (K, 1), 0)
    validc = (rowi < cnt).astype(_f32)
    frow = lax.broadcasted_iota(jnp.int32, (1, NP), 1)
    onehot = (frow == msv).astype(_f32) * validc
    Pm = jnp.dot(onehot, xc_ref[...], preferred_element_type=_f32)
    c1 = jnp.dot(Pm, w5_ref[...], preferred_element_type=_f32) + b5_ref[...]
    c1 = jnp.maximum(c1, 0.0)
    hp = jnp.concatenate(
        [jnp.maximum(c1[2 * t:2 * t + 1, :], c1[2 * t + 1:2 * t + 2, :])
         for t in range(K // 2)], axis=0)
    acc2 = None
    for d in range(5):
      term = jnp.dot(hp[d:d + 11, :], w6_ref[d * 16:(d + 1) * 16, :],
                     preferred_element_type=_f32)
      acc2 = term if acc2 is None else acc2 + term
    h2 = jnp.maximum(acc2 + b6_ref[...], 0.0)
    accf = None
    for t in range(11):
      term = jnp.dot(h2[t:t + 1, :], f1_ref[t * 32:(t + 1) * 32, :],
                     preferred_element_type=_f32)
      accf = term if accf is None else accf + term
    v = jnp.maximum(accf + f1b_ref[...], 0.0)
    logits = jnp.dot(v, f2_ref[...], preferred_element_type=_f32) + f2b_ref[...]
    lane = lax.broadcasted_iota(jnp.int32, (1, 128), 1)
    lmask = lane < NUM_CLASSES
    mx = jnp.max(jnp.where(lmask, logits, neg))
    ssum = jnp.sum(jnp.where(lmask, jnp.exp(logits - mx), 0.0))
    out_ref[0] = logits - mx - jnp.log(ssum)

  cst = lambda shape: pl.BlockSpec(shape, lambda g: (0,) * len(shape))
  return pl.pallas_call(
      body,
      grid=(G,),
      in_specs=[
          cst((NP, 128)), cst((8, NP // 8)), cst((8, NP // 8)), cst((128, 16)),
          cst((1, 16)), cst((80, 32)), cst((1, 32)), cst((352, 128)),
          cst((1, 128)), cst((128, 128)), cst((1, 128)),
      ],
      out_specs=pl.BlockSpec((1, 1, 128), lambda g: (g, 0, 0)),
      out_shape=jax.ShapeDtypeStruct((G, 1, 128), _f32),
  )(xc, lastc, batchr, W5p, b5r, W6s, b6r, fc1r, f1br, fc2p, f2br)


def kernel(x, edge_index, batch, W1, b1, W2, b2, W3, b3, W4, b4,
           w5, b5, w6, b6, fc1_W, fc1_b, fc2_W, fc2_b):
  src = edge_index[0].astype(jnp.int32)
  dst = edge_index[1].astype(jnp.int32)
  dstf = jnp.where(src == dst, jnp.int32(DUMMY), dst)

  xpad = jnp.pad(x, ((0, NP - N), (0, 0)))
  ones16 = jnp.ones((NP, 16), _f32)
  zeros16 = jnp.zeros((NP, 16), _f32)
  zeros32 = jnp.zeros((NP, 32), _f32)

  degP = _sc16(ones16, src, dstf, zeros16)
  G1, dinv32 = _tc_pre(xpad, W1, degP)

  W4p = jnp.pad(W4, ((0, 0), (0, 15)))
  b4p = jnp.pad(b4, (0, 15)).reshape(1, 16)

  P1 = _sc32(G1, src, dstf, zeros32)
  x1, G2 = _tc_mid(P1, G1, dinv32, b1.reshape(1, 32), W2, 32)
  P2 = _sc32(G2, src, dstf, zeros32)
  x2, G3 = _tc_mid(P2, G2, dinv32, b2.reshape(1, 32), W3, 32)
  P3 = _sc32(G3, src, dstf, zeros32)
  x3, G4 = _tc_mid(P3, G3, dinv32, b3.reshape(1, 32), W4p, 16)
  P4 = _sc16(G4, src, dstf, zeros16)
  x4 = _tc_post(P4, G4, dinv32, b4p)

  xc = jnp.concatenate(
      [x1, x2, x3, x4[:, 0:1], jnp.zeros((NP, 31), _f32)], axis=1)
  lastc = x4[:, 0].reshape(8, NP // 8)
  batchr = jnp.concatenate(
      [batch.astype(jnp.int32), jnp.full((NP - N,), -1, jnp.int32)]
  ).reshape(8, NP // 8)

  W5p = jnp.zeros((128, 16), _f32).at[:97, :].set(w5[:, 0, :].T)
  b5r = b5.reshape(1, 16)
  W6s = w6.transpose(2, 1, 0).reshape(80, 32)
  b6r = b6.reshape(1, 32)
  fc1r = fc1_W.reshape(32, 11, 128).transpose(1, 0, 2).reshape(352, 128)
  f1br = fc1_b.reshape(1, 128)
  fc2p = jnp.zeros((128, 128), _f32).at[:, :NUM_CLASSES].set(fc2_W)
  f2br = jnp.zeros((1, 128), _f32).at[0, :NUM_CLASSES].set(fc2_b)

  out = _pool_head(xc, lastc, batchr, W5p, b5r, W6s, b6r,
                   fc1r, f1br, fc2p, f2br)
  return out.reshape(G, 128)[:, :NUM_CLASSES]

# --- scband reference (transcript-rebuilt; emitter-appended) ---
"""Pipeline reference for scband-gcn-56745107914902 (READ-ONLY COPY).

The authoritative reference and input builder live on the scoring server;
editing this copy changes nothing except your own understanding.
"""

import jax, jax.numpy as jnp
import numpy as np

N = 10000
E = 320000
D = 128
G = 128
NUM_CLASSES = 2
K = 30


def setup_inputs(seed: int = 0) -> dict:
    key = jax.random.key(seed)
    ks = jax.random.split(key, 24)
    inp = {}
    inp["x"] = jax.random.normal(ks[0], (N, D), dtype=jnp.float32)
    inp["edge_index"] = jax.random.randint(ks[1], (2, E), 0, N, dtype=jnp.int32)
    inp["batch"] = jnp.sort(jax.random.randint(ks[2], (N,), 0, G, dtype=jnp.int32))

    def lin(k, fi, fo):
        s = 1.0 / np.sqrt(fi)
        return jax.random.uniform(k, (fi, fo), jnp.float32, -s, s)

    inp["W1"] = lin(ks[3], D, 32)
    inp["b1"] = jnp.zeros((32,), jnp.float32)
    inp["W2"] = lin(ks[4], 32, 32)
    inp["b2"] = jnp.zeros((32,), jnp.float32)
    inp["W3"] = lin(ks[5], 32, 32)
    inp["b3"] = jnp.zeros((32,), jnp.float32)
    inp["W4"] = lin(ks[6], 32, 1)
    inp["b4"] = jnp.zeros((1,), jnp.float32)
    inp["w5"] = jax.random.normal(ks[7], (16, 1, 97), dtype=jnp.float32) * 0.05
    inp["b5"] = jnp.zeros((16,), jnp.float32)
    inp["w6"] = jax.random.normal(ks[8], (32, 16, 5), dtype=jnp.float32) * 0.05
    inp["b6"] = jnp.zeros((32,), jnp.float32)
    inp["fc1_W"] = lin(ks[9], 352, 128)
    inp["fc1_b"] = jnp.zeros((128,), jnp.float32)
    inp["fc2_W"] = lin(ks[10], 128, NUM_CLASSES)
    inp["fc2_b"] = jnp.zeros((NUM_CLASSES,), jnp.float32)
    return inp


def _gcn(x, src, dst, ew, W, b):
    # GCNConv: D^{-1/2} (A + I) D^{-1/2} (x W) + b, with self-loop weights 1
    deg = jax.ops.segment_sum(ew, dst, num_segments=N)
    dinv = jnp.where(deg > 0, jax.lax.rsqrt(jnp.maximum(deg, 1e-12)), 0.0)
    norm = dinv[src] * dinv[dst] * ew
    h = x @ W
    msg = h[src] * norm[:, None]
    return jax.ops.segment_sum(msg, dst, num_segments=N) + b


def reference(x, edge_index, batch, W1, b1, W2, b2, W3, b3, W4, b4, w5, b5, w6, b6, fc1_W, fc1_b, fc2_W, fc2_b):
    src = edge_index[0]
    dst = edge_index[1]
    # remove_self_loops: zero out weight of self-loop edges (shape-stable equivalent)
    ew = (src != dst).astype(jnp.float32)
    loop = jnp.arange(N, dtype=src.dtype)
    src_a = jnp.concatenate([src, loop])
    dst_a = jnp.concatenate([dst, loop])
    ew_a = jnp.concatenate([ew, jnp.ones((N,), jnp.float32)])

    x1 = jnp.tanh(_gcn(x, src_a, dst_a, ew_a, W1, b1))
    x2 = jnp.tanh(_gcn(x1, src_a, dst_a, ew_a, W2, b2))
    x3 = jnp.tanh(_gcn(x2, src_a, dst_a, ew_a, W3, b3))
    x4 = jnp.tanh(_gcn(x3, src_a, dst_a, ew_a, W4, b4))
    xc = jnp.concatenate([x1, x2, x3, x4], axis=-1)  # [N, 97]

    # global_sort_pool(k=30): per-graph sort by last channel desc, top-k, zero pad
    order = jnp.lexsort((-xc[:, -1], batch))
    xs = xc[order]
    counts = jnp.bincount(batch, length=G)
    starts = jnp.concatenate([jnp.zeros((1,), counts.dtype), jnp.cumsum(counts)[:-1]])
    idx = starts[:, None] + jnp.arange(K, dtype=counts.dtype)[None, :]
    valid = (jnp.arange(K)[None, :] < counts[:, None]).astype(jnp.float32)
    pooled = xs[jnp.clip(idx, 0, N - 1)] * valid[..., None]
    z = pooled.reshape(G, 1, K * 97)  # [G, 1, 2910]

    h = jax.lax.conv_general_dilated(z, w5, (97,), 'VALID', dimension_numbers=('NCH', 'OIH', 'NCH')) + b5[None, :, None]
    h = jax.nn.relu(h)  # [G, 16, 30]
    h = jax.lax.reduce_window(h, -jnp.inf, jax.lax.max, (1, 1, 2), (1, 1, 2), 'VALID')  # [G, 16, 15]
    h = jax.lax.conv_general_dilated(h, w6, (1,), 'VALID', dimension_numbers=('NCH', 'OIH', 'NCH')) + b6[None, :, None]
    h = jax.nn.relu(h)  # [G, 32, 11]
    h = h.reshape(G, -1)  # [G, 352]
    h = jax.nn.relu(h @ fc1_W + fc1_b)
    # Dropout(0.5) is identity in eval mode
    logits = h @ fc2_W + fc2_b
    return jax.nn.log_softmax(logits, axis=-1)

if __name__ == "__main__":
    import jax
    _d = setup_inputs()
    print(jax.jit(kernel)(*tuple(_d.values())))

</pallas_src>

<mosaic_0001>
#map = affine_map<(d0, d1) -> (0, 0)>
#map1 = affine_map<(d0, d1) -> (0)>
#map2 = affine_map<(d0, d1) -> (0, 0, 0)>
module attributes {stable_mosaic.version = 14 : i64} {
  func.func @k(%arg0: i32, %arg1: i32, %arg2: memref<10240x32xf32, #tpu.memory_space<hbm>>, %arg3: memref<320000xi32, #tpu.memory_space<hbm>>, %arg4: memref<320000xi32, #tpu.memory_space<hbm>>, %arg5: memref<10240x32xf32, #tpu.memory_space<hbm>>, %arg6: memref<2x10240x32xf32, #tpu.memory_space<hbm>>, %arg7: memref<80xi32, #tpu.memory_space<vmem>>, %arg8: memref<80xi32, #tpu.memory_space<vmem>>, %arg9: memref<80x32xf32, #tpu.memory_space<vmem>>, %arg10: memref<10240x32xf32, #tpu.memory_space<vmem_shared>>) attributes {dimension_semantics = [#tpu.dimension_semantics<core_parallel>, #tpu.dimension_semantics<subcore_parallel>], iteration_bounds = array<i64: 2, 16>, scalar_prefetch = 0 : i64, scratch_operands = 4 : i64, tpu.core_type = #tpu.core_type<sc_vector_subcore>, window_params = [{transform_indices = #map}, {transform_indices = #map1}, {transform_indices = #map1}, {transform_indices = #map}, {transform_indices = #map2}]} {
    %mul3A = arith.constant 2 : i32
    %mul3A_0 = arith.muli %arg1, %mul3A : i32
    %add3A = arith.addi %mul3A_0, %arg0 : i32
    %mul3A_1 = arith.constant 640 : i32
    %mul3A_2 = arith.muli %arg1, %mul3A_1 : i32
    %multiple_of3A = tpu.assume_multiple %mul3A_2, 8 : i32
    "tpu.region"() ({
      %run_scoped3A = tpu.sem_alloc : memref<!tpu.dma_semaphore, #tpu.memory_space<semaphore_mem>>
      %dma_start3A = arith.constant 0 : i32
      %dma_start3A_11 = tpu.memref_slice %arg10[%multiple_of3A, %dma_start3A] : memref<10240x32xf32, #tpu.memory_space<vmem_shared>> -> memref<640x32xf32, #tpu.memory_space<vmem_shared>>
      %dma_start3A_12 = arith.constant 0 : i32
      %dma_start3A_13 = tpu.memref_slice %arg5[%multiple_of3A, %dma_start3A_12] : memref<10240x32xf32, #tpu.memory_space<hbm>> -> memref<640x32xf32, #tpu.memory_space<hbm>>
      tpu.enqueue_dma source(%dma_start3A_13 : memref<640x32xf32, #tpu.memory_space<hbm>>) target(%dma_start3A_11 : memref<640x32xf32, #tpu.memory_space<vmem_shared>>) target_semaphore(%run_scoped3A : memref<!tpu.dma_semaphore, #tpu.memory_space<semaphore_mem>>)
      %dma_wait3A = arith.constant 0 : i32
      %dma_wait3A_14 = tpu.memref_slice %arg10[%multiple_of3A, %dma_wait3A] : memref<10240x32xf32, #tpu.memory_space<vmem_shared>> -> memref<640x32xf32, #tpu.memory_space<vmem_shared>>
      %dma_wait3A_15 = arith.constant 0 : i32
      %dma_wait3A_16 = tpu.memref_slice %arg5[%multiple_of3A, %dma_wait3A_15] : memref<10240x32xf32, #tpu.memory_space<hbm>> -> memref<640x32xf32, #tpu.memory_space<hbm>>
      tpu.wait_dma2 semaphore(%run_scoped3A : memref<!tpu.dma_semaphore, #tpu.memory_space<semaphore_mem>>) src(%dma_wait3A_16 : memref<640x32xf32, #tpu.memory_space<hbm>>) dst(%dma_wait3A_14 : memref<640x32xf32, #tpu.memory_space<vmem_shared>>)
      tpu.yield
    }) : () -> ()
    %barrier3A = arith.constant 0 : index
    tpu.barrier barrier_id(%barrier3A)
    %mul3A_3 = arith.constant 10000 : i32
    %mul3A_4 = arith.muli %add3A, %mul3A_3 : i32
    %scan3A = arith.constant 0 : i32
    %scan3A_5 = arith.constant 0 : i32
    %scan3A_6 = arith.constant 125 : i32
    %scan3A_7 = arith.addi %scan3A_5, %scan3A_6 : i32
    %scan3A_8 = arith.constant 1 : i32
    scf.for %scan3A_11 = %scan3A_5 to %scan3A_7 step %scan3A_8  : i32 {
      %mul3A_12 = arith.constant 80 : i32
      %mul3A_13 = arith.muli %scan3A_11, %mul3A_12 : i32
      %add3A_14 = arith.addi %mul3A_4, %mul3A_13 : i32
      %multiple_of3A_15 = tpu.assume_multiple %add3A_14, 8 : i32
      "tpu.region"() ({
        %run_scoped3A = tpu.sem_alloc : memref<!tpu.dma_semaphore, #tpu.memory_space<semaphore_mem>>
        %dma_start3A = tpu.memref_slice %arg3[%multiple_of3A_15] : memref<320000xi32, #tpu.memory_space<hbm>> -> memref<80xi32, #tpu.memory_space<hbm>>
        %dma_start3A_16 = tpu.memref_slice %arg3[%multiple_of3A_15] : memref<320000xi32, #tpu.memory_space<hbm>> -> memref<80xi32, #tpu.memory_space<hbm>>
        tpu.enqueue_dma source(%dma_start3A_16 : memref<80xi32, #tpu.memory_space<hbm>>) target(%arg7 : memref<80xi32, #tpu.memory_space<vmem>>) target_semaphore(%run_scoped3A : memref<!tpu.dma_semaphore, #tpu.memory_space<semaphore_mem>>)
        %dma_wait3A = tpu.memref_slice %arg3[%multiple_of3A_15] : memref<320000xi32, #tpu.memory_space<hbm>> -> memref<80xi32, #tpu.memory_space<hbm>>
        %dma_wait3A_17 = tpu.memref_slice %arg3[%multiple_of3A_15] : memref<320000xi32, #tpu.memory_space<hbm>> -> memref<80xi32, #tpu.memory_space<hbm>>
        tpu.wait_dma2 semaphore(%run_scoped3A : memref<!tpu.dma_semaphore, #tpu.memory_space<semaphore_mem>>) src(%dma_wait3A_17 : memref<80xi32, #tpu.memory_space<hbm>>) dst(%arg7 : memref<80xi32, #tpu.memory_space<vmem>>)
        tpu.yield
      }) : () -> ()
      "tpu.region"() ({
        %run_scoped3A = tpu.sem_alloc : memref<!tpu.dma_semaphore, #tpu.memory_space<semaphore_mem>>
        %dma_start3A = tpu.memref_slice %arg4[%multiple_of3A_15] : memref<320000xi32, #tpu.memory_space<hbm>> -> memref<80xi32, #tpu.memory_space<hbm>>
        %dma_start3A_16 = tpu.memref_slice %arg4[%multiple_of3A_15] : memref<320000xi32, #tpu.memory_space<hbm>> -> memref<80xi32, #tpu.memory_space<hbm>>
        tpu.enqueue_dma source(%dma_start3A_16 : memref<80xi32, #tpu.memory_space<hbm>>) target(%arg8 : memref<80xi32, #tpu.memory_space<vmem>>) target_semaphore(%run_scoped3A : memref<!tpu.dma_semaphore, #tpu.memory_space<semaphore_mem>>)
        %dma_wait3A = tpu.memref_slice %arg4[%multiple_of3A_15] : memref<320000xi32, #tpu.memory_space<hbm>> -> memref<80xi32, #tpu.memory_space<hbm>>
        %dma_wait3A_17 = tpu.memref_slice %arg4[%multiple_of3A_15] : memref<320000xi32, #tpu.memory_space<hbm>> -> memref<80xi32, #tpu.memory_space<hbm>>
        tpu.wait_dma2 semaphore(%run_scoped3A : memref<!tpu.dma_semaphore, #tpu.memory_space<semaphore_mem>>) src(%dma_wait3A_17 : memref<80xi32, #tpu.memory_space<hbm>>) dst(%arg8 : memref<80xi32, #tpu.memory_space<vmem>>)
        tpu.yield
      }) : () -> ()
      "tpu.region"() ({
        %run_scoped3A = tpu.sem_alloc : memref<!tpu.dma_semaphore, #tpu.memory_space<semaphore_mem>>
        %dma_start3A = arith.constant 0 : i32
        %dma_start3A_16 = arith.constant 0 : i32
        %dma_start3A_17 = tpu.memref_slice %arg2[%dma_start3A, %dma_start3A_16] : memref<10240x32xf32, #tpu.memory_space<hbm>> -> memref<10240x32xf32, #tpu.memory_space<hbm>>
        tpu.enqueue_indirect_dma source(%dma_start3A_17 : memref<10240x32xf32, #tpu.memory_space<hbm>>) target(%arg9 : memref<80x32xf32, #tpu.memory_space<vmem>>) offsets(%arg7 : memref<80xi32, #tpu.memory_space<vmem>>) semaphore(%run_scoped3A : memref<!tpu.dma_semaphore, #tpu.memory_space<semaphore_mem>>)
        %dma_wait3A = arith.constant 0 : i32
        %dma_wait3A_18 = arith.constant 0 : i32
        %dma_wait3A_19 = tpu.memref_slice %arg2[%dma_wait3A, %dma_wait3A_18] : memref<10240x32xf32, #tpu.memory_space<hbm>> -> memref<10240x32xf32, #tpu.memory_space<hbm>>
        tpu.wait_indirect_dma semaphore(%run_scoped3A : memref<!tpu.dma_semaphore, #tpu.memory_space<semaphore_mem>>) src(%dma_wait3A_19 : memref<10240x32xf32, #tpu.memory_space<hbm>>) dst(%arg9 : memref<80x32xf32, #tpu.memory_space<vmem>>)
        tpu.yield
      }) : () -> ()
      "tpu.region"() ({
        %run_scoped3A = tpu.sem_alloc : memref<!tpu.dma_semaphore, #tpu.memory_space<semaphore_mem>>
        %dma_start3A = arith.constant 0 : i32
        %dma_start3A_16 = arith.constant 0 : i32
        %dma_start3A_17 = tpu.memref_slice %arg10[%dma_start3A, %dma_start3A_16] : memref<10240x32xf32, #tpu.memory_space<vmem_shared>> -> memref<10240x32xf32, #tpu.memory_space<vmem_shared>>
        tpu.enqueue_indirect_dma source(%arg9 : memref<80x32xf32, #tpu.memory_space<vmem>>) target(%dma_start3A_17 : memref<10240x32xf32, #tpu.memory_space<vmem_shared>>) offsets(%arg8 : memref<80xi32, #tpu.memory_space<vmem>>) semaphore(%run_scoped3A : memref<!tpu.dma_semaphore, #tpu.memory_space<semaphore_mem>>) {add = true}
        %dma_wait3A = arith.constant 0 : i32
        %dma_wait3A_18 = arith.constant 0 : i32
        %dma_wait3A_19 = tpu.memref_slice %arg10[%dma_wait3A, %dma_wait3A_18] : memref<10240x32xf32, #tpu.memory_space<vmem_shared>> -> memref<10240x32xf32, #tpu.memory_space<vmem_shared>>
        tpu.wait_indirect_dma semaphore(%run_scoped3A : memref<!tpu.dma_semaphore, #tpu.memory_space<semaphore_mem>>) src(%arg9 : memref<80x32xf32, #tpu.memory_space<vmem>>) dst(%dma_wait3A_19 : memref<10240x32xf32, #tpu.memory_space<vmem_shared>>)
        tpu.yield
      }) : () -> ()
    }
    %scan3A_9 = arith.constant 125 : i32
    %barrier3A_10 = arith.constant 0 : index
    tpu.barrier barrier_id(%barrier3A_10)
    "tpu.region"() ({
      %run_scoped3A = tpu.sem_alloc : memref<!tpu.dma_semaphore, #tpu.memory_space<semaphore_mem>>
      %dma_start3A = arith.constant 0 : i32
      %dma_start3A_11 = tpu.memref_slice %arg6[%arg0, %multiple_of3A, %dma_start3A] : memref<2x10240x32xf32, #tpu.memory_space<hbm>> -> memref<1x640x32xf32, #tpu.memory_space<hbm>>
      %dma_start3A_12 = tpu.memref_squeeze %dma_start3A_11 : memref<1x640x32xf32, #tpu.memory_space<hbm>> -> memref<640x32xf32, #tpu.memory_space<hbm>>
      %dma_start3A_13 = arith.constant 0 : i32
      %dma_start3A_14 = tpu.memref_slice %arg10[%multiple_of3A, %dma_start3A_13] : memref<10240x32xf32, #tpu.memory_space<vmem_shared>> -> memref<640x32xf32, #tpu.memory_space<vmem_shared>>
      tpu.enqueue_dma source(%dma_start3A_14 : memref<640x32xf32, #tpu.memory_space<vmem_shared>>) target(%dma_start3A_12 : memref<640x32xf32, #tpu.memory_space<hbm>>) target_semaphore(%run_scoped3A : memref<!tpu.dma_semaphore, #tpu.memory_space<semaphore_mem>>)
      %dma_wait3A = arith.constant 0 : i32
      %dma_wait3A_15 = tpu.memref_slice %arg6[%arg0, %multiple_of3A, %dma_wait3A] : memref<2x10240x32xf32, #tpu.memory_space<hbm>> -> memref<1x640x32xf32, #tpu.memory_space<hbm>>
      %dma_wait3A_16 = tpu.memref_squeeze %dma_wait3A_15 : memref<1x640x32xf32, #tpu.memory_space<hbm>> -> memref<640x32xf32, #tpu.memory_space<hbm>>
      %dma_wait3A_17 = arith.constant 0 : i32
      %dma_wait3A_18 = tpu.memref_slice %arg10[%multiple_of3A, %dma_wait3A_17] : memref<10240x32xf32, #tpu.memory_space<vmem_shared>> -> memref<640x32xf32, #tpu.memory_space<vmem_shared>>
      tpu.wait_dma2 semaphore(%run_scoped3A : memref<!tpu.dma_semaphore, #tpu.memory_space<semaphore_mem>>) src(%dma_wait3A_18 : memref<640x32xf32, #tpu.memory_space<vmem_shared>>) dst(%dma_wait3A_16 : memref<640x32xf32, #tpu.memory_space<hbm>>)
      tpu.yield
    }) : () -> ()
    return
  }
}

#map = affine_map<(d0, d1) -> (0, 0)>
#map1 = affine_map<(d0, d1) -> (0)>
#map2 = affine_map<(d0, d1) -> (0, 0, 0)>
module attributes {stable_mosaic.version = 14 : i64} {
  func.func @k(%arg0: i32, %arg1: i32, %arg2: memref<10240x16xf32, #tpu.memory_space<hbm>>, %arg3: memref<320000xi32, #tpu.memory_space<hbm>>, %arg4: memref<320000xi32, #tpu.memory_space<hbm>>, %arg5: memref<10240x16xf32, #tpu.memory_space<hbm>>, %arg6: memref<2x10240x16xf32, #tpu.memory_space<hbm>>, %arg7: memref<80xi32, #tpu.memory_space<vmem>>, %arg8: memref<80xi32, #tpu.memory_space<vmem>>, %arg9: memref<80x16xf32, #tpu.memory_space<vmem>>, %arg10: memref<10240x16xf32, #tpu.memory_space<vmem_shared>>) attributes {dimension_semantics = [#tpu.dimension_semantics<core_parallel>, #tpu.dimension_semantics<subcore_parallel>], iteration_bounds = array<i64: 2, 16>, scalar_prefetch = 0 : i64, scratch_operands = 4 : i64, tpu.core_type = #tpu.core_type<sc_vector_subcore>, window_params = [{transform_indices = #map}, {transform_indices = #map1}, {transform_indices = #map1}, {transform_indices = #map}, {transform_indices = #map2}]} {
    %mul3A = arith.constant 2 : i32
    %mul3A_0 = arith.muli %arg1, %mul3A : i32
    %add3A = arith.addi %mul3A_0, %arg0 : i32
    %mul3A_1 = arith.constant 640 : i32
    %mul3A_2 = arith.muli %arg1, %mul3A_1 : i32
    %multiple_of3A = tpu.assume_multiple %mul3A_2, 8 : i32
    "tpu.region"() ({
      %run_scoped3A = tpu.sem_alloc : memref<!tpu.dma_semaphore, #tpu.memory_space<semaphore_mem>>
      %dma_start3A = arith.constant 0 : i32
      %dma_start3A_11 = tpu.memref_slice %arg10[%multiple_of3A, %dma_start3A] : memref<10240x16xf32, #tpu.memory_space<vmem_shared>> -> memref<640x16xf32, #tpu.memory_space<vmem_shared>>
      %dma_start3A_12 = arith.constant 0 : i32
      %dma_start3A_13 = tpu.memref_slice %arg5[%multiple_of3A, %dma_start3A_12] : memref<10240x16xf32, #tpu.memory_space<hbm>> -> memref<640x16xf32, #tpu.memory_space<hbm>>
      tpu.enqueue_dma source(%dma_start3A_13 : memref<640x16xf32, #tpu.memory_space<hbm>>) target(%dma_start3A_11 : memref<640x16xf32, #tpu.memory_space<vmem_shared>>) target_semaphore(%run_scoped3A : memref<!tpu.dma_semaphore, #tpu.memory_space<semaphore_mem>>)
      %dma_wait3A = arith.constant 0 : i32
      %dma_wait3A_14 = tpu.memref_slice %arg10[%multiple_of3A, %dma_wait3A] : memref<10240x16xf32, #tpu.memory_space<vmem_shared>> -> memref<640x16xf32, #tpu.memory_space<vmem_shared>>
      %dma_wait3A_15 = arith.constant 0 : i32
      %dma_wait3A_16 = tpu.memref_slice %arg5[%multiple_of3A, %dma_wait3A_15] : memref<10240x16xf32, #tpu.memory_space<hbm>> -> memref<640x16xf32, #tpu.memory_space<hbm>>
      tpu.wait_dma2 semaphore(%run_scoped3A : memref<!tpu.dma_semaphore, #tpu.memory_space<semaphore_mem>>) src(%dma_wait3A_16 : memref<640x16xf32, #tpu.memory_space<hbm>>) dst(%dma_wait3A_14 : memref<640x16xf32, #tpu.memory_space<vmem_shared>>)
      tpu.yield
    }) : () -> ()
    %barrier3A = arith.constant 0 : index
    tpu.barrier barrier_id(%barrier3A)
    %mul3A_3 = arith.constant 10000 : i32
    %mul3A_4 = arith.muli %add3A, %mul3A_3 : i32
    %scan3A = arith.constant 0 : i32
    %scan3A_5 = arith.constant 0 : i32
    %scan3A_6 = arith.constant 125 : i32
    %scan3A_7 = arith.addi %scan3A_5, %scan3A_6 : i32
    %scan3A_8 = arith.constant 1 : i32
    scf.for %scan3A_11 = %scan3A_5 to %scan3A_7 step %scan3A_8  : i32 {
      %mul3A_12 = arith.constant 80 : i32
      %mul3A_13 = arith.muli %scan3A_11, %mul3A_12 : i32
      %add3A_14 = arith.addi %mul3A_4, %mul3A_13 : i32
      %multiple_of3A_15 = tpu.assume_multiple %add3A_14, 8 : i32
      "tpu.region"() ({
        %run_scoped3A = tpu.sem_alloc : memref<!tpu.dma_semaphore, #tpu.memory_space<semaphore_mem>>
        %dma_start3A = tpu.memref_slice %arg3[%multiple_of3A_15] : memref<320000xi32, #tpu.memory_space<hbm>> -> memref<80xi32, #tpu.memory_space<hbm>>
        %dma_start3A_16 = tpu.memref_slice %arg3[%multiple_of3A_15] : memref<320000xi32, #tpu.memory_space<hbm>> -> memref<80xi32, #tpu.memory_space<hbm>>
        tpu.enqueue_dma source(%dma_start3A_16 : memref<80xi32, #tpu.memory_space<hbm>>) target(%arg7 : memref<80xi32, #tpu.memory_space<vmem>>) target_semaphore(%run_scoped3A : memref<!tpu.dma_semaphore, #tpu.memory_space<semaphore_mem>>)
        %dma_wait3A = tpu.memref_slice %arg3[%multiple_of3A_15] : memref<320000xi32, #tpu.memory_space<hbm>> -> memref<80xi32, #tpu.memory_space<hbm>>
        %dma_wait3A_17 = tpu.memref_slice %arg3[%multiple_of3A_15] : memref<320000xi32, #tpu.memory_space<hbm>> -> memref<80xi32, #tpu.memory_space<hbm>>
        tpu.wait_dma2 semaphore(%run_scoped3A : memref<!tpu.dma_semaphore, #tpu.memory_space<semaphore_mem>>) src(%dma_wait3A_17 : memref<80xi32, #tpu.memory_space<hbm>>) dst(%arg7 : memref<80xi32, #tpu.memory_space<vmem>>)
        tpu.yield
      }) : () -> ()
      "tpu.region"() ({
        %run_scoped3A = tpu.sem_alloc : memref<!tpu.dma_semaphore, #tpu.memory_space<semaphore_mem>>
        %dma_start3A = tpu.memref_slice %arg4[%multiple_of3A_15] : memref<320000xi32, #tpu.memory_space<hbm>> -> memref<80xi32, #tpu.memory_space<hbm>>
        %dma_start3A_16 = tpu.memref_slice %arg4[%multiple_of3A_15] : memref<320000xi32, #tpu.memory_space<hbm>> -> memref<80xi32, #tpu.memory_space<hbm>>
        tpu.enqueue_dma source(%dma_start3A_16 : memref<80xi32, #tpu.memory_space<hbm>>) target(%arg8 : memref<80xi32, #tpu.memory_space<vmem>>) target_semaphore(%run_scoped3A : memref<!tpu.dma_semaphore, #tpu.memory_space<semaphore_mem>>)
        %dma_wait3A = tpu.memref_slice %arg4[%multiple_of3A_15] : memref<320000xi32, #tpu.memory_space<hbm>> -> memref<80xi32, #tpu.memory_space<hbm>>
        %dma_wait3A_17 = tpu.memref_slice %arg4[%multiple_of3A_15] : memref<320000xi32, #tpu.memory_space<hbm>> -> memref<80xi32, #tpu.memory_space<hbm>>
        tpu.wait_dma2 semaphore(%run_scoped3A : memref<!tpu.dma_semaphore, #tpu.memory_space<semaphore_mem>>) src(%dma_wait3A_17 : memref<80xi32, #tpu.memory_space<hbm>>) dst(%arg8 : memref<80xi32, #tpu.memory_space<vmem>>)
        tpu.yield
      }) : () -> ()
      "tpu.region"() ({
        %run_scoped3A = tpu.sem_alloc : memref<!tpu.dma_semaphore, #tpu.memory_space<semaphore_mem>>
        %dma_start3A = arith.constant 0 : i32
        %dma_start3A_16 = arith.constant 0 : i32
        %dma_start3A_17 = tpu.memref_slice %arg2[%dma_start3A, %dma_start3A_16] : memref<10240x16xf32, #tpu.memory_space<hbm>> -> memref<10240x16xf32, #tpu.memory_space<hbm>>
        tpu.enqueue_indirect_dma source(%dma_start3A_17 : memref<10240x16xf32, #tpu.memory_space<hbm>>) target(%arg9 : memref<80x16xf32, #tpu.memory_space<vmem>>) offsets(%arg7 : memref<80xi32, #tpu.memory_space<vmem>>) semaphore(%run_scoped3A : memref<!tpu.dma_semaphore, #tpu.memory_space<semaphore_mem>>)
        %dma_wait3A = arith.constant 0 : i32
        %dma_wait3A_18 = arith.constant 0 : i32
        %dma_wait3A_19 = tpu.memref_slice %arg2[%dma_wait3A, %dma_wait3A_18] : memref<10240x16xf32, #tpu.memory_space<hbm>> -> memref<10240x16xf32, #tpu.memory_space<hbm>>
        tpu.wait_indirect_dma semaphore(%run_scoped3A : memref<!tpu.dma_semaphore, #tpu.memory_space<semaphore_mem>>) src(%dma_wait3A_19 : memref<10240x16xf32, #tpu.memory_space<hbm>>) dst(%arg9 : memref<80x16xf32, #tpu.memory_space<vmem>>)
        tpu.yield
      }) : () -> ()
      "tpu.region"() ({
        %run_scoped3A = tpu.sem_alloc : memref<!tpu.dma_semaphore, #tpu.memory_space<semaphore_mem>>
        %dma_start3A = arith.constant 0 : i32
        %dma_start3A_16 = arith.constant 0 : i32
        %dma_start3A_17 = tpu.memref_slice %arg10[%dma_start3A, %dma_start3A_16] : memref<10240x16xf32, #tpu.memory_space<vmem_shared>> -> memref<10240x16xf32, #tpu.memory_space<vmem_shared>>
        tpu.enqueue_indirect_dma source(%arg9 : memref<80x16xf32, #tpu.memory_space<vmem>>) target(%dma_start3A_17 : memref<10240x16xf32, #tpu.memory_space<vmem_shared>>) offsets(%arg8 : memref<80xi32, #tpu.memory_space<vmem>>) semaphore(%run_scoped3A : memref<!tpu.dma_semaphore, #tpu.memory_space<semaphore_mem>>) {add = true}
        %dma_wait3A = arith.constant 0 : i32
        %dma_wait3A_18 = arith.constant 0 : i32
        %dma_wait3A_19 = tpu.memref_slice %arg10[%dma_wait3A, %dma_wait3A_18] : memref<10240x16xf32, #tpu.memory_space<vmem_shared>> -> memref<10240x16xf32, #tpu.memory_space<vmem_shared>>
        tpu.wait_indirect_dma semaphore(%run_scoped3A : memref<!tpu.dma_semaphore, #tpu.memory_space<semaphore_mem>>) src(%arg9 : memref<80x16xf32, #tpu.memory_space<vmem>>) dst(%dma_wait3A_19 : memref<10240x16xf32, #tpu.memory_space<vmem_shared>>)
        tpu.yield
      }) : () -> ()
    }
    %scan3A_9 = arith.constant 125 : i32
    %barrier3A_10 = arith.constant 0 : index
    tpu.barrier barrier_id(%barrier3A_10)
    "tpu.region"() ({
      %run_scoped3A = tpu.sem_alloc : memref<!tpu.dma_semaphore, #tpu.memory_space<semaphore_mem>>
      %dma_start3A = arith.constant 0 : i32
      %dma_start3A_11 = tpu.memref_slice %arg6[%arg0, %multiple_of3A, %dma_start3A] : memref<2x10240x16xf32, #tpu.memory_space<hbm>> -> memref<1x640x16xf32, #tpu.memory_space<hbm>>
      %dma_start3A_12 = tpu.memref_squeeze %dma_start3A_11 : memref<1x640x16xf32, #tpu.memory_space<hbm>> -> memref<640x16xf32, #tpu.memory_space<hbm>>
      %dma_start3A_13 = arith.constant 0 : i32
      %dma_start3A_14 = tpu.memref_slice %arg10[%multiple_of3A, %dma_start3A_13] : memref<10240x16xf32, #tpu.memory_space<vmem_shared>> -> memref<640x16xf32, #tpu.memory_space<vmem_shared>>
      tpu.enqueue_dma source(%dma_start3A_14 : memref<640x16xf32, #tpu.memory_space<vmem_shared>>) target(%dma_start3A_12 : memref<640x16xf32, #tpu.memory_space<hbm>>) target_semaphore(%run_scoped3A : memref<!tpu.dma_semaphore, #tpu.memory_space<semaphore_mem>>)
      %dma_wait3A = arith.constant 0 : i32
      %dma_wait3A_15 = tpu.memref_slice %arg6[%arg0, %multiple_of3A, %dma_wait3A] : memref<2x10240x16xf32, #tpu.memory_space<hbm>> -> memref<1x640x16xf32, #tpu.memory_space<hbm>>
      %dma_wait3A_16 = tpu.memref_squeeze %dma_wait3A_15 : memref<1x640x16xf32, #tpu.memory_space<hbm>> -> memref<640x16xf32, #tpu.memory_space<hbm>>
      %dma_wait3A_17 = arith.constant 0 : i32
      %dma_wait3A_18 = tpu.memref_slice %arg10[%multiple_of3A, %dma_wait3A_17] : memref<10240x16xf32, #tpu.memory_space<vmem_shared>> -> memref<640x16xf32, #tpu.memory_space<vmem_shared>>
      tpu.wait_dma2 semaphore(%run_scoped3A : memref<!tpu.dma_semaphore, #tpu.memory_space<semaphore_mem>>) src(%dma_wait3A_18 : memref<640x16xf32, #tpu.memory_space<vmem_shared>>) dst(%dma_wait3A_16 : memref<640x16xf32, #tpu.memory_space<hbm>>)
      tpu.yield
    }) : () -> ()
    return
  }
}

#map = affine_map<(d0, d1) -> (0, 0)>
#map1 = affine_map<(d0, d1) -> (0)>
#map2 = affine_map<(d0, d1) -> (0, 0, 0)>
module attributes {stable_mosaic.version = 14 : i64} {
  func.func @k(%arg0: i32, %arg1: i32, %arg2: memref<10240x32xf32, #tpu.memory_space<hbm>>, %arg3: memref<320000xi32, #tpu.memory_space<hbm>>, %arg4: memref<320000xi32, #tpu.memory_space<hbm>>, %arg5: memref<10240x32xf32, #tpu.memory_space<hbm>>, %arg6: memref<2x10240x32xf32, #tpu.memory_space<hbm>>, %arg7: memref<80xi32, #tpu.memory_space<vmem>>, %arg8: memref<80xi32, #tpu.memory_space<vmem>>, %arg9: memref<80x32xf32, #tpu.memory_space<vmem>>, %arg10: memref<10240x32xf32, #tpu.memory_space<vmem_shared>>) attributes {dimension_semantics = [#tpu.dimension_semantics<core_parallel>, #tpu.dimension_semantics<subcore_parallel>], iteration_bounds = array<i64: 2, 16>, scalar_prefetch = 0 : i64, scratch_operands = 4 : i64, tpu.core_type = #tpu.core_type<sc_vector_subcore>, window_params = [{transform_indices = #map}, {transform_indices = #map1}, {transform_indices = #map1}, {transform_indices = #map}, {transform_indices = #map2}]} {
    %mul3A = arith.constant 2 : i32
    %mul3A_0 = arith.muli %arg1, %mul3A : i32
    %add3A = arith.addi %mul3A_0, %arg0 : i32
    %mul3A_1 = arith.constant 640 : i32
    %mul3A_2 = arith.muli %arg1, %mul3A_1 : i32
    %multiple_of3A = tpu.assume_multiple %mul3A_2, 8 : i32
    "tpu.region"() ({
      %run_scoped3A = tpu.sem_alloc : memref<!tpu.dma_semaphore, #tpu.memory_space<semaphore_mem>>
      %dma_start3A = arith.constant 0 : i32
      %dma_start3A_11 = tpu.memref_slice %arg10[%multiple_of3A, %dma_start3A] : memref<10240x32xf32, #tpu.memory_space<vmem_shared>> -> memref<640x32xf32, #tpu.memory_space<vmem_shared>>
      %dma_start3A_12 = arith.constant 0 : i32
      %dma_start3A_13 = tpu.memref_slice %arg5[%multiple_of3A, %dma_start3A_12] : memref<10240x32xf32, #tpu.memory_space<hbm>> -> memref<640x32xf32, #tpu.memory_space<hbm>>
      tpu.enqueue_dma source(%dma_start3A_13 : memref<640x32xf32, #tpu.memory_space<hbm>>) target(%dma_start3A_11 : memref<640x32xf32, #tpu.memory_space<vmem_shared>>) target_semaphore(%run_scoped3A : memref<!tpu.dma_semaphore, #tpu.memory_space<semaphore_mem>>)
      %dma_wait3A = arith.constant 0 : i32
      %dma_wait3A_14 = tpu.memref_slice %arg10[%multiple_of3A, %dma_wait3A] : memref<10240x32xf32, #tpu.memory_space<vmem_shared>> -> memref<640x32xf32, #tpu.memory_space<vmem_shared>>
      %dma_wait3A_15 = arith.constant 0 : i32
      %dma_wait3A_16 = tpu.memref_slice %arg5[%multiple_of3A, %dma_wait3A_15] : memref<10240x32xf32, #tpu.memory_space<hbm>> -> memref<640x32xf32, #tpu.memory_space<hbm>>
      tpu.wait_dma2 semaphore(%run_scoped3A : memref<!tpu.dma_semaphore, #tpu.memory_space<semaphore_mem>>) src(%dma_wait3A_16 : memref<640x32xf32, #tpu.memory_space<hbm>>) dst(%dma_wait3A_14 : memref<640x32xf32, #tpu.memory_space<vmem_shared>>)
      tpu.yield
    }) : () -> ()
    %barrier3A = arith.constant 0 : index
    tpu.barrier barrier_id(%barrier3A)
    %mul3A_3 = arith.constant 10000 : i32
    %mul3A_4 = arith.muli %add3A, %mul3A_3 : i32
    %scan3A = arith.constant 0 : i32
    %scan3A_5 = arith.constant 0 : i32
    %scan3A_6 = arith.constant 125 : i32
    %scan3A_7 = arith.addi %scan3A_5, %scan3A_6 : i32
    %scan3A_8 = arith.constant 1 : i32
    scf.for %scan3A_11 = %scan3A_5 to %scan3A_7 step %scan3A_8  : i32 {
      %mul3A_12 = arith.constant 80 : i32
      %mul3A_13 = arith.muli %scan3A_11, %mul3A_12 : i32
      %add3A_14 = arith.addi %mul3A_4, %mul3A_13 : i32
      %multiple_of3A_15 = tpu.assume_multiple %add3A_14, 8 : i32
      "tpu.region"() ({
        %run_scoped3A = tpu.sem_alloc : memref<!tpu.dma_semaphore, #tpu.memory_space<semaphore_mem>>
        %dma_start3A = tpu.memref_slice %arg3[%multiple_of3A_15] : memref<320000xi32, #tpu.memory_space<hbm>> -> memref<80xi32, #tpu.memory_space<hbm>>
        %dma_start3A_16 = tpu.memref_slice %arg3[%multiple_of3A_15] : memref<320000xi32, #tpu.memory_space<hbm>> -> memref<80xi32, #tpu.memory_space<hbm>>
        tpu.enqueue_dma source(%dma_start3A_16 : memref<80xi32, #tpu.memory_space<hbm>>) target(%arg7 : memref<80xi32, #tpu.memory_space<vmem>>) target_semaphore(%run_scoped3A : memref<!tpu.dma_semaphore, #tpu.memory_space<semaphore_mem>>)
        %dma_wait3A = tpu.memref_slice %arg3[%multiple_of3A_15] : memref<320000xi32, #tpu.memory_space<hbm>> -> memref<80xi32, #tpu.memory_space<hbm>>
        %dma_wait3A_17 = tpu.memref_slice %arg3[%multiple_of3A_15] : memref<320000xi32, #tpu.memory_space<hbm>> -> memref<80xi32, #tpu.memory_space<hbm>>
        tpu.wait_dma2 semaphore(%run_scoped3A : memref<!tpu.dma_semaphore, #tpu.memory_space<semaphore_mem>>) src(%dma_wait3A_17 : memref<80xi32, #tpu.memory_space<hbm>>) dst(%arg7 : memref<80xi32, #tpu.memory_space<vmem>>)
        tpu.yield
      }) : () -> ()
      "tpu.region"() ({
        %run_scoped3A = tpu.sem_alloc : memref<!tpu.dma_semaphore, #tpu.memory_space<semaphore_mem>>
        %dma_start3A = tpu.memref_slice %arg4[%multiple_of3A_15] : memref<320000xi32, #tpu.memory_space<hbm>> -> memref<80xi32, #tpu.memory_space<hbm>>
        %dma_start3A_16 = tpu.memref_slice %arg4[%multiple_of3A_15] : memref<320000xi32, #tpu.memory_space<hbm>> -> memref<80xi32, #tpu.memory_space<hbm>>
        tpu.enqueue_dma source(%dma_start3A_16 : memref<80xi32, #tpu.memory_space<hbm>>) target(%arg8 : memref<80xi32, #tpu.memory_space<vmem>>) target_semaphore(%run_scoped3A : memref<!tpu.dma_semaphore, #tpu.memory_space<semaphore_mem>>)
        %dma_wait3A = tpu.memref_slice %arg4[%multiple_of3A_15] : memref<320000xi32, #tpu.memory_space<hbm>> -> memref<80xi32, #tpu.memory_space<hbm>>
        %dma_wait3A_17 = tpu.memref_slice %arg4[%multiple_of3A_15] : memref<320000xi32, #tpu.memory_space<hbm>> -> memref<80xi32, #tpu.memory_space<hbm>>
        tpu.wait_dma2 semaphore(%run_scoped3A : memref<!tpu.dma_semaphore, #tpu.memory_space<semaphore_mem>>) src(%dma_wait3A_17 : memref<80xi32, #tpu.memory_space<hbm>>) dst(%arg8 : memref<80xi32, #tpu.memory_space<vmem>>)
        tpu.yield
      }) : () -> ()
      "tpu.region"() ({
        %run_scoped3A = tpu.sem_alloc : memref<!tpu.dma_semaphore, #tpu.memory_space<semaphore_mem>>
        %dma_start3A = arith.constant 0 : i32
        %dma_start3A_16 = arith.constant 0 : i32
        %dma_start3A_17 = tpu.memref_slice %arg2[%dma_start3A, %dma_start3A_16] : memref<10240x32xf32, #tpu.memory_space<hbm>> -> memref<10240x32xf32, #tpu.memory_space<hbm>>
        tpu.enqueue_indirect_dma source(%dma_start3A_17 : memref<10240x32xf32, #tpu.memory_space<hbm>>) target(%arg9 : memref<80x32xf32, #tpu.memory_space<vmem>>) offsets(%arg7 : memref<80xi32, #tpu.memory_space<vmem>>) semaphore(%run_scoped3A : memref<!tpu.dma_semaphore, #tpu.memory_space<semaphore_mem>>)
        %dma_wait3A = arith.constant 0 : i32
        %dma_wait3A_18 = arith.constant 0 : i32
        %dma_wait3A_19 = tpu.memref_slice %arg2[%dma_wait3A, %dma_wait3A_18] : memref<10240x32xf32, #tpu.memory_space<hbm>> -> memref<10240x32xf32, #tpu.memory_space<hbm>>
        tpu.wait_indirect_dma semaphore(%run_scoped3A : memref<!tpu.dma_semaphore, #tpu.memory_space<semaphore_mem>>) src(%dma_wait3A_19 : memref<10240x32xf32, #tpu.memory_space<hbm>>) dst(%arg9 : memref<80x32xf32, #tpu.memory_space<vmem>>)
        tpu.yield
      }) : () -> ()
      "tpu.region"() ({
        %run_scoped3A = tpu.sem_alloc : memref<!tpu.dma_semaphore, #tpu.memory_space<semaphore_mem>>
        %dma_start3A = arith.constant 0 : i32
        %dma_start3A_16 = arith.constant 0 : i32
        %dma_start3A_17 = tpu.memref_slice %arg10[%dma_start3A, %dma_start3A_16] : memref<10240x32xf32, #tpu.memory_space<vmem_shared>> -> memref<10240x32xf32, #tpu.memory_space<vmem_shared>>
        tpu.enqueue_indirect_dma source(%arg9 : memref<80x32xf32, #tpu.memory_space<vmem>>) target(%dma_start3A_17 : memref<10240x32xf32, #tpu.memory_space<vmem_shared>>) offsets(%arg8 : memref<80xi32, #tpu.memory_space<vmem>>) semaphore(%run_scoped3A : memref<!tpu.dma_semaphore, #tpu.memory_space<semaphore_mem>>) {add = true}
        %dma_wait3A = arith.constant 0 : i32
        %dma_wait3A_18 = arith.constant 0 : i32
        %dma_wait3A_19 = tpu.memref_slice %arg10[%dma_wait3A, %dma_wait3A_18] : memref<10240x32xf32, #tpu.memory_space<vmem_shared>> -> memref<10240x32xf32, #tpu.memory_space<vmem_shared>>
        tpu.wait_indirect_dma semaphore(%run_scoped3A : memref<!tpu.dma_semaphore, #tpu.memory_space<semaphore_mem>>) src(%arg9 : memref<80x32xf32, #tpu.memory_space<vmem>>) dst(%dma_wait3A_19 : memref<10240x32xf32, #tpu.memory_space<vmem_shared>>)
        tpu.yield
      }) : () -> ()
    }
    %scan3A_9 = arith.constant 125 : i32
    %barrier3A_10 = arith.constant 0 : index
    tpu.barrier barrier_id(%barrier3A_10)
    "tpu.region"() ({
      %run_scoped3A = tpu.sem_alloc : memref<!tpu.dma_semaphore, #tpu.memory_space<semaphore_mem>>
      %dma_start3A = arith.constant 0 : i32
      %dma_start3A_11 = tpu.memref_slice %arg6[%arg0, %multiple_of3A, %dma_start3A] : memref<2x10240x32xf32, #tpu.memory_space<hbm>> -> memref<1x640x32xf32, #tpu.memory_space<hbm>>
      %dma_start3A_12 = tpu.memref_squeeze %dma_start3A_11 : memref<1x640x32xf32, #tpu.memory_space<hbm>> -> memref<640x32xf32, #tpu.memory_space<hbm>>
      %dma_start3A_13 = arith.constant 0 : i32
      %dma_start3A_14 = tpu.memref_slice %arg10[%multiple_of3A, %dma_start3A_13] : memref<10240x32xf32, #tpu.memory_space<vmem_shared>> -> memref<640x32xf32, #tpu.memory_space<vmem_shared>>
      tpu.enqueue_dma source(%dma_start3A_14 : memref<640x32xf32, #tpu.memory_space<vmem_shared>>) target(%dma_start3A_12 : memref<640x32xf32, #tpu.memory_space<hbm>>) target_semaphore(%run_scoped3A : memref<!tpu.dma_semaphore, #tpu.memory_space<semaphore_mem>>)
      %dma_wait3A = arith.constant 0 : i32
      %dma_wait3A_15 = tpu.memref_slice %arg6[%arg0, %multiple_of3A, %dma_wait3A] : memref<2x10240x32xf32, #tpu.memory_space<hbm>> -> memref<1x640x32xf32, #tpu.memory_space<hbm>>
      %dma_wait3A_16 = tpu.memref_squeeze %dma_wait3A_15 : memref<1x640x32xf32, #tpu.memory_space<hbm>> -> memref<640x32xf32, #tpu.memory_space<hbm>>
      %dma_wait3A_17 = arith.constant 0 : i32
      %dma_wait3A_18 = tpu.memref_slice %arg10[%multiple_of3A, %dma_wait3A_17] : memref<10240x32xf32, #tpu.memory_space<vmem_shared>> -> memref<640x32xf32, #tpu.memory_space<vmem_shared>>
      tpu.wait_dma2 semaphore(%run_scoped3A : memref<!tpu.dma_semaphore, #tpu.memory_space<semaphore_mem>>) src(%dma_wait3A_18 : memref<640x32xf32, #tpu.memory_space<vmem_shared>>) dst(%dma_wait3A_16 : memref<640x32xf32, #tpu.memory_space<hbm>>)
      tpu.yield
    }) : () -> ()
    return
  }
}

#map = affine_map<(d0, d1) -> (0, 0)>
#map1 = affine_map<(d0, d1) -> (0)>
#map2 = affine_map<(d0, d1) -> (0, 0, 0)>
module attributes {stable_mosaic.version = 14 : i64} {
  func.func @k(%arg0: i32, %arg1: i32, %arg2: memref<10240x32xf32, #tpu.memory_space<hbm>>, %arg3: memref<320000xi32, #tpu.memory_space<hbm>>, %arg4: memref<320000xi32, #tpu.memory_space<hbm>>, %arg5: memref<10240x32xf32, #tpu.memory_space<hbm>>, %arg6: memref<2x10240x32xf32, #tpu.memory_space<hbm>>, %arg7: memref<80xi32, #tpu.memory_space<vmem>>, %arg8: memref<80xi32, #tpu.memory_space<vmem>>, %arg9: memref<80x32xf32, #tpu.memory_space<vmem>>, %arg10: memref<10240x32xf32, #tpu.memory_space<vmem_shared>>) attributes {dimension_semantics = [#tpu.dimension_semantics<core_parallel>, #tpu.dimension_semantics<subcore_parallel>], iteration_bounds = array<i64: 2, 16>, scalar_prefetch = 0 : i64, scratch_operands = 4 : i64, tpu.core_type = #tpu.core_type<sc_vector_subcore>, window_params = [{transform_indices = #map}, {transform_indices = #map1}, {transform_indices = #map1}, {transform_indices = #map}, {transform_indices = #map2}]} {
    %mul3A = arith.constant 2 : i32
    %mul3A_0 = arith.muli %arg1, %mul3A : i32
    %add3A = arith.addi %mul3A_0, %arg0 : i32
    %mul3A_1 = arith.constant 640 : i32
    %mul3A_2 = arith.muli %arg1, %mul3A_1 : i32
    %multiple_of3A = tpu.assume_multiple %mul3A_2, 8 : i32
    "tpu.region"() ({
      %run_scoped3A = tpu.sem_alloc : memref<!tpu.dma_semaphore, #tpu.memory_space<semaphore_mem>>
      %dma_start3A = arith.constant 0 : i32
      %dma_start3A_11 = tpu.memref_slice %arg10[%multiple_of3A, %dma_start3A] : memref<10240x32xf32, #tpu.memory_space<vmem_shared>> -> memref<640x32xf32, #tpu.memory_space<vmem_shared>>
      %dma_start3A_12 = arith.constant 0 : i32
      %dma_start3A_13 = tpu.memref_slice %arg5[%multiple_of3A, %dma_start3A_12] : memref<10240x32xf32, #tpu.memory_space<hbm>> -> memref<640x32xf32, #tpu.memory_space<hbm>>
      tpu.enqueue_dma source(%dma_start3A_13 : memref<640x32xf32, #tpu.memory_space<hbm>>) target(%dma_start3A_11 : memref<640x32xf32, #tpu.memory_space<vmem_shared>>) target_semaphore(%run_scoped3A : memref<!tpu.dma_semaphore, #tpu.memory_space<semaphore_mem>>)
      %dma_wait3A = arith.constant 0 : i32
      %dma_wait3A_14 = tpu.memref_slice %arg10[%multiple_of3A, %dma_wait3A] : memref<10240x32xf32, #tpu.memory_space<vmem_shared>> -> memref<640x32xf32, #tpu.memory_space<vmem_shared>>
      %dma_wait3A_15 = arith.constant 0 : i32
      %dma_wait3A_16 = tpu.memref_slice %arg5[%multiple_of3A, %dma_wait3A_15] : memref<10240x32xf32, #tpu.memory_space<hbm>> -> memref<640x32xf32, #tpu.memory_space<hbm>>
      tpu.wait_dma2 semaphore(%run_scoped3A : memref<!tpu.dma_semaphore, #tpu.memory_space<semaphore_mem>>) src(%dma_wait3A_16 : memref<640x32xf32, #tpu.memory_space<hbm>>) dst(%dma_wait3A_14 : memref<640x32xf32, #tpu.memory_space<vmem_shared>>)
      tpu.yield
    }) : () -> ()
    %barrier3A = arith.constant 0 : index
    tpu.barrier barrier_id(%barrier3A)
    %mul3A_3 = arith.constant 10000 : i32
    %mul3A_4 = arith.muli %add3A, %mul3A_3 : i32
    %scan3A = arith.constant 0 : i32
    %scan3A_5 = arith.constant 0 : i32
    %scan3A_6 = arith.constant 125 : i32
    %scan3A_7 = arith.addi %scan3A_5, %scan3A_6 : i32
    %scan3A_8 = arith.constant 1 : i32
    scf.for %scan3A_11 = %scan3A_5 to %scan3A_7 step %scan3A_8  : i32 {
      %mul3A_12 = arith.constant 80 : i32
      %mul3A_13 = arith.muli %scan3A_11, %mul3A_12 : i32
      %add3A_14 = arith.addi %mul3A_4, %mul3A_13 : i32
      %multiple_of3A_15 = tpu.assume_multiple %add3A_14, 8 : i32
      "tpu.region"() ({
        %run_scoped3A = tpu.sem_alloc : memref<!tpu.dma_semaphore, #tpu.memory_space<semaphore_mem>>
        %dma_start3A = tpu.memref_slice %arg3[%multiple_of3A_15] : memref<320000xi32, #tpu.memory_space<hbm>> -> memref<80xi32, #tpu.memory_space<hbm>>
        %dma_start3A_16 = tpu.memref_slice %arg3[%multiple_of3A_15] : memref<320000xi32, #tpu.memory_space<hbm>> -> memref<80xi32, #tpu.memory_space<hbm>>
        tpu.enqueue_dma source(%dma_start3A_16 : memref<80xi32, #tpu.memory_space<hbm>>) target(%arg7 : memref<80xi32, #tpu.memory_space<vmem>>) target_semaphore(%run_scoped3A : memref<!tpu.dma_semaphore, #tpu.memory_space<semaphore_mem>>)
        %dma_wait3A = tpu.memref_slice %arg3[%multiple_of3A_15] : memref<320000xi32, #tpu.memory_space<hbm>> -> memref<80xi32, #tpu.memory_space<hbm>>
        %dma_wait3A_17 = tpu.memref_slice %arg3[%multiple_of3A_15] : memref<320000xi32, #tpu.memory_space<hbm>> -> memref<80xi32, #tpu.memory_space<hbm>>
        tpu.wait_dma2 semaphore(%run_scoped3A : memref<!tpu.dma_semaphore, #tpu.memory_space<semaphore_mem>>) src(%dma_wait3A_17 : memref<80xi32, #tpu.memory_space<hbm>>) dst(%arg7 : memref<80xi32, #tpu.memory_space<vmem>>)
        tpu.yield
      }) : () -> ()
      "tpu.region"() ({
        %run_scoped3A = tpu.sem_alloc : memref<!tpu.dma_semaphore, #tpu.memory_space<semaphore_mem>>
        %dma_start3A = tpu.memref_slice %arg4[%multiple_of3A_15] : memref<320000xi32, #tpu.memory_space<hbm>> -> memref<80xi32, #tpu.memory_space<hbm>>
        %dma_start3A_16 = tpu.memref_slice %arg4[%multiple_of3A_15] : memref<320000xi32, #tpu.memory_space<hbm>> -> memref<80xi32, #tpu.memory_space<hbm>>
        tpu.enqueue_dma source(%dma_start3A_16 : memref<80xi32, #tpu.memory_space<hbm>>) target(%arg8 : memref<80xi32, #tpu.memory_space<vmem>>) target_semaphore(%run_scoped3A : memref<!tpu.dma_semaphore, #tpu.memory_space<semaphore_mem>>)
        %dma_wait3A = tpu.memref_slice %arg4[%multiple_of3A_15] : memref<320000xi32, #tpu.memory_space<hbm>> -> memref<80xi32, #tpu.memory_space<hbm>>
        %dma_wait3A_17 = tpu.memref_slice %arg4[%multiple_of3A_15] : memref<320000xi32, #tpu.memory_space<hbm>> -> memref<80xi32, #tpu.memory_space<hbm>>
        tpu.wait_dma2 semaphore(%run_scoped3A : memref<!tpu.dma_semaphore, #tpu.memory_space<semaphore_mem>>) src(%dma_wait3A_17 : memref<80xi32, #tpu.memory_space<hbm>>) dst(%arg8 : memref<80xi32, #tpu.memory_space<vmem>>)
        tpu.yield
      }) : () -> ()
      "tpu.region"() ({
        %run_scoped3A = tpu.sem_alloc : memref<!tpu.dma_semaphore, #tpu.memory_space<semaphore_mem>>
        %dma_start3A = arith.constant 0 : i32
        %dma_start3A_16 = arith.constant 0 : i32
        %dma_start3A_17 = tpu.memref_slice %arg2[%dma_start3A, %dma_start3A_16] : memref<10240x32xf32, #tpu.memory_space<hbm>> -> memref<10240x32xf32, #tpu.memory_space<hbm>>
        tpu.enqueue_indirect_dma source(%dma_start3A_17 : memref<10240x32xf32, #tpu.memory_space<hbm>>) target(%arg9 : memref<80x32xf32, #tpu.memory_space<vmem>>) offsets(%arg7 : memref<80xi32, #tpu.memory_space<vmem>>) semaphore(%run_scoped3A : memref<!tpu.dma_semaphore, #tpu.memory_space<semaphore_mem>>)
        %dma_wait3A = arith.constant 0 : i32
        %dma_wait3A_18 = arith.constant 0 : i32
        %dma_wait3A_19 = tpu.memref_slice %arg2[%dma_wait3A, %dma_wait3A_18] : memref<10240x32xf32, #tpu.memory_space<hbm>> -> memref<10240x32xf32, #tpu.memory_space<hbm>>
        tpu.wait_indirect_dma semaphore(%run_scoped3A : memref<!tpu.dma_semaphore, #tpu.memory_space<semaphore_mem>>) src(%dma_wait3A_19 : memref<10240x32xf32, #tpu.memory_space<hbm>>) dst(%arg9 : memref<80x32xf32, #tpu.memory_space<vmem>>)
        tpu.yield
      }) : () -> ()
      "tpu.region"() ({
        %run_scoped3A = tpu.sem_alloc : memref<!tpu.dma_semaphore, #tpu.memory_space<semaphore_mem>>
        %dma_start3A = arith.constant 0 : i32
        %dma_start3A_16 = arith.constant 0 : i32
        %dma_start3A_17 = tpu.memref_slice %arg10[%dma_start3A, %dma_start3A_16] : memref<10240x32xf32, #tpu.memory_space<vmem_shared>> -> memref<10240x32xf32, #tpu.memory_space<vmem_shared>>
        tpu.enqueue_indirect_dma source(%arg9 : memref<80x32xf32, #tpu.memory_space<vmem>>) target(%dma_start3A_17 : memref<10240x32xf32, #tpu.memory_space<vmem_shared>>) offsets(%arg8 : memref<80xi32, #tpu.memory_space<vmem>>) semaphore(%run_scoped3A : memref<!tpu.dma_semaphore, #tpu.memory_space<semaphore_mem>>) {add = true}
        %dma_wait3A = arith.constant 0 : i32
        %dma_wait3A_18 = arith.constant 0 : i32
        %dma_wait3A_19 = tpu.memref_slice %arg10[%dma_wait3A, %dma_wait3A_18] : memref<10240x32xf32, #tpu.memory_space<vmem_shared>> -> memref<10240x32xf32, #tpu.memory_space<vmem_shared>>
        tpu.wait_indirect_dma semaphore(%run_scoped3A : memref<!tpu.dma_semaphore, #tpu.memory_space<semaphore_mem>>) src(%arg9 : memref<80x32xf32, #tpu.memory_space<vmem>>) dst(%dma_wait3A_19 : memref<10240x32xf32, #tpu.memory_space<vmem_shared>>)
        tpu.yield
      }) : () -> ()
    }
    %scan3A_9 = arith.constant 125 : i32
    %barrier3A_10 = arith.constant 0 : index
    tpu.barrier barrier_id(%barrier3A_10)
    "tpu.region"() ({
      %run_scoped3A = tpu.sem_alloc : memref<!tpu.dma_semaphore, #tpu.memory_space<semaphore_mem>>
      %dma_start3A = arith.constant 0 : i32
      %dma_start3A_11 = tpu.memref_slice %arg6[%arg0, %multiple_of3A, %dma_start3A] : memref<2x10240x32xf32, #tpu.memory_space<hbm>> -> memref<1x640x32xf32, #tpu.memory_space<hbm>>
      %dma_start3A_12 = tpu.memref_squeeze %dma_start3A_11 : memref<1x640x32xf32, #tpu.memory_space<hbm>> -> memref<640x32xf32, #tpu.memory_space<hbm>>
      %dma_start3A_13 = arith.constant 0 : i32
      %dma_start3A_14 = tpu.memref_slice %arg10[%multiple_of3A, %dma_start3A_13] : memref<10240x32xf32, #tpu.memory_space<vmem_shared>> -> memref<640x32xf32, #tpu.memory_space<vmem_shared>>
      tpu.enqueue_dma source(%dma_start3A_14 : memref<640x32xf32, #tpu.memory_space<vmem_shared>>) target(%dma_start3A_12 : memref<640x32xf32, #tpu.memory_space<hbm>>) target_semaphore(%run_scoped3A : memref<!tpu.dma_semaphore, #tpu.memory_space<semaphore_mem>>)
      %dma_wait3A = arith.constant 0 : i32
      %dma_wait3A_15 = tpu.memref_slice %arg6[%arg0, %multiple_of3A, %dma_wait3A] : memref<2x10240x32xf32, #tpu.memory_space<hbm>> -> memref<1x640x32xf32, #tpu.memory_space<hbm>>
      %dma_wait3A_16 = tpu.memref_squeeze %dma_wait3A_15 : memref<1x640x32xf32, #tpu.memory_space<hbm>> -> memref<640x32xf32, #tpu.memory_space<hbm>>
      %dma_wait3A_17 = arith.constant 0 : i32
      %dma_wait3A_18 = tpu.memref_slice %arg10[%multiple_of3A, %dma_wait3A_17] : memref<10240x32xf32, #tpu.memory_space<vmem_shared>> -> memref<640x32xf32, #tpu.memory_space<vmem_shared>>
      tpu.wait_dma2 semaphore(%run_scoped3A : memref<!tpu.dma_semaphore, #tpu.memory_space<semaphore_mem>>) src(%dma_wait3A_18 : memref<640x32xf32, #tpu.memory_space<vmem_shared>>) dst(%dma_wait3A_16 : memref<640x32xf32, #tpu.memory_space<hbm>>)
      tpu.yield
    }) : () -> ()
    return
  }
}

#map = affine_map<(d0, d1) -> (0, 0)>
#map1 = affine_map<(d0, d1) -> (0)>
#map2 = affine_map<(d0, d1) -> (0, 0, 0)>
module attributes {stable_mosaic.version = 14 : i64} {
  func.func @k(%arg0: i32, %arg1: i32, %arg2: memref<10240x16xf32, #tpu.memory_space<hbm>>, %arg3: memref<320000xi32, #tpu.memory_space<hbm>>, %arg4: memref<320000xi32, #tpu.memory_space<hbm>>, %arg5: memref<10240x16xf32, #tpu.memory_space<hbm>>, %arg6: memref<2x10240x16xf32, #tpu.memory_space<hbm>>, %arg7: memref<80xi32, #tpu.memory_space<vmem>>, %arg8: memref<80xi32, #tpu.memory_space<vmem>>, %arg9: memref<80x16xf32, #tpu.memory_space<vmem>>, %arg10: memref<10240x16xf32, #tpu.memory_space<vmem_shared>>) attributes {dimension_semantics = [#tpu.dimension_semantics<core_parallel>, #tpu.dimension_semantics<subcore_parallel>], iteration_bounds = array<i64: 2, 16>, scalar_prefetch = 0 : i64, scratch_operands = 4 : i64, tpu.core_type = #tpu.core_type<sc_vector_subcore>, window_params = [{transform_indices = #map}, {transform_indices = #map1}, {transform_indices = #map1}, {transform_indices = #map}, {transform_indices = #map2}]} {
    %mul3A = arith.constant 2 : i32
    %mul3A_0 = arith.muli %arg1, %mul3A : i32
    %add3A = arith.addi %mul3A_0, %arg0 : i32
    %mul3A_1 = arith.constant 640 : i32
    %mul3A_2 = arith.muli %arg1, %mul3A_1 : i32
    %multiple_of3A = tpu.assume_multiple %mul3A_2, 8 : i32
    "tpu.region"() ({
      %run_scoped3A = tpu.sem_alloc : memref<!tpu.dma_semaphore, #tpu.memory_space<semaphore_mem>>
      %dma_start3A = arith.constant 0 : i32
      %dma_start3A_11 = tpu.memref_slice %arg10[%multiple_of3A, %dma_start3A] : memref<10240x16xf32, #tpu.memory_space<vmem_shared>> -> memref<640x16xf32, #tpu.memory_space<vmem_shared>>
      %dma_start3A_12 = arith.constant 0 : i32
      %dma_start3A_13 = tpu.memref_slice %arg5[%multiple_of3A, %dma_start3A_12] : memref<10240x16xf32, #tpu.memory_space<hbm>> -> memref<640x16xf32, #tpu.memory_space<hbm>>
      tpu.enqueue_dma source(%dma_start3A_13 : memref<640x16xf32, #tpu.memory_space<hbm>>) target(%dma_start3A_11 : memref<640x16xf32, #tpu.memory_space<vmem_shared>>) target_semaphore(%run_scoped3A : memref<!tpu.dma_semaphore, #tpu.memory_space<semaphore_mem>>)
      %dma_wait3A = arith.constant 0 : i32
      %dma_wait3A_14 = tpu.memref_slice %arg10[%multiple_of3A, %dma_wait3A] : memref<10240x16xf32, #tpu.memory_space<vmem_shared>> -> memref<640x16xf32, #tpu.memory_space<vmem_shared>>
      %dma_wait3A_15 = arith.constant 0 : i32
      %dma_wait3A_16 = tpu.memref_slice %arg5[%multiple_of3A, %dma_wait3A_15] : memref<10240x16xf32, #tpu.memory_space<hbm>> -> memref<640x16xf32, #tpu.memory_space<hbm>>
      tpu.wait_dma2 semaphore(%run_scoped3A : memref<!tpu.dma_semaphore, #tpu.memory_space<semaphore_mem>>) src(%dma_wait3A_16 : memref<640x16xf32, #tpu.memory_space<hbm>>) dst(%dma_wait3A_14 : memref<640x16xf32, #tpu.memory_space<vmem_shared>>)
      tpu.yield
    }) : () -> ()
    %barrier3A = arith.constant 0 : index
    tpu.barrier barrier_id(%barrier3A)
    %mul3A_3 = arith.constant 10000 : i32
    %mul3A_4 = arith.muli %add3A, %mul3A_3 : i32
    %scan3A = arith.constant 0 : i32
    %scan3A_5 = arith.constant 0 : i32
    %scan3A_6 = arith.constant 125 : i32
    %scan3A_7 = arith.addi %scan3A_5, %scan3A_6 : i32
    %scan3A_8 = arith.constant 1 : i32
    scf.for %scan3A_11 = %scan3A_5 to %scan3A_7 step %scan3A_8  : i32 {
      %mul3A_12 = arith.constant 80 : i32
      %mul3A_13 = arith.muli %scan3A_11, %mul3A_12 : i32
      %add3A_14 = arith.addi %mul3A_4, %mul3A_13 : i32
      %multiple_of3A_15 = tpu.assume_multiple %add3A_14, 8 : i32
      "tpu.region"() ({
        %run_scoped3A = tpu.sem_alloc : memref<!tpu.dma_semaphore, #tpu.memory_space<semaphore_mem>>
        %dma_start3A = tpu.memref_slice %arg3[%multiple_of3A_15] : memref<320000xi32, #tpu.memory_space<hbm>> -> memref<80xi32, #tpu.memory_space<hbm>>
        %dma_start3A_16 = tpu.memref_slice %arg3[%multiple_of3A_15] : memref<320000xi32, #tpu.memory_space<hbm>> -> memref<80xi32, #tpu.memory_space<hbm>>
        tpu.enqueue_dma source(%dma_start3A_16 : memref<80xi32, #tpu.memory_space<hbm>>) target(%arg7 : memref<80xi32, #tpu.memory_space<vmem>>) target_semaphore(%run_scoped3A : memref<!tpu.dma_semaphore, #tpu.memory_space<semaphore_mem>>)
        %dma_wait3A = tpu.memref_slice %arg3[%multiple_of3A_15] : memref<320000xi32, #tpu.memory_space<hbm>> -> memref<80xi32, #tpu.memory_space<hbm>>
        %dma_wait3A_17 = tpu.memref_slice %arg3[%multiple_of3A_15] : memref<320000xi32, #tpu.memory_space<hbm>> -> memref<80xi32, #tpu.memory_space<hbm>>
        tpu.wait_dma2 semaphore(%run_scoped3A : memref<!tpu.dma_semaphore, #tpu.memory_space<semaphore_mem>>) src(%dma_wait3A_17 : memref<80xi32, #tpu.memory_space<hbm>>) dst(%arg7 : memref<80xi32, #tpu.memory_space<vmem>>)
        tpu.yield
      }) : () -> ()
      "tpu.region"() ({
        %run_scoped3A = tpu.sem_alloc : memref<!tpu.dma_semaphore, #tpu.memory_space<semaphore_mem>>
        %dma_start3A = tpu.memref_slice %arg4[%multiple_of3A_15] : memref<320000xi32, #tpu.memory_space<hbm>> -> memref<80xi32, #tpu.memory_space<hbm>>
        %dma_start3A_16 = tpu.memref_slice %arg4[%multiple_of3A_15] : memref<320000xi32, #tpu.memory_space<hbm>> -> memref<80xi32, #tpu.memory_space<hbm>>
        tpu.enqueue_dma source(%dma_start3A_16 : memref<80xi32, #tpu.memory_space<hbm>>) target(%arg8 : memref<80xi32, #tpu.memory_space<vmem>>) target_semaphore(%run_scoped3A : memref<!tpu.dma_semaphore, #tpu.memory_space<semaphore_mem>>)
        %dma_wait3A = tpu.memref_slice %arg4[%multiple_of3A_15] : memref<320000xi32, #tpu.memory_space<hbm>> -> memref<80xi32, #tpu.memory_space<hbm>>
        %dma_wait3A_17 = tpu.memref_slice %arg4[%multiple_of3A_15] : memref<320000xi32, #tpu.memory_space<hbm>> -> memref<80xi32, #tpu.memory_space<hbm>>
        tpu.wait_dma2 semaphore(%run_scoped3A : memref<!tpu.dma_semaphore, #tpu.memory_space<semaphore_mem>>) src(%dma_wait3A_17 : memref<80xi32, #tpu.memory_space<hbm>>) dst(%arg8 : memref<80xi32, #tpu.memory_space<vmem>>)
        tpu.yield
      }) : () -> ()
      "tpu.region"() ({
        %run_scoped3A = tpu.sem_alloc : memref<!tpu.dma_semaphore, #tpu.memory_space<semaphore_mem>>
        %dma_start3A = arith.constant 0 : i32
        %dma_start3A_16 = arith.constant 0 : i32
        %dma_start3A_17 = tpu.memref_slice %arg2[%dma_start3A, %dma_start3A_16] : memref<10240x16xf32, #tpu.memory_space<hbm>> -> memref<10240x16xf32, #tpu.memory_space<hbm>>
        tpu.enqueue_indirect_dma source(%dma_start3A_17 : memref<10240x16xf32, #tpu.memory_space<hbm>>) target(%arg9 : memref<80x16xf32, #tpu.memory_space<vmem>>) offsets(%arg7 : memref<80xi32, #tpu.memory_space<vmem>>) semaphore(%run_scoped3A : memref<!tpu.dma_semaphore, #tpu.memory_space<semaphore_mem>>)
        %dma_wait3A = arith.constant 0 : i32
        %dma_wait3A_18 = arith.constant 0 : i32
        %dma_wait3A_19 = tpu.memref_slice %arg2[%dma_wait3A, %dma_wait3A_18] : memref<10240x16xf32, #tpu.memory_space<hbm>> -> memref<10240x16xf32, #tpu.memory_space<hbm>>
        tpu.wait_indirect_dma semaphore(%run_scoped3A : memref<!tpu.dma_semaphore, #tpu.memory_space<semaphore_mem>>) src(%dma_wait3A_19 : memref<10240x16xf32, #tpu.memory_space<hbm>>) dst(%arg9 : memref<80x16xf32, #tpu.memory_space<vmem>>)
        tpu.yield
      }) : () -> ()
      "tpu.region"() ({
        %run_scoped3A = tpu.sem_alloc : memref<!tpu.dma_semaphore, #tpu.memory_space<semaphore_mem>>
        %dma_start3A = arith.constant 0 : i32
        %dma_start3A_16 = arith.constant 0 : i32
        %dma_start3A_17 = tpu.memref_slice %arg10[%dma_start3A, %dma_start3A_16] : memref<10240x16xf32, #tpu.memory_space<vmem_shared>> -> memref<10240x16xf32, #tpu.memory_space<vmem_shared>>
        tpu.enqueue_indirect_dma source(%arg9 : memref<80x16xf32, #tpu.memory_space<vmem>>) target(%dma_start3A_17 : memref<10240x16xf32, #tpu.memory_space<vmem_shared>>) offsets(%arg8 : memref<80xi32, #tpu.memory_space<vmem>>) semaphore(%run_scoped3A : memref<!tpu.dma_semaphore, #tpu.memory_space<semaphore_mem>>) {add = true}
        %dma_wait3A = arith.constant 0 : i32
        %dma_wait3A_18 = arith.constant 0 : i32
        %dma_wait3A_19 = tpu.memref_slice %arg10[%dma_wait3A, %dma_wait3A_18] : memref<10240x16xf32, #tpu.memory_space<vmem_shared>> -> memref<10240x16xf32, #tpu.memory_space<vmem_shared>>
        tpu.wait_indirect_dma semaphore(%run_scoped3A : memref<!tpu.dma_semaphore, #tpu.memory_space<semaphore_mem>>) src(%arg9 : memref<80x16xf32, #tpu.memory_space<vmem>>) dst(%dma_wait3A_19 : memref<10240x16xf32, #tpu.memory_space<vmem_shared>>)
        tpu.yield
      }) : () -> ()
    }
    %scan3A_9 = arith.constant 125 : i32
    %barrier3A_10 = arith.constant 0 : index
    tpu.barrier barrier_id(%barrier3A_10)
    "tpu.region"() ({
      %run_scoped3A = tpu.sem_alloc : memref<!tpu.dma_semaphore, #tpu.memory_space<semaphore_mem>>
      %dma_start3A = arith.constant 0 : i32
      %dma_start3A_11 = tpu.memref_slice %arg6[%arg0, %multiple_of3A, %dma_start3A] : memref<2x10240x16xf32, #tpu.memory_space<hbm>> -> memref<1x640x16xf32, #tpu.memory_space<hbm>>
      %dma_start3A_12 = tpu.memref_squeeze %dma_start3A_11 : memref<1x640x16xf32, #tpu.memory_space<hbm>> -> memref<640x16xf32, #tpu.memory_space<hbm>>
      %dma_start3A_13 = arith.constant 0 : i32
      %dma_start3A_14 = tpu.memref_slice %arg10[%multiple_of3A, %dma_start3A_13] : memref<10240x16xf32, #tpu.memory_space<vmem_shared>> -> memref<640x16xf32, #tpu.memory_space<vmem_shared>>
      tpu.enqueue_dma source(%dma_start3A_14 : memref<640x16xf32, #tpu.memory_space<vmem_shared>>) target(%dma_start3A_12 : memref<640x16xf32, #tpu.memory_space<hbm>>) target_semaphore(%run_scoped3A : memref<!tpu.dma_semaphore, #tpu.memory_space<semaphore_mem>>)
      %dma_wait3A = arith.constant 0 : i32
      %dma_wait3A_15 = tpu.memref_slice %arg6[%arg0, %multiple_of3A, %dma_wait3A] : memref<2x10240x16xf32, #tpu.memory_space<hbm>> -> memref<1x640x16xf32, #tpu.memory_space<hbm>>
      %dma_wait3A_16 = tpu.memref_squeeze %dma_wait3A_15 : memref<1x640x16xf32, #tpu.memory_space<hbm>> -> memref<640x16xf32, #tpu.memory_space<hbm>>
      %dma_wait3A_17 = arith.constant 0 : i32
      %dma_wait3A_18 = tpu.memref_slice %arg10[%multiple_of3A, %dma_wait3A_17] : memref<10240x16xf32, #tpu.memory_space<vmem_shared>> -> memref<640x16xf32, #tpu.memory_space<vmem_shared>>
      tpu.wait_dma2 semaphore(%run_scoped3A : memref<!tpu.dma_semaphore, #tpu.memory_space<semaphore_mem>>) src(%dma_wait3A_18 : memref<640x16xf32, #tpu.memory_space<vmem_shared>>) dst(%dma_wait3A_16 : memref<640x16xf32, #tpu.memory_space<hbm>>)
      tpu.yield
    }) : () -> ()
    return
  }
}

module attributes {stable_mosaic.version = 14 : i64} {
  func.func @body(%arg0: memref<10240x128xf32, #tpu.memory_space<vmem>>, %arg1: memref<128x32xf32, #tpu.memory_space<vmem>>, %arg2: memref<2x10240x16xf32, #tpu.memory_space<vmem>>, %arg3: memref<10240x32xf32, #tpu.memory_space<vmem>>, %arg4: memref<10240x32xf32, #tpu.memory_space<vmem>>) attributes {dimension_semantics = [], scalar_prefetch = 0 : i64, scratch_operands = 0 : i64, tpu.core_type = #tpu.core_type<tc>} {
    %get3A = arith.constant 0 : index
    %get3A_0 = arith.constant 0 : index
    %get3A_1 = arith.constant 0 : index
    %get3A_2 = vector.load %arg2[%get3A, %get3A_0, %get3A_1] : memref<2x10240x16xf32, #tpu.memory_space<vmem>>, vector<1x10240x1xf32>
    %get3A_3 = vector.shape_cast %get3A_2 : vector<1x10240x1xf32> to vector<10240x1xf32>
    %get3A_4 = arith.constant 1 : index
    %get3A_5 = arith.constant 0 : index
    %get3A_6 = arith.constant 0 : index
    %get3A_7 = vector.load %arg2[%get3A_4, %get3A_5, %get3A_6] : memref<2x10240x16xf32, #tpu.memory_space<vmem>>, vector<1x10240x1xf32>
    %get3A_8 = vector.shape_cast %get3A_7 : vector<1x10240x1xf32> to vector<10240x1xf32>
    %add3A = arith.addf %get3A_3, %get3A_8 : vector<10240x1xf32>
    %add3A_9 = arith.constant 1.000000e+00 : f32
    %add3A_10 = vector.broadcast %add3A_9 : f32 to vector<10240x1xf32>
    %add3A_11 = arith.addf %add3A, %add3A_10 : vector<10240x1xf32>
    %rsqrt3A = math.rsqrt %add3A_11 : vector<10240x1xf32>
    %broadcast_in_dim3A = vector.shape_cast %rsqrt3A : vector<10240x1xf32> to vector<10240x1xf32>
    %broadcast_in_dim3A_12 = vector.broadcast %broadcast_in_dim3A : vector<10240x1xf32> to vector<10240x32xf32>
    %swap3A = arith.constant 0 : index
    %swap3A_13 = arith.constant 0 : index
    %swap3A_14 = vector.load %arg4[%swap3A, %swap3A_13] : memref<10240x32xf32, #tpu.memory_space<vmem>>, vector<10240x32xf32>
    tpu.vector_store %arg4[%swap3A, %swap3A_13], %broadcast_in_dim3A_12 {strides = array<i32>} : memref<10240x32xf32, #tpu.memory_space<vmem>>, vector<10240x32xf32>,
    %get3A_15 = arith.constant 0 : index
    %get3A_16 = arith.constant 0 : index
    %get3A_17 = vector.load %arg0[%get3A_15, %get3A_16] : memref<10240x128xf32, #tpu.memory_space<vmem>>, vector<10240x128xf32>
    %get3A_18 = arith.constant 0 : index
    %get3A_19 = arith.constant 0 : index
    %get3A_20 = vector.load %arg1[%get3A_18, %get3A_19] : memref<128x32xf32, #tpu.memory_space<vmem>>, vector<128x32xf32>
    %dot_general3A = arith.constant dense<0.000000e+00> : vector<10240x32xf32>
    %dot_general3A_21 = tpu.matmul %get3A_17, %get3A_20, %dot_general3A {dimension_numbers = #tpu.dot_dimension_numbers<[1], [0], [0], [1], [0, 0, 1, 1], [], []>, transpose_lhs_hint = false} : vector<10240x128xf32>, vector<128x32xf32>, vector<10240x32xf32> -> vector<10240x32xf32>
    %mul3A = arith.mulf %broadcast_in_dim3A_12, %dot_general3A_21 : vector<10240x32xf32>
    %swap3A_22 = arith.constant 0 : index
    %swap3A_23 = arith.constant 0 : index
    %swap3A_24 = vector.load %arg3[%swap3A_22, %swap3A_23] : memref<10240x32xf32, #tpu.memory_space<vmem>>, vector<10240x32xf32>
    tpu.vector_store %arg3[%swap3A_22, %swap3A_23], %mul3A {strides = array<i32>} : memref<10240x32xf32, #tpu.memory_space<vmem>>, vector<10240x32xf32>,
    return
  }
}

module attributes {stable_mosaic.version = 14 : i64} {
  func.func @body(%arg0: memref<2x10240x32xf32, #tpu.memory_space<vmem>>, %arg1: memref<10240x32xf32, #tpu.memory_space<vmem>>, %arg2: memref<10240x32xf32, #tpu.memory_space<vmem>>, %arg3: memref<1x32xf32, #tpu.memory_space<vmem>>, %arg4: memref<32x32xf32, #tpu.memory_space<vmem>>, %arg5: memref<10240x32xf32, #tpu.memory_space<vmem>>, %arg6: memref<10240x32xf32, #tpu.memory_space<vmem>>) attributes {dimension_semantics = [], scalar_prefetch = 0 : i64, scratch_operands = 0 : i64, tpu.core_type = #tpu.core_type<tc>} {
    %get3A = arith.constant 0 : index
    %get3A_0 = arith.constant 0 : index
    %get3A_1 = arith.constant 0 : index
    %get3A_2 = vector.load %arg0[%get3A, %get3A_0, %get3A_1] : memref<2x10240x32xf32, #tpu.memory_space<vmem>>, vector<1x10240x32xf32>
    %get3A_3 = vector.shape_cast %get3A_2 : vector<1x10240x32xf32> to vector<10240x32xf32>
    %get3A_4 = arith.constant 1 : index
    %get3A_5 = arith.constant 0 : index
    %get3A_6 = arith.constant 0 : index
    %get3A_7 = vector.load %arg0[%get3A_4, %get3A_5, %get3A_6] : memref<2x10240x32xf32, #tpu.memory_space<vmem>>, vector<1x10240x32xf32>
    %get3A_8 = vector.shape_cast %get3A_7 : vector<1x10240x32xf32> to vector<10240x32xf32>
    %add3A = arith.addf %get3A_3, %get3A_8 : vector<10240x32xf32>
    %get3A_9 = arith.constant 0 : index
    %get3A_10 = arith.constant 0 : index
    %get3A_11 = vector.load %arg2[%get3A_9, %get3A_10] : memref<10240x32xf32, #tpu.memory_space<vmem>>, vector<10240x32xf32>
    %get3A_12 = arith.constant 0 : index
    %get3A_13 = arith.constant 0 : index
    %get3A_14 = vector.load %arg1[%get3A_12, %get3A_13] : memref<10240x32xf32, #tpu.memory_space<vmem>>, vector<10240x32xf32>
    %add3A_15 = arith.addf %add3A, %get3A_14 : vector<10240x32xf32>
    %mul3A = arith.mulf %get3A_11, %add3A_15 : vector<10240x32xf32>
    %get3A_16 = arith.constant 0 : index
    %get3A_17 = arith.constant 0 : index
    %get3A_18 = vector.load %arg3[%get3A_16, %get3A_17] : memref<1x32xf32, #tpu.memory_space<vmem>>, vector<1x32xf32>
    %add3A_19 = vector.broadcast %get3A_18 : vector<1x32xf32> to vector<10240x32xf32>
    %add3A_20 = arith.addf %mul3A, %add3A_19 : vector<10240x32xf32>
    %tanh3A = math.tanh %add3A_20 : vector<10240x32xf32>
    %swap3A = arith.constant 0 : index
    %swap3A_21 = arith.constant 0 : index
    %swap3A_22 = vector.load %arg5[%swap3A, %swap3A_21] : memref<10240x32xf32, #tpu.memory_space<vmem>>, vector<10240x32xf32>
    tpu.vector_store %arg5[%swap3A, %swap3A_21], %tanh3A {strides = array<i32>} : memref<10240x32xf32, #tpu.memory_space<vmem>>, vector<10240x32xf32>,
    %get3A_23 = arith.constant 0 : index
    %get3A_24 = arith.constant 0 : index
    %get3A_25 = vector.load %arg4[%get3A_23, %get3A_24] : memref<32x32xf32, #tpu.memory_space<vmem>>, vector<32x32xf32>
    %dot_general3A = arith.constant dense<0.000000e+00> : vector<10240x32xf32>
    %dot_general3A_26 = tpu.matmul %tanh3A, %get3A_25, %dot_general3A {dimension_numbers = #tpu.dot_dimension_numbers<[1], [0], [0], [1], [0, 0, 1, 1], [], []>, transpose_lhs_hint = false} : vector<10240x32xf32>, vector<32x32xf32>, vector<10240x32xf32> -> vector<10240x32xf32>
    %get3A_27 = arith.constant 0 : index
    %get3A_28 = arith.constant 0 : index
    %get3A_29 = vector.load %arg2[%get3A_27, %get3A_28] : memref<10240x32xf32, #tpu.memory_space<vmem>>, vector<10240x32xf32>
    %mul3A_30 = arith.mulf %get3A_29, %dot_general3A_26 : vector<10240x32xf32>
    %swap3A_31 = arith.constant 0 : index
    %swap3A_32 = arith.constant 0 : index
    %swap3A_33 = vector.load %arg6[%swap3A_31, %swap3A_32] : memref<10240x32xf32, #tpu.memory_space<vmem>>, vector<10240x32xf32>
    tpu.vector_store %arg6[%swap3A_31, %swap3A_32], %mul3A_30 {strides = array<i32>} : memref<10240x32xf32, #tpu.memory_space<vmem>>, vector<10240x32xf32>,
    return
  }
}

module attributes {stable_mosaic.version = 14 : i64} {
  func.func @body(%arg0: memref<2x10240x32xf32, #tpu.memory_space<vmem>>, %arg1: memref<10240x32xf32, #tpu.memory_space<vmem>>, %arg2: memref<10240x32xf32, #tpu.memory_space<vmem>>, %arg3: memref<1x32xf32, #tpu.memory_space<vmem>>, %arg4: memref<32x16xf32, #tpu.memory_space<vmem>>, %arg5: memref<10240x32xf32, #tpu.memory_space<vmem>>, %arg6: memref<10240x16xf32, #tpu.memory_space<vmem>>) attributes {dimension_semantics = [], scalar_prefetch = 0 : i64, scratch_operands = 0 : i64, tpu.core_type = #tpu.core_type<tc>} {
    %get3A = arith.constant 0 : index
    %get3A_0 = arith.constant 0 : index
    %get3A_1 = arith.constant 0 : index
    %get3A_2 = vector.load %arg0[%get3A, %get3A_0, %get3A_1] : memref<2x10240x32xf32, #tpu.memory_space<vmem>>, vector<1x10240x32xf32>
    %get3A_3 = vector.shape_cast %get3A_2 : vector<1x10240x32xf32> to vector<10240x32xf32>
    %get3A_4 = arith.constant 1 : index
    %get3A_5 = arith.constant 0 : index
    %get3A_6 = arith.constant 0 : index
    %get3A_7 = vector.load %arg0[%get3A_4, %get3A_5, %get3A_6] : memref<2x10240x32xf32, #tpu.memory_space<vmem>>, vector<1x10240x32xf32>
    %get3A_8 = vector.shape_cast %get3A_7 : vector<1x10240x32xf32> to vector<10240x32xf32>
    %add3A = arith.addf %get3A_3, %get3A_8 : vector<10240x32xf32>
    %get3A_9 = arith.constant 0 : index
    %get3A_10 = arith.constant 0 : index
    %get3A_11 = vector.load %arg2[%get3A_9, %get3A_10] : memref<10240x32xf32, #tpu.memory_space<vmem>>, vector<10240x32xf32>
    %get3A_12 = arith.constant 0 : index
    %get3A_13 = arith.constant 0 : index
    %get3A_14 = vector.load %arg1[%get3A_12, %get3A_13] : memref<10240x32xf32, #tpu.memory_space<vmem>>, vector<10240x32xf32>
    %add3A_15 = arith.addf %add3A, %get3A_14 : vector<10240x32xf32>
    %mul3A = arith.mulf %get3A_11, %add3A_15 : vector<10240x32xf32>
    %get3A_16 = arith.constant 0 : index
    %get3A_17 = arith.constant 0 : index
    %get3A_18 = vector.load %arg3[%get3A_16, %get3A_17] : memref<1x32xf32, #tpu.memory_space<vmem>>, vector<1x32xf32>
    %add3A_19 = vector.broadcast %get3A_18 : vector<1x32xf32> to vector<10240x32xf32>
    %add3A_20 = arith.addf %mul3A, %add3A_19 : vector<10240x32xf32>
    %tanh3A = math.tanh %add3A_20 : vector<10240x32xf32>
    %swap3A = arith.constant 0 : index
    %swap3A_21 = arith.constant 0 : index
    %swap3A_22 = vector.load %arg5[%swap3A, %swap3A_21] : memref<10240x32xf32, #tpu.memory_space<vmem>>, vector<10240x32xf32>
    tpu.vector_store %arg5[%swap3A, %swap3A_21], %tanh3A {strides = array<i32>} : memref<10240x32xf32, #tpu.memory_space<vmem>>, vector<10240x32xf32>,
    %get3A_23 = arith.constant 0 : index
    %get3A_24 = arith.constant 0 : index
    %get3A_25 = vector.load %arg4[%get3A_23, %get3A_24] : memref<32x16xf32, #tpu.memory_space<vmem>>, vector<32x16xf32>
    %dot_general3A = arith.constant dense<0.000000e+00> : vector<10240x16xf32>
    %dot_general3A_26 = tpu.matmul %tanh3A, %get3A_25, %dot_general3A {dimension_numbers = #tpu.dot_dimension_numbers<[1], [0], [0], [1], [0, 0, 1, 1], [], []>, transpose_lhs_hint = false} : vector<10240x32xf32>, vector<32x16xf32>, vector<10240x16xf32> -> vector<10240x16xf32>
    %get3A_27 = arith.constant 0 : index
    %get3A_28 = arith.constant 0 : index
    %get3A_29 = vector.load %arg2[%get3A_27, %get3A_28] : memref<10240x32xf32, #tpu.memory_space<vmem>>, vector<10240x16xf32>
    %mul3A_30 = arith.mulf %get3A_29, %dot_general3A_26 : vector<10240x16xf32>
    %swap3A_31 = arith.constant 0 : index
    %swap3A_32 = arith.constant 0 : index
    %swap3A_33 = vector.load %arg6[%swap3A_31, %swap3A_32] : memref<10240x16xf32, #tpu.memory_space<vmem>>, vector<10240x16xf32>
    tpu.vector_store %arg6[%swap3A_31, %swap3A_32], %mul3A_30 {strides = array<i32>} : memref<10240x16xf32, #tpu.memory_space<vmem>>, vector<10240x16xf32>,
    return
  }
}

module attributes {stable_mosaic.version = 14 : i64} {
  func.func @body(%arg0: memref<2x10240x16xf32, #tpu.memory_space<vmem>>, %arg1: memref<10240x16xf32, #tpu.memory_space<vmem>>, %arg2: memref<10240x32xf32, #tpu.memory_space<vmem>>, %arg3: memref<1x16xf32, #tpu.memory_space<vmem>>, %arg4: memref<10240x16xf32, #tpu.memory_space<vmem>>) attributes {dimension_semantics = [], scalar_prefetch = 0 : i64, scratch_operands = 0 : i64, tpu.core_type = #tpu.core_type<tc>} {
    %get3A = arith.constant 0 : index
    %get3A_0 = arith.constant 0 : index
    %get3A_1 = arith.constant 0 : index
    %get3A_2 = vector.load %arg0[%get3A, %get3A_0, %get3A_1] : memref<2x10240x16xf32, #tpu.memory_space<vmem>>, vector<1x10240x16xf32>
    %get3A_3 = vector.shape_cast %get3A_2 : vector<1x10240x16xf32> to vector<10240x16xf32>
    %get3A_4 = arith.constant 1 : index
    %get3A_5 = arith.constant 0 : index
    %get3A_6 = arith.constant 0 : index
    %get3A_7 = vector.load %arg0[%get3A_4, %get3A_5, %get3A_6] : memref<2x10240x16xf32, #tpu.memory_space<vmem>>, vector<1x10240x16xf32>
    %get3A_8 = vector.shape_cast %get3A_7 : vector<1x10240x16xf32> to vector<10240x16xf32>
    %add3A = arith.addf %get3A_3, %get3A_8 : vector<10240x16xf32>
    %get3A_9 = arith.constant 0 : index
    %get3A_10 = arith.constant 0 : index
    %get3A_11 = vector.load %arg2[%get3A_9, %get3A_10] : memref<10240x32xf32, #tpu.memory_space<vmem>>, vector<10240x16xf32>
    %get3A_12 = arith.constant 0 : index
    %get3A_13 = arith.constant 0 : index
    %get3A_14 = vector.load %arg1[%get3A_12, %get3A_13] : memref<10240x16xf32, #tpu.memory_space<vmem>>, vector<10240x16xf32>
    %add3A_15 = arith.addf %add3A, %get3A_14 : vector<10240x16xf32>
    %mul3A = arith.mulf %get3A_11, %add3A_15 : vector<10240x16xf32>
    %get3A_16 = arith.constant 0 : index
    %get3A_17 = arith.constant 0 : index
    %get3A_18 = vector.load %arg3[%get3A_16, %get3A_17] : memref<1x16xf32, #tpu.memory_space<vmem>>, vector<1x16xf32>
    %add3A_19 = vector.broadcast %get3A_18 : vector<1x16xf32> to vector<10240x16xf32>
    %add3A_20 = arith.addf %mul3A, %add3A_19 : vector<10240x16xf32>
    %tanh3A = math.tanh %add3A_20 : vector<10240x16xf32>
    %swap3A = arith.constant 0 : index
    %swap3A_21 = arith.constant 0 : index
    %swap3A_22 = vector.load %arg4[%swap3A, %swap3A_21] : memref<10240x16xf32, #tpu.memory_space<vmem>>, vector<10240x16xf32>
    tpu.vector_store %arg4[%swap3A, %swap3A_21], %tanh3A {strides = array<i32>} : memref<10240x16xf32, #tpu.memory_space<vmem>>, vector<10240x16xf32>,
    return
  }
}

module attributes {stable_mosaic.version = 14 : i64} {
  func.func @body(%arg0: i32, %arg1: memref<10240x128xf32, #tpu.memory_space<vmem>>, %arg2: memref<8x1280xf32, #tpu.memory_space<vmem>>, %arg3: memref<8x1280xi32, #tpu.memory_space<vmem>>, %arg4: memref<128x16xf32, #tpu.memory_space<vmem>>, %arg5: memref<1x16xf32, #tpu.memory_space<vmem>>, %arg6: memref<80x32xf32, #tpu.memory_space<vmem>>, %arg7: memref<1x32xf32, #tpu.memory_space<vmem>>, %arg8: memref<352x128xf32, #tpu.memory_space<vmem>>, %arg9: memref<1x128xf32, #tpu.memory_space<vmem>>, %arg10: memref<128x128xf32, #tpu.memory_space<vmem>>, %arg11: memref<1x128xf32, #tpu.memory_space<vmem>>, %arg12: memref<1x1x128xf32, #tpu.memory_space<vmem>>) attributes {dimension_semantics = [#tpu.dimension_semantics<arbitrary>], iteration_bounds = array<i64: 128>, scalar_prefetch = 0 : i64, scratch_operands = 0 : i64, tpu.core_type = #tpu.core_type<tc>, window_params = [{pipeline_mode = #tpu.pipeline_mode<synchronous>, transform_indices = @transform_0, window_bounds = array<i64: 10240, 128>}, {pipeline_mode = #tpu.pipeline_mode<synchronous>, transform_indices = @transform_1, window_bounds = array<i64: 8, 1280>}, {pipeline_mode = #tpu.pipeline_mode<synchronous>, transform_indices = @transform_2, window_bounds = array<i64: 8, 1280>}, {pipeline_mode = #tpu.pipeline_mode<synchronous>, transform_indices = @transform_3, window_bounds = array<i64: 128, 16>}, {pipeline_mode = #tpu.pipeline_mode<synchronous>, transform_indices = @transform_4, window_bounds = array<i64: 1, 16>}, {pipeline_mode = #tpu.pipeline_mode<synchronous>, transform_indices = @transform_5, window_bounds = array<i64: 80, 32>}, {pipeline_mode = #tpu.pipeline_mode<synchronous>, transform_indices = @transform_6, window_bounds = array<i64: 1, 32>}, {pipeline_mode = #tpu.pipeline_mode<synchronous>, transform_indices = @transform_7, window_bounds = array<i64: 352, 128>}, {pipeline_mode = #tpu.pipeline_mode<synchronous>, transform_indices = @transform_8, window_bounds = array<i64: 1, 128>}, {pipeline_mode = #tpu.pipeline_mode<synchronous>, transform_indices = @transform_9, window_bounds = array<i64: 128, 128>}, {pipeline_mode = #tpu.pipeline_mode<synchronous>, transform_indices = @transform_10, window_bounds = array<i64: 1, 128>}, {transform_indices = @transform_11, window_bounds = array<i64: 1, 1, 128>}]} {
    %get3A = arith.constant 0 : index
    %get3A_0 = arith.constant 0 : index
    %get3A_1 = vector.load %arg3[%get3A, %get3A_0] : memref<8x1280xi32, #tpu.memory_space<vmem>>, vector<8x1280xi32>
    %eq3A = vector.broadcast %arg0 : i32 to vector<8x1280xi32>
    %eq3A_2 = arith.cmpi eq, %get3A_1, %eq3A : vector<8x1280xi32>
    %get3A_3 = arith.constant 0 : index
    %get3A_4 = arith.constant 0 : index
    %get3A_5 = vector.load %arg2[%get3A_3, %get3A_4] : memref<8x1280xf32, #tpu.memory_space<vmem>>, vector<8x1280xf32>
    %jit3A = arith.constant -1.000000e+30 : f32
    %broadcast_in_dim3A = vector.broadcast %jit3A : f32 to vector<8x1280xf32>
    %select_n3A = arith.select %eq3A_2, %get3A_5, %broadcast_in_dim3A : vector<8x1280xi1>, vector<8x1280xf32>
    %convert_element_type3A = arith.extui %eq3A_2 : vector<8x1280xi1> to vector<8x1280xi32>
    %reduce_sum3A = vector.shape_cast %convert_element_type3A : vector<8x1280xi32> to vector<1x8x1280xi32>
    %reduce_sum3A_6 = arith.constant dense<0> : vector<1xi32>
    %reduce_sum3A_7 = vector.multi_reduction <add>, %reduce_sum3A, %reduce_sum3A_6 [1, 2] : vector<1x8x1280xi32> to vector<1xi32>
    %reduce_sum3A_8 = vector.shape_cast %reduce_sum3A_7 : vector<1xi32> to vector<1x1x1xi32>
    %reduce_sum3A_9 = vector.extract %reduce_sum3A_8[0, 0, 0] : i32 from vector<1x1x1xi32>
    %iota3A = tpu.iota {dimensions = array<i32: 0>} : vector<8x1280xi32>
    %iota3A_10 = tpu.iota {dimensions = array<i32: 1>} : vector<8x1280xi32>
    %mul3A = arith.constant 1280 : i32
    %mul3A_11 = vector.broadcast %mul3A : i32 to vector<8x1280xi32>
    %mul3A_12 = arith.muli %iota3A, %mul3A_11 : vector<8x1280xi32>
    %add3A = arith.addi %mul3A_12, %iota3A_10 : vector<8x1280xi32>
    %reduce_max3A = vector.shape_cast %select_n3A : vector<8x1280xf32> to vector<1x8x1280xf32>
    %reduce_max3A_13 = arith.constant dense<0xFF800000> : vector<1xf32>
    %reduce_max3A_14 = vector.multi_reduction <maximumf>, %reduce_max3A, %reduce_max3A_13 [1, 2] : vector<1x8x1280xf32> to vector<1xf32>
    %reduce_max3A_15 = vector.shape_cast %reduce_max3A_14 : vector<1xf32> to vector<1x1x1xf32>
    %reduce_max3A_16 = vector.extract %reduce_max3A_15[0, 0, 0] : f32 from vector<1x1x1xf32>
    %eq3A_17 = vector.broadcast %reduce_max3A_16 : f32 to vector<8x1280xf32>
    %eq3A_18 = arith.cmpf oeq, %select_n3A, %eq3A_17 : vector<8x1280xf32>
    %jit3A_19 = arith.constant 10240 : i32
    %broadcast_in_dim3A_20 = vector.broadcast %jit3A_19 : i32 to vector<8x1280xi32>
    %select_n3A_21 = arith.select %eq3A_18, %add3A, %broadcast_in_dim3A_20 : vector<8x1280xi1>, vector<8x1280xi32>
    %reduce_min3A = vector.shape_cast %select_n3A_21 : vector<8x1280xi32> to vector<1x8x1280xi32>
    %reduce_min3A_22 = arith.constant dense<2147483647> : vector<1xi32>
    %reduce_min3A_23 = vector.multi_reduction <minsi>, %reduce_min3A, %reduce_min3A_22 [1, 2] : vector<1x8x1280xi32> to vector<1xi32>
    %reduce_min3A_24 = vector.shape_cast %reduce_min3A_23 : vector<1xi32> to vector<1x1x1xi32>
    %reduce_min3A_25 = vector.extract %reduce_min3A_24[0, 0, 0] : i32 from vector<1x1x1xi32>
    %broadcast_in_dim3A_26 = vector.broadcast %reduce_min3A_25 : i32 to vector<1x1xi32>
    %eq3A_27 = vector.broadcast %reduce_min3A_25 : i32 to vector<8x1280xi32>
    %eq3A_28 = arith.cmpi eq, %add3A, %eq3A_27 : vector<8x1280xi32>
    %jit3A_29 = arith.constant -1.000000e+30 : f32
    %broadcast_in_dim3A_30 = vector.broadcast %jit3A_29 : f32 to vector<8x1280xf32>
    %select_n3A_31 = arith.select %eq3A_28, %broadcast_in_dim3A_30, %select_n3A : vector<8x1280xi1>, vector<8x1280xf32>
    %reduce_max3A_32 = vector.shape_cast %select_n3A_31 : vector<8x1280xf32> to vector<1x8x1280xf32>
    %reduce_max3A_33 = arith.constant dense<0xFF800000> : vector<1xf32>
    %reduce_max3A_34 = vector.multi_reduction <maximumf>, %reduce_max3A_32, %reduce_max3A_33 [1, 2] : vector<1x8x1280xf32> to vector<1xf32>
    %reduce_max3A_35 = vector.shape_cast %reduce_max3A_34 : vector<1xf32> to vector<1x1x1xf32>
    %reduce_max3A_36 = vector.extract %reduce_max3A_35[0, 0, 0] : f32 from vector<1x1x1xf32>
    %eq3A_37 = vector.broadcast %reduce_max3A_36 : f32 to vector<8x1280xf32>
    %eq3A_38 = arith.cmpf oeq, %select_n3A_31, %eq3A_37 : vector<8x1280xf32>
    %jit3A_39 = arith.constant 10240 : i32
    %broadcast_in_dim3A_40 = vector.broadcast %jit3A_39 : i32 to vector<8x1280xi32>
    %select_n3A_41 = arith.select %eq3A_38, %add3A, %broadcast_in_dim3A_40 : vector<8x1280xi1>, vector<8x1280xi32>
    %reduce_min3A_42 = vector.shape_cast %select_n3A_41 : vector<8x1280xi32> to vector<1x8x1280xi32>
    %reduce_min3A_43 = arith.constant dense<2147483647> : vector<1xi32>
    %reduce_min3A_44 = vector.multi_reduction <minsi>, %reduce_min3A_42, %reduce_min3A_43 [1, 2] : vector<1x8x1280xi32> to vector<1xi32>
    %reduce_min3A_45 = vector.shape_cast %reduce_min3A_44 : vector<1xi32> to vector<1x1x1xi32>
    %reduce_min3A_46 = vector.extract %reduce_min3A_45[0, 0, 0] : i32 from vector<1x1x1xi32>
    %broadcast_in_dim3A_47 = vector.broadcast %reduce_min3A_46 : i32 to vector<1x1xi32>
    %eq3A_48 = vector.broadcast %reduce_min3A_46 : i32 to vector<8x1280xi32>
    %eq3A_49 = arith.cmpi eq, %add3A, %eq3A_48 : vector<8x1280xi32>
    %jit3A_50 = arith.constant -1.000000e+30 : f32
    %broadcast_in_dim3A_51 = vector.broadcast %jit3A_50 : f32 to vector<8x1280xf32>
    %select_n3A_52 = arith.select %eq3A_49, %broadcast_in_dim3A_51, %select_n3A_31 : vector<8x1280xi1>, vector<8x1280xf32>
    %reduce_max3A_53 = vector.shape_cast %select_n3A_52 : vector<8x1280xf32> to vector<1x8x1280xf32>
    %reduce_max3A_54 = arith.constant dense<0xFF800000> : vector<1xf32>
    %reduce_max3A_55 = vector.multi_reduction <maximumf>, %reduce_max3A_53, %reduce_max3A_54 [1, 2] : vector<1x8x1280xf32> to vector<1xf32>
    %reduce_max3A_56 = vector.shape_cast %reduce_max3A_55 : vector<1xf32> to vector<1x1x1xf32>
    %reduce_max3A_57 = vector.extract %reduce_max3A_56[0, 0, 0] : f32 from vector<1x1x1xf32>
    %eq3A_58 = vector.broadcast %reduce_max3A_57 : f32 to vector<8x1280xf32>
    %eq3A_59 = arith.cmpf oeq, %select_n3A_52, %eq3A_58 : vector<8x1280xf32>
    %jit3A_60 = arith.constant 10240 : i32
    %broadcast_in_dim3A_61 = vector.broadcast %jit3A_60 : i32 to vector<8x1280xi32>
    %select_n3A_62 = arith.select %eq3A_59, %add3A, %broadcast_in_dim3A_61 : vector<8x1280xi1>, vector<8x1280xi32>
    %reduce_min3A_63 = vector.shape_cast %select_n3A_62 : vector<8x1280xi32> to vector<1x8x1280xi32>
    %reduce_min3A_64 = arith.constant dense<2147483647> : vector<1xi32>
    %reduce_min3A_65 = vector.multi_reduction <minsi>, %reduce_min3A_63, %reduce_min3A_64 [1, 2] : vector<1x8x1280xi32> to vector<1xi32>
    %reduce_min3A_66 = vector.shape_cast %reduce_min3A_65 : vector<1xi32> to vector<1x1x1xi32>
    %reduce_min3A_67 = vector.extract %reduce_min3A_66[0, 0, 0] : i32 from vector<1x1x1xi32>
    %broadcast_in_dim3A_68 = vector.broadcast %reduce_min3A_67 : i32 to vector<1x1xi32>
    %eq3A_69 = vector.broadcast %reduce_min3A_67 : i32 to vector<8x1280xi32>
    %eq3A_70 = arith.cmpi eq, %add3A, %eq3A_69 : vector<8x1280xi32>
    %jit3A_71 = arith.constant -1.000000e+30 : f32
    %broadcast_in_dim3A_72 = vector.broadcast %jit3A_71 : f32 to vector<8x1280xf32>
    %select_n3A_73 = arith.select %eq3A_70, %broadcast_in_dim3A_72, %select_n3A_52 : vector<8x1280xi1>, vector<8x1280xf32>
    %reduce_max3A_74 = vector.shape_cast %select_n3A_73 : vector<8x1280xf32> to vector<1x8x1280xf32>
    %reduce_max3A_75 = arith.constant dense<0xFF800000> : vector<1xf32>
    %reduce_max3A_76 = vector.multi_reduction <maximumf>, %reduce_max3A_74, %reduce_max3A_75 [1, 2] : vector<1x8x1280xf32> to vector<1xf32>
    %reduce_max3A_77 = vector.shape_cast %reduce_max3A_76 : vector<1xf32> to vector<1x1x1xf32>
    %reduce_max3A_78 = vector.extract %reduce_max3A_77[0, 0, 0] : f32 from vector<1x1x1xf32>
    %eq3A_79 = vector.broadcast %reduce_max3A_78 : f32 to vector<8x1280xf32>
    %eq3A_80 = arith.cmpf oeq, %select_n3A_73, %eq3A_79 : vector<8x1280xf32>
    %jit3A_81 = arith.constant 10240 : i32
    %broadcast_in_dim3A_82 = vector.broadcast %jit3A_81 : i32 to vector<8x1280xi32>
    %select_n3A_83 = arith.select %eq3A_80, %add3A, %broadcast_in_dim3A_82 : vector<8x1280xi1>, vector<8x1280xi32>
    %reduce_min3A_84 = vector.shape_cast %select_n3A_83 : vector<8x1280xi32> to vector<1x8x1280xi32>
    %reduce_min3A_85 = arith.constant dense<2147483647> : vector<1xi32>
    %reduce_min3A_86 = vector.multi_reduction <minsi>, %reduce_min3A_84, %reduce_min3A_85 [1, 2] : vector<1x8x1280xi32> to vector<1xi32>
    %reduce_min3A_87 = vector.shape_cast %reduce_min3A_86 : vector<1xi32> to vector<1x1x1xi32>
    %reduce_min3A_88 = vector.extract %reduce_min3A_87[0, 0, 0] : i32 from vector<1x1x1xi32>
    %broadcast_in_dim3A_89 = vector.broadcast %reduce_min3A_88 : i32 to vector<1x1xi32>
    %eq3A_90 = vector.broadcast %reduce_min3A_88 : i32 to vector<8x1280xi32>
    %eq3A_91 = arith.cmpi eq, %add3A, %eq3A_90 : vector<8x1280xi32>
    %jit3A_92 = arith.constant -1.000000e+30 : f32
    %broadcast_in_dim3A_93 = vector.broadcast %jit3A_92 : f32 to vector<8x1280xf32>
    %select_n3A_94 = arith.select %eq3A_91, %broadcast_in_dim3A_93, %select_n3A_73 : vector<8x1280xi1>, vector<8x1280xf32>
    %reduce_max3A_95 = vector.shape_cast %select_n3A_94 : vector<8x1280xf32> to vector<1x8x1280xf32>
    %reduce_max3A_96 = arith.constant dense<0xFF800000> : vector<1xf32>
    %reduce_max3A_97 = vector.multi_reduction <maximumf>, %reduce_max3A_95, %reduce_max3A_96 [1, 2] : vector<1x8x1280xf32> to vector<1xf32>
    %reduce_max3A_98 = vector.shape_cast %reduce_max3A_97 : vector<1xf32> to vector<1x1x1xf32>
    %reduce_max3A_99 = vector.extract %reduce_max3A_98[0, 0, 0] : f32 from vector<1x1x1xf32>
    %eq3A_100 = vector.broadcast %reduce_max3A_99 : f32 to vector<8x1280xf32>
    %eq3A_101 = arith.cmpf oeq, %select_n3A_94, %eq3A_100 : vector<8x1280xf32>
    %jit3A_102 = arith.constant 10240 : i32
    %broadcast_in_dim3A_103 = vector.broadcast %jit3A_102 : i32 to vector<8x1280xi32>
    %select_n3A_104 = arith.select %eq3A_101, %add3A, %broadcast_in_dim3A_103 : vector<8x1280xi1>, vector<8x1280xi32>
    %reduce_min3A_105 = vector.shape_cast %select_n3A_104 : vector<8x1280xi32> to vector<1x8x1280xi32>
    %reduce_min3A_106 = arith.constant dense<2147483647> : vector<1xi32>
    %reduce_min3A_107 = vector.multi_reduction <minsi>, %reduce_min3A_105, %reduce_min3A_106 [1, 2] : vector<1x8x1280xi32> to vector<1xi32>
    %reduce_min3A_108 = vector.shape_cast %reduce_min3A_107 : vector<1xi32> to vector<1x1x1xi32>
    %reduce_min3A_109 = vector.extract %reduce_min3A_108[0, 0, 0] : i32 from vector<1x1x1xi32>
    %broadcast_in_dim3A_110 = vector.broadcast %reduce_min3A_109 : i32 to vector<1x1xi32>
    %eq3A_111 = vector.broadcast %reduce_min3A_109 : i32 to vector<8x1280xi32>
    %eq3A_112 = arith.cmpi eq, %add3A, %eq3A_111 : vector<8x1280xi32>
    %jit3A_113 = arith.constant -1.000000e+30 : f32
    %broadcast_in_dim3A_114 = vector.broadcast %jit3A_113 : f32 to vector<8x1280xf32>
    %select_n3A_115 = arith.select %eq3A_112, %broadcast_in_dim3A_114, %select_n3A_94 : vector<8x1280xi1>, vector<8x1280xf32>
    %reduce_max3A_116 = vector.shape_cast %select_n3A_115 : vector<8x1280xf32> to vector<1x8x1280xf32>
    %reduce_max3A_117 = arith.constant dense<0xFF800000> : vector<1xf32>
    %reduce_max3A_118 = vector.multi_reduction <maximumf>, %reduce_max3A_116, %reduce_max3A_117 [1, 2] : vector<1x8x1280xf32> to vector<1xf32>
    %reduce_max3A_119 = vector.shape_cast %reduce_max3A_118 : vector<1xf32> to vector<1x1x1xf32>
    %reduce_max3A_120 = vector.extract %reduce_max3A_119[0, 0, 0] : f32 from vector<1x1x1xf32>
    %eq3A_121 = vector.broadcast %reduce_max3A_120 : f32 to vector<8x1280xf32>
    %eq3A_122 = arith.cmpf oeq, %select_n3A_115, %eq3A_121 : vector<8x1280xf32>
    %jit3A_123 = arith.constant 10240 : i32
    %broadcast_in_dim3A_124 = vector.broadcast %jit3A_123 : i32 to vector<8x1280xi32>
    %select_n3A_125 = arith.select %eq3A_122, %add3A, %broadcast_in_dim3A_124 : vector<8x1280xi1>, vector<8x1280xi32>
    %reduce_min3A_126 = vector.shape_cast %select_n3A_125 : vector<8x1280xi32> to vector<1x8x1280xi32>
    %reduce_min3A_127 = arith.constant dense<2147483647> : vector<1xi32>
    %reduce_min3A_128 = vector.multi_reduction <minsi>, %reduce_min3A_126, %reduce_min3A_127 [1, 2] : vector<1x8x1280xi32> to vector<1xi32>
    %reduce_min3A_129 = vector.shape_cast %reduce_min3A_128 : vector<1xi32> to vector<1x1x1xi32>
    %reduce_min3A_130 = vector.extract %reduce_min3A_129[0, 0, 0] : i32 from vector<1x1x1xi32>
    %broadcast_in_dim3A_131 = vector.broadcast %reduce_min3A_130 : i32 to vector<1x1xi32>
    %eq3A_132 = vector.broadcast %reduce_min3A_130 : i32 to vector<8x1280xi32>
    %eq3A_133 = arith.cmpi eq, %add3A, %eq3A_132 : vector<8x1280xi32>
    %jit3A_134 = arith.constant -1.000000e+30 : f32
    %broadcast_in_dim3A_135 = vector.broadcast %jit3A_134 : f32 to vector<8x1280xf32>
    %select_n3A_136 = arith.select %eq3A_133, %broadcast_in_dim3A_135, %select_n3A_115 : vector<8x1280xi1>, vector<8x1280xf32>
    %reduce_max3A_137 = vector.shape_cast %select_n3A_136 : vector<8x1280xf32> to vector<1x8x1280xf32>
    %reduce_max3A_138 = arith.constant dense<0xFF800000> : vector<1xf32>
    %reduce_max3A_139 = vector.multi_reduction <maximumf>, %reduce_max3A_137, %reduce_max3A_138 [1, 2] : vector<1x8x1280xf32> to vector<1xf32>
    %reduce_max3A_140 = vector.shape_cast %reduce_max3A_139 : vector<1xf32> to vector<1x1x1xf32>
    %reduce_max3A_141 = vector.extract %reduce_max3A_140[0, 0, 0] : f32 from vector<1x1x1xf32>
    %eq3A_142 = vector.broadcast %reduce_max3A_141 : f32 to vector<8x1280xf32>
    %eq3A_143 = arith.cmpf oeq, %select_n3A_136, %eq3A_142 : vector<8x1280xf32>
    %jit3A_144 = arith.constant 10240 : i32
    %broadcast_in_dim3A_145 = vector.broadcast %jit3A_144 : i32 to vector<8x1280xi32>
    %select_n3A_146 = arith.select %eq3A_143, %add3A, %broadcast_in_dim3A_145 : vector<8x1280xi1>, vector<8x1280xi32>
    %reduce_min3A_147 = vector.shape_cast %select_n3A_146 : vector<8x1280xi32> to vector<1x8x1280xi32>
    %reduce_min3A_148 = arith.constant dense<2147483647> : vector<1xi32>
    %reduce_min3A_149 = vector.multi_reduction <minsi>, %reduce_min3A_147, %reduce_min3A_148 [1, 2] : vector<1x8x1280xi32> to vector<1xi32>
    %reduce_min3A_150 = vector.shape_cast %reduce_min3A_149 : vector<1xi32> to vector<1x1x1xi32>
    %reduce_min3A_151 = vector.extract %reduce_min3A_150[0, 0, 0] : i32 from vector<1x1x1xi32>
    %broadcast_in_dim3A_152 = vector.broadcast %reduce_min3A_151 : i32 to vector<1x1xi32>
    %eq3A_153 = vector.broadcast %reduce_min3A_151 : i32 to vector<8x1280xi32>
    %eq3A_154 = arith.cmpi eq, %add3A, %eq3A_153 : vector<8x1280xi32>
    %jit3A_155 = arith.constant -1.000000e+30 : f32
    %broadcast_in_dim3A_156 = vector.broadcast %jit3A_155 : f32 to vector<8x1280xf32>
    %select_n3A_157 = arith.select %eq3A_154, %broadcast_in_dim3A_156, %select_n3A_136 : vector<8x1280xi1>, vector<8x1280xf32>
    %reduce_max3A_158 = vector.shape_cast %select_n3A_157 : vector<8x1280xf32> to vector<1x8x1280xf32>
    %reduce_max3A_159 = arith.constant dense<0xFF800000> : vector<1xf32>
    %reduce_max3A_160 = vector.multi_reduction <maximumf>, %reduce_max3A_158, %reduce_max3A_159 [1, 2] : vector<1x8x1280xf32> to vector<1xf32>
    %reduce_max3A_161 = vector.shape_cast %reduce_max3A_160 : vector<1xf32> to vector<1x1x1xf32>
    %reduce_max3A_162 = vector.extract %reduce_max3A_161[0, 0, 0] : f32 from vector<1x1x1xf32>
    %eq3A_163 = vector.broadcast %reduce_max3A_162 : f32 to vector<8x1280xf32>
    %eq3A_164 = arith.cmpf oeq, %select_n3A_157, %eq3A_163 : vector<8x1280xf32>
    %jit3A_165 = arith.constant 10240 : i32
    %broadcast_in_dim3A_166 = vector.broadcast %jit3A_165 : i32 to vector<8x1280xi32>
    %select_n3A_167 = arith.select %eq3A_164, %add3A, %broadcast_in_dim3A_166 : vector<8x1280xi1>, vector<8x1280xi32>
    %reduce_min3A_168 = vector.shape_cast %select_n3A_167 : vector<8x1280xi32> to vector<1x8x1280xi32>
    %reduce_min3A_169 = arith.constant dense<2147483647> : vector<1xi32>
    %reduce_min3A_170 = vector.multi_reduction <minsi>, %reduce_min3A_168, %reduce_min3A_169 [1, 2] : vector<1x8x1280xi32> to vector<1xi32>
    %reduce_min3A_171 = vector.shape_cast %reduce_min3A_170 : vector<1xi32> to vector<1x1x1xi32>
    %reduce_min3A_172 = vector.extract %reduce_min3A_171[0, 0, 0] : i32 from vector<1x1x1xi32>
    %broadcast_in_dim3A_173 = vector.broadcast %reduce_min3A_172 : i32 to vector<1x1xi32>
    %eq3A_174 = vector.broadcast %reduce_min3A_172 : i32 to vector<8x1280xi32>
    %eq3A_175 = arith.cmpi eq, %add3A, %eq3A_174 : vector<8x1280xi32>
    %jit3A_176 = arith.constant -1.000000e+30 : f32
    %broadcast_in_dim3A_177 = vector.broadcast %jit3A_176 : f32 to vector<8x1280xf32>
    %select_n3A_178 = arith.select %eq3A_175, %broadcast_in_dim3A_177, %select_n3A_157 : vector<8x1280xi1>, vector<8x1280xf32>
    %reduce_max3A_179 = vector.shape_cast %select_n3A_178 : vector<8x1280xf32> to vector<1x8x1280xf32>
    %reduce_max3A_180 = arith.constant dense<0xFF800000> : vector<1xf32>
    %reduce_max3A_181 = vector.multi_reduction <maximumf>, %reduce_max3A_179, %reduce_max3A_180 [1, 2] : vector<1x8x1280xf32> to vector<1xf32>
    %reduce_max3A_182 = vector.shape_cast %reduce_max3A_181 : vector<1xf32> to vector<1x1x1xf32>
    %reduce_max3A_183 = vector.extract %reduce_max3A_182[0, 0, 0] : f32 from vector<1x1x1xf32>
    %eq3A_184 = vector.broadcast %reduce_max3A_183 : f32 to vector<8x1280xf32>
    %eq3A_185 = arith.cmpf oeq, %select_n3A_178, %eq3A_184 : vector<8x1280xf32>
    %jit3A_186 = arith.constant 10240 : i32
    %broadcast_in_dim3A_187 = vector.broadcast %jit3A_186 : i32 to vector<8x1280xi32>
    %select_n3A_188 = arith.select %eq3A_185, %add3A, %broadcast_in_dim3A_187 : vector<8x1280xi1>, vector<8x1280xi32>
    %reduce_min3A_189 = vector.shape_cast %select_n3A_188 : vector<8x1280xi32> to vector<1x8x1280xi32>
    %reduce_min3A_190 = arith.constant dense<2147483647> : vector<1xi32>
    %reduce_min3A_191 = vector.multi_reduction <minsi>, %reduce_min3A_189, %reduce_min3A_190 [1, 2] : vector<1x8x1280xi32> to vector<1xi32>
    %reduce_min3A_192 = vector.shape_cast %reduce_min3A_191 : vector<1xi32> to vector<1x1x1xi32>
    %reduce_min3A_193 = vector.extract %reduce_min3A_192[0, 0, 0] : i32 from vector<1x1x1xi32>
    %broadcast_in_dim3A_194 = vector.broadcast %reduce_min3A_193 : i32 to vector<1x1xi32>
    %eq3A_195 = vector.broadcast %reduce_min3A_193 : i32 to vector<8x1280xi32>
    %eq3A_196 = arith.cmpi eq, %add3A, %eq3A_195 : vector<8x1280xi32>
    %jit3A_197 = arith.constant -1.000000e+30 : f32
    %broadcast_in_dim3A_198 = vector.broadcast %jit3A_197 : f32 to vector<8x1280xf32>
    %select_n3A_199 = arith.select %eq3A_196, %broadcast_in_dim3A_198, %select_n3A_178 : vector<8x1280xi1>, vector<8x1280xf32>
    %reduce_max3A_200 = vector.shape_cast %select_n3A_199 : vector<8x1280xf32> to vector<1x8x1280xf32>
    %reduce_max3A_201 = arith.constant dense<0xFF800000> : vector<1xf32>
    %reduce_max3A_202 = vector.multi_reduction <maximumf>, %reduce_max3A_200, %reduce_max3A_201 [1, 2] : vector<1x8x1280xf32> to vector<1xf32>
    %reduce_max3A_203 = vector.shape_cast %reduce_max3A_202 : vector<1xf32> to vector<1x1x1xf32>
    %reduce_max3A_204 = vector.extract %reduce_max3A_203[0, 0, 0] : f32 from vector<1x1x1xf32>
    %eq3A_205 = vector.broadcast %reduce_max3A_204 : f32 to vector<8x1280xf32>
    %eq3A_206 = arith.cmpf oeq, %select_n3A_199, %eq3A_205 : vector<8x1280xf32>
    %jit3A_207 = arith.constant 10240 : i32
    %broadcast_in_dim3A_208 = vector.broadcast %jit3A_207 : i32 to vector<8x1280xi32>
    %select_n3A_209 = arith.select %eq3A_206, %add3A, %broadcast_in_dim3A_208 : vector<8x1280xi1>, vector<8x1280xi32>
    %reduce_min3A_210 = vector.shape_cast %select_n3A_209 : vector<8x1280xi32> to vector<1x8x1280xi32>
    %reduce_min3A_211 = arith.constant dense<2147483647> : vector<1xi32>
    %reduce_min3A_212 = vector.multi_reduction <minsi>, %reduce_min3A_210, %reduce_min3A_211 [1, 2] : vector<1x8x1280xi32> to vector<1xi32>
    %reduce_min3A_213 = vector.shape_cast %reduce_min3A_212 : vector<1xi32> to vector<1x1x1xi32>
    %reduce_min3A_214 = vector.extract %reduce_min3A_213[0, 0, 0] : i32 from vector<1x1x1xi32>
    %broadcast_in_dim3A_215 = vector.broadcast %reduce_min3A_214 : i32 to vector<1x1xi32>
    %eq3A_216 = vector.broadcast %reduce_min3A_214 : i32 to vector<8x1280xi32>
    %eq3A_217 = arith.cmpi eq, %add3A, %eq3A_216 : vector<8x1280xi32>
    %jit3A_218 = arith.constant -1.000000e+30 : f32
    %broadcast_in_dim3A_219 = vector.broadcast %jit3A_218 : f32 to vector<8x1280xf32>
    %select_n3A_220 = arith.select %eq3A_217, %broadcast_in_dim3A_219, %select_n3A_199 : vector<8x1280xi1>, vector<8x1280xf32>
    %reduce_max3A_221 = vector.shape_cast %select_n3A_220 : vector<8x1280xf32> to vector<1x8x1280xf32>
    %reduce_max3A_222 = arith.constant dense<0xFF800000> : vector<1xf32>
    %reduce_max3A_223 = vector.multi_reduction <maximumf>, %reduce_max3A_221, %reduce_max3A_222 [1, 2] : vector<1x8x1280xf32> to vector<1xf32>
    %reduce_max3A_224 = vector.shape_cast %reduce_max3A_223 : vector<1xf32> to vector<1x1x1xf32>
    %reduce_max3A_225 = vector.extract %reduce_max3A_224[0, 0, 0] : f32 from vector<1x1x1xf32>
    %eq3A_226 = vector.broadcast %reduce_max3A_225 : f32 to vector<8x1280xf32>
    %eq3A_227 = arith.cmpf oeq, %select_n3A_220, %eq3A_226 : vector<8x1280xf32>
    %jit3A_228 = arith.constant 10240 : i32
    %broadcast_in_dim3A_229 = vector.broadcast %jit3A_228 : i32 to vector<8x1280xi32>
    %select_n3A_230 = arith.select %eq3A_227, %add3A, %broadcast_in_dim3A_229 : vector<8x1280xi1>, vector<8x1280xi32>
    %reduce_min3A_231 = vector.shape_cast %select_n3A_230 : vector<8x1280xi32> to vector<1x8x1280xi32>
    %reduce_min3A_232 = arith.constant dense<2147483647> : vector<1xi32>
    %reduce_min3A_233 = vector.multi_reduction <minsi>, %reduce_min3A_231, %reduce_min3A_232 [1, 2] : vector<1x8x1280xi32> to vector<1xi32>
    %reduce_min3A_234 = vector.shape_cast %reduce_min3A_233 : vector<1xi32> to vector<1x1x1xi32>
    %reduce_min3A_235 = vector.extract %reduce_min3A_234[0, 0, 0] : i32 from vector<1x1x1xi32>
    %broadcast_in_dim3A_236 = vector.broadcast %reduce_min3A_235 : i32 to vector<1x1xi32>
    %eq3A_237 = vector.broadcast %reduce_min3A_235 : i32 to vector<8x1280xi32>
    %eq3A_238 = arith.cmpi eq, %add3A, %eq3A_237 : vector<8x1280xi32>
    %jit3A_239 = arith.constant -1.000000e+30 : f32
    %broadcast_in_dim3A_240 = vector.broadcast %jit3A_239 : f32 to vector<8x1280xf32>
    %select_n3A_241 = arith.select %eq3A_238, %broadcast_in_dim3A_240, %select_n3A_220 : vector<8x1280xi1>, vector<8x1280xf32>
    %reduce_max3A_242 = vector.shape_cast %select_n3A_241 : vector<8x1280xf32> to vector<1x8x1280xf32>
    %reduce_max3A_243 = arith.constant dense<0xFF800000> : vector<1xf32>
    %reduce_max3A_244 = vector.multi_reduction <maximumf>, %reduce_max3A_242, %reduce_max3A_243 [1, 2] : vector<1x8x1280xf32> to vector<1xf32>
    %reduce_max3A_245 = vector.shape_cast %reduce_max3A_244 : vector<1xf32> to vector<1x1x1xf32>
    %reduce_max3A_246 = vector.extract %reduce_max3A_245[0, 0, 0] : f32 from vector<1x1x1xf32>
    %eq3A_247 = vector.broadcast %reduce_max3A_246 : f32 to vector<8x1280xf32>
    %eq3A_248 = arith.cmpf oeq, %select_n3A_241, %eq3A_247 : vector<8x1280xf32>
    %jit3A_249 = arith.constant 10240 : i32
    %broadcast_in_dim3A_250 = vector.broadcast %jit3A_249 : i32 to vector<8x1280xi32>
    %select_n3A_251 = arith.select %eq3A_248, %add3A, %broadcast_in_dim3A_250 : vector<8x1280xi1>, vector<8x1280xi32>
    %reduce_min3A_252 = vector.shape_cast %select_n3A_251 : vector<8x1280xi32> to vector<1x8x1280xi32>
    %reduce_min3A_253 = arith.constant dense<2147483647> : vector<1xi32>
    %reduce_min3A_254 = vector.multi_reduction <minsi>, %reduce_min3A_252, %reduce_min3A_253 [1, 2] : vector<1x8x1280xi32> to vector<1xi32>
    %reduce_min3A_255 = vector.shape_cast %reduce_min3A_254 : vector<1xi32> to vector<1x1x1xi32>
    %reduce_min3A_256 = vector.extract %reduce_min3A_255[0, 0, 0] : i32 from vector<1x1x1xi32>
    %broadcast_in_dim3A_257 = vector.broadcast %reduce_min3A_256 : i32 to vector<1x1xi32>
    %eq3A_258 = vector.broadcast %reduce_min3A_256 : i32 to vector<8x1280xi32>
    %eq3A_259 = arith.cmpi eq, %add3A, %eq3A_258 : vector<8x1280xi32>
    %jit3A_260 = arith.constant -1.000000e+30 : f32
    %broadcast_in_dim3A_261 = vector.broadcast %jit3A_260 : f32 to vector<8x1280xf32>
    %select_n3A_262 = arith.select %eq3A_259, %broadcast_in_dim3A_261, %select_n3A_241 : vector<8x1280xi1>, vector<8x1280xf32>
    %reduce_max3A_263 = vector.shape_cast %select_n3A_262 : vector<8x1280xf32> to vector<1x8x1280xf32>
    %reduce_max3A_264 = arith.constant dense<0xFF800000> : vector<1xf32>
    %reduce_max3A_265 = vector.multi_reduction <maximumf>, %reduce_max3A_263, %reduce_max3A_264 [1, 2] : vector<1x8x1280xf32> to vector<1xf32>
    %reduce_max3A_266 = vector.shape_cast %reduce_max3A_265 : vector<1xf32> to vector<1x1x1xf32>
    %reduce_max3A_267 = vector.extract %reduce_max3A_266[0, 0, 0] : f32 from vector<1x1x1xf32>
    %eq3A_268 = vector.broadcast %reduce_max3A_267 : f32 to vector<8x1280xf32>
    %eq3A_269 = arith.cmpf oeq, %select_n3A_262, %eq3A_268 : vector<8x1280xf32>
    %jit3A_270 = arith.constant 10240 : i32
    %broadcast_in_dim3A_271 = vector.broadcast %jit3A_270 : i32 to vector<8x1280xi32>
    %select_n3A_272 = arith.select %eq3A_269, %add3A, %broadcast_in_dim3A_271 : vector<8x1280xi1>, vector<8x1280xi32>
    %reduce_min3A_273 = vector.shape_cast %select_n3A_272 : vector<8x1280xi32> to vector<1x8x1280xi32>
    %reduce_min3A_274 = arith.constant dense<2147483647> : vector<1xi32>
    %reduce_min3A_275 = vector.multi_reduction <minsi>, %reduce_min3A_273, %reduce_min3A_274 [1, 2] : vector<1x8x1280xi32> to vector<1xi32>
    %reduce_min3A_276 = vector.shape_cast %reduce_min3A_275 : vector<1xi32> to vector<1x1x1xi32>
    %reduce_min3A_277 = vector.extract %reduce_min3A_276[0, 0, 0] : i32 from vector<1x1x1xi32>
    %broadcast_in_dim3A_278 = vector.broadcast %reduce_min3A_277 : i32 to vector<1x1xi32>
    %eq3A_279 = vector.broadcast %reduce_min3A_277 : i32 to vector<8x1280xi32>
    %eq3A_280 = arith.cmpi eq, %add3A, %eq3A_279 : vector<8x1280xi32>
    %jit3A_281 = arith.constant -1.000000e+30 : f32
    %broadcast_in_dim3A_282 = vector.broadcast %jit3A_281 : f32 to vector<8x1280xf32>
    %select_n3A_283 = arith.select %eq3A_280, %broadcast_in_dim3A_282, %select_n3A_262 : vector<8x1280xi1>, vector<8x1280xf32>
    %reduce_max3A_284 = vector.shape_cast %select_n3A_283 : vector<8x1280xf32> to vector<1x8x1280xf32>
    %reduce_max3A_285 = arith.constant dense<0xFF800000> : vector<1xf32>
    %reduce_max3A_286 = vector.multi_reduction <maximumf>, %reduce_max3A_284, %reduce_max3A_285 [1, 2] : vector<1x8x1280xf32> to vector<1xf32>
    %reduce_max3A_287 = vector.shape_cast %reduce_max3A_286 : vector<1xf32> to vector<1x1x1xf32>
    %reduce_max3A_288 = vector.extract %reduce_max3A_287[0, 0, 0] : f32 from vector<1x1x1xf32>
    %eq3A_289 = vector.broadcast %reduce_max3A_288 : f32 to vector<8x1280xf32>
    %eq3A_290 = arith.cmpf oeq, %select_n3A_283, %eq3A_289 : vector<8x1280xf32>
    %jit3A_291 = arith.constant 10240 : i32
    %broadcast_in_dim3A_292 = vector.broadcast %jit3A_291 : i32 to vector<8x1280xi32>
    %select_n3A_293 = arith.select %eq3A_290, %add3A, %broadcast_in_dim3A_292 : vector<8x1280xi1>, vector<8x1280xi32>
    %reduce_min3A_294 = vector.shape_cast %select_n3A_293 : vector<8x1280xi32> to vector<1x8x1280xi32>
    %reduce_min3A_295 = arith.constant dense<2147483647> : vector<1xi32>
    %reduce_min3A_296 = vector.multi_reduction <minsi>, %reduce_min3A_294, %reduce_min3A_295 [1, 2] : vector<1x8x1280xi32> to vector<1xi32>
    %reduce_min3A_297 = vector.shape_cast %reduce_min3A_296 : vector<1xi32> to vector<1x1x1xi32>
    %reduce_min3A_298 = vector.extract %reduce_min3A_297[0, 0, 0] : i32 from vector<1x1x1xi32>
    %broadcast_in_dim3A_299 = vector.broadcast %reduce_min3A_298 : i32 to vector<1x1xi32>
    %eq3A_300 = vector.broadcast %reduce_min3A_298 : i32 to vector<8x1280xi32>
    %eq3A_301 = arith.cmpi eq, %add3A, %eq3A_300 : vector<8x1280xi32>
    %jit3A_302 = arith.constant -1.000000e+30 : f32
    %broadcast_in_dim3A_303 = vector.broadcast %jit3A_302 : f32 to vector<8x1280xf32>
    %select_n3A_304 = arith.select %eq3A_301, %broadcast_in_dim3A_303, %select_n3A_283 : vector<8x1280xi1>, vector<8x1280xf32>
    %reduce_max3A_305 = vector.shape_cast %select_n3A_304 : vector<8x1280xf32> to vector<1x8x1280xf32>
    %reduce_max3A_306 = arith.constant dense<0xFF800000> : vector<1xf32>
    %reduce_max3A_307 = vector.multi_reduction <maximumf>, %reduce_max3A_305, %reduce_max3A_306 [1, 2] : vector<1x8x1280xf32> to vector<1xf32>
    %reduce_max3A_308 = vector.shape_cast %reduce_max3A_307 : vector<1xf32> to vector<1x1x1xf32>
    %reduce_max3A_309 = vector.extract %reduce_max3A_308[0, 0, 0] : f32 from vector<1x1x1xf32>
    %eq3A_310 = vector.broadcast %reduce_max3A_309 : f32 to vector<8x1280xf32>
    %eq3A_311 = arith.cmpf oeq, %select_n3A_304, %eq3A_310 : vector<8x1280xf32>
    %jit3A_312 = arith.constant 10240 : i32
    %broadcast_in_dim3A_313 = vector.broadcast %jit3A_312 : i32 to vector<8x1280xi32>
    %select_n3A_314 = arith.select %eq3A_311, %add3A, %broadcast_in_dim3A_313 : vector<8x1280xi1>, vector<8x1280xi32>
    %reduce_min3A_315 = vector.shape_cast %select_n3A_314 : vector<8x1280xi32> to vector<1x8x1280xi32>
    %reduce_min3A_316 = arith.constant dense<2147483647> : vector<1xi32>
    %reduce_min3A_317 = vector.multi_reduction <minsi>, %reduce_min3A_315, %reduce_min3A_316 [1, 2] : vector<1x8x1280xi32> to vector<1xi32>
    %reduce_min3A_318 = vector.shape_cast %reduce_min3A_317 : vector<1xi32> to vector<1x1x1xi32>
    %reduce_min3A_319 = vector.extract %reduce_min3A_318[0, 0, 0] : i32 from vector<1x1x1xi32>
    %broadcast_in_dim3A_320 = vector.broadcast %reduce_min3A_319 : i32 to vector<1x1xi32>
    %eq3A_321 = vector.broadcast %reduce_min3A_319 : i32 to vector<8x1280xi32>
    %eq3A_322 = arith.cmpi eq, %add3A, %eq3A_321 : vector<8x1280xi32>
    %jit3A_323 = arith.constant -1.000000e+30 : f32
    %broadcast_in_dim3A_324 = vector.broadcast %jit3A_323 : f32 to vector<8x1280xf32>
    %select_n3A_325 = arith.select %eq3A_322, %broadcast_in_dim3A_324, %select_n3A_304 : vector<8x1280xi1>, vector<8x1280xf32>
    %reduce_max3A_326 = vector.shape_cast %select_n3A_325 : vector<8x1280xf32> to vector<1x8x1280xf32>
    %reduce_max3A_327 = arith.constant dense<0xFF800000> : vector<1xf32>
    %reduce_max3A_328 = vector.multi_reduction <maximumf>, %reduce_max3A_326, %reduce_max3A_327 [1, 2] : vector<1x8x1280xf32> to vector<1xf32>
    %reduce_max3A_329 = vector.shape_cast %reduce_max3A_328 : vector<1xf32> to vector<1x1x1xf32>
    %reduce_max3A_330 = vector.extract %reduce_max3A_329[0, 0, 0] : f32 from vector<1x1x1xf32>
    %eq3A_331 = vector.broadcast %reduce_max3A_330 : f32 to vector<8x1280xf32>
    %eq3A_332 = arith.cmpf oeq, %select_n3A_325, %eq3A_331 : vector<8x1280xf32>
    %jit3A_333 = arith.constant 10240 : i32
    %broadcast_in_dim3A_334 = vector.broadcast %jit3A_333 : i32 to vector<8x1280xi32>
    %select_n3A_335 = arith.select %eq3A_332, %add3A, %broadcast_in_dim3A_334 : vector<8x1280xi1>, vector<8x1280xi32>
    %reduce_min3A_336 = vector.shape_cast %select_n3A_335 : vector<8x1280xi32> to vector<1x8x1280xi32>
    %reduce_min3A_337 = arith.constant dense<2147483647> : vector<1xi32>
    %reduce_min3A_338 = vector.multi_reduction <minsi>, %reduce_min3A_336, %reduce_min3A_337 [1, 2] : vector<1x8x1280xi32> to vector<1xi32>
    %reduce_min3A_339 = vector.shape_cast %reduce_min3A_338 : vector<1xi32> to vector<1x1x1xi32>
    %reduce_min3A_340 = vector.extract %reduce_min3A_339[0, 0, 0] : i32 from vector<1x1x1xi32>
    %broadcast_in_dim3A_341 = vector.broadcast %reduce_min3A_340 : i32 to vector<1x1xi32>
    %eq3A_342 = vector.broadcast %reduce_min3A_340 : i32 to vector<8x1280xi32>
    %eq3A_343 = arith.cmpi eq, %add3A, %eq3A_342 : vector<8x1280xi32>
    %jit3A_344 = arith.constant -1.000000e+30 : f32
    %broadcast_in_dim3A_345 = vector.broadcast %jit3A_344 : f32 to vector<8x1280xf32>
    %select_n3A_346 = arith.select %eq3A_343, %broadcast_in_dim3A_345, %select_n3A_325 : vector<8x1280xi1>, vector<8x1280xf32>
    %reduce_max3A_347 = vector.shape_cast %select_n3A_346 : vector<8x1280xf32> to vector<1x8x1280xf32>
    %reduce_max3A_348 = arith.constant dense<0xFF800000> : vector<1xf32>
    %reduce_max3A_349 = vector.multi_reduction <maximumf>, %reduce_max3A_347, %reduce_max3A_348 [1, 2] : vector<1x8x1280xf32> to vector<1xf32>
    %reduce_max3A_350 = vector.shape_cast %reduce_max3A_349 : vector<1xf32> to vector<1x1x1xf32>
    %reduce_max3A_351 = vector.extract %reduce_max3A_350[0, 0, 0] : f32 from vector<1x1x1xf32>
    %eq3A_352 = vector.broadcast %reduce_max3A_351 : f32 to vector<8x1280xf32>
    %eq3A_353 = arith.cmpf oeq, %select_n3A_346, %eq3A_352 : vector<8x1280xf32>
    %jit3A_354 = arith.constant 10240 : i32
    %broadcast_in_dim3A_355 = vector.broadcast %jit3A_354 : i32 to vector<8x1280xi32>
    %select_n3A_356 = arith.select %eq3A_353, %add3A, %broadcast_in_dim3A_355 : vector<8x1280xi1>, vector<8x1280xi32>
    %reduce_min3A_357 = vector.shape_cast %select_n3A_356 : vector<8x1280xi32> to vector<1x8x1280xi32>
    %reduce_min3A_358 = arith.constant dense<2147483647> : vector<1xi32>
    %reduce_min3A_359 = vector.multi_reduction <minsi>, %reduce_min3A_357, %reduce_min3A_358 [1, 2] : vector<1x8x1280xi32> to vector<1xi32>
    %reduce_min3A_360 = vector.shape_cast %reduce_min3A_359 : vector<1xi32> to vector<1x1x1xi32>
    %reduce_min3A_361 = vector.extract %reduce_min3A_360[0, 0, 0] : i32 from vector<1x1x1xi32>
    %broadcast_in_dim3A_362 = vector.broadcast %reduce_min3A_361 : i32 to vector<1x1xi32>
    %eq3A_363 = vector.broadcast %reduce_min3A_361 : i32 to vector<8x1280xi32>
    %eq3A_364 = arith.cmpi eq, %add3A, %eq3A_363 : vector<8x1280xi32>
    %jit3A_365 = arith.constant -1.000000e+30 : f32
    %broadcast_in_dim3A_366 = vector.broadcast %jit3A_365 : f32 to vector<8x1280xf32>
    %select_n3A_367 = arith.select %eq3A_364, %broadcast_in_dim3A_366, %select_n3A_346 : vector<8x1280xi1>, vector<8x1280xf32>
    %reduce_max3A_368 = vector.shape_cast %select_n3A_367 : vector<8x1280xf32> to vector<1x8x1280xf32>
    %reduce_max3A_369 = arith.constant dense<0xFF800000> : vector<1xf32>
    %reduce_max3A_370 = vector.multi_reduction <maximumf>, %reduce_max3A_368, %reduce_max3A_369 [1, 2] : vector<1x8x1280xf32> to vector<1xf32>
    %reduce_max3A_371 = vector.shape_cast %reduce_max3A_370 : vector<1xf32> to vector<1x1x1xf32>
    %reduce_max3A_372 = vector.extract %reduce_max3A_371[0, 0, 0] : f32 from vector<1x1x1xf32>
    %eq3A_373 = vector.broadcast %reduce_max3A_372 : f32 to vector<8x1280xf32>
    %eq3A_374 = arith.cmpf oeq, %select_n3A_367, %eq3A_373 : vector<8x1280xf32>
    %jit3A_375 = arith.constant 10240 : i32
    %broadcast_in_dim3A_376 = vector.broadcast %jit3A_375 : i32 to vector<8x1280xi32>
    %select_n3A_377 = arith.select %eq3A_374, %add3A, %broadcast_in_dim3A_376 : vector<8x1280xi1>, vector<8x1280xi32>
    %reduce_min3A_378 = vector.shape_cast %select_n3A_377 : vector<8x1280xi32> to vector<1x8x1280xi32>
    %reduce_min3A_379 = arith.constant dense<2147483647> : vector<1xi32>
    %reduce_min3A_380 = vector.multi_reduction <minsi>, %reduce_min3A_378, %reduce_min3A_379 [1, 2] : vector<1x8x1280xi32> to vector<1xi32>
    %reduce_min3A_381 = vector.shape_cast %reduce_min3A_380 : vector<1xi32> to vector<1x1x1xi32>
    %reduce_min3A_382 = vector.extract %reduce_min3A_381[0, 0, 0] : i32 from vector<1x1x1xi32>
    %broadcast_in_dim3A_383 = vector.broadcast %reduce_min3A_382 : i32 to vector<1x1xi32>
    %eq3A_384 = vector.broadcast %reduce_min3A_382 : i32 to vector<8x1280xi32>
    %eq3A_385 = arith.cmpi eq, %add3A, %eq3A_384 : vector<8x1280xi32>
    %jit3A_386 = arith.constant -1.000000e+30 : f32
    %broadcast_in_dim3A_387 = vector.broadcast %jit3A_386 : f32 to vector<8x1280xf32>
    %select_n3A_388 = arith.select %eq3A_385, %broadcast_in_dim3A_387, %select_n3A_367 : vector<8x1280xi1>, vector<8x1280xf32>
    %reduce_max3A_389 = vector.shape_cast %select_n3A_388 : vector<8x1280xf32> to vector<1x8x1280xf32>
    %reduce_max3A_390 = arith.constant dense<0xFF800000> : vector<1xf32>
    %reduce_max3A_391 = vector.multi_reduction <maximumf>, %reduce_max3A_389, %reduce_max3A_390 [1, 2] : vector<1x8x1280xf32> to vector<1xf32>
    %reduce_max3A_392 = vector.shape_cast %reduce_max3A_391 : vector<1xf32> to vector<1x1x1xf32>
    %reduce_max3A_393 = vector.extract %reduce_max3A_392[0, 0, 0] : f32 from vector<1x1x1xf32>
    %eq3A_394 = vector.broadcast %reduce_max3A_393 : f32 to vector<8x1280xf32>
    %eq3A_395 = arith.cmpf oeq, %select_n3A_388, %eq3A_394 : vector<8x1280xf32>
    %jit3A_396 = arith.constant 10240 : i32
    %broadcast_in_dim3A_397 = vector.broadcast %jit3A_396 : i32 to vector<8x1280xi32>
    %select_n3A_398 = arith.select %eq3A_395, %add3A, %broadcast_in_dim3A_397 : vector<8x1280xi1>, vector<8x1280xi32>
    %reduce_min3A_399 = vector.shape_cast %select_n3A_398 : vector<8x1280xi32> to vector<1x8x1280xi32>
    %reduce_min3A_400 = arith.constant dense<2147483647> : vector<1xi32>
    %reduce_min3A_401 = vector.multi_reduction <minsi>, %reduce_min3A_399, %reduce_min3A_400 [1, 2] : vector<1x8x1280xi32> to vector<1xi32>
    %reduce_min3A_402 = vector.shape_cast %reduce_min3A_401 : vector<1xi32> to vector<1x1x1xi32>
    %reduce_min3A_403 = vector.extract %reduce_min3A_402[0, 0, 0] : i32 from vector<1x1x1xi32>
    %broadcast_in_dim3A_404 = vector.broadcast %reduce_min3A_403 : i32 to vector<1x1xi32>
    %eq3A_405 = vector.broadcast %reduce_min3A_403 : i32 to vector<8x1280xi32>
    %eq3A_406 = arith.cmpi eq, %add3A, %eq3A_405 : vector<8x1280xi32>
    %jit3A_407 = arith.constant -1.000000e+30 : f32
    %broadcast_in_dim3A_408 = vector.broadcast %jit3A_407 : f32 to vector<8x1280xf32>
    %select_n3A_409 = arith.select %eq3A_406, %broadcast_in_dim3A_408, %select_n3A_388 : vector<8x1280xi1>, vector<8x1280xf32>
    %reduce_max3A_410 = vector.shape_cast %select_n3A_409 : vector<8x1280xf32> to vector<1x8x1280xf32>
    %reduce_max3A_411 = arith.constant dense<0xFF800000> : vector<1xf32>
    %reduce_max3A_412 = vector.multi_reduction <maximumf>, %reduce_max3A_410, %reduce_max3A_411 [1, 2] : vector<1x8x1280xf32> to vector<1xf32>
    %reduce_max3A_413 = vector.shape_cast %reduce_max3A_412 : vector<1xf32> to vector<1x1x1xf32>
    %reduce_max3A_414 = vector.extract %reduce_max3A_413[0, 0, 0] : f32 from vector<1x1x1xf32>
    %eq3A_415 = vector.broadcast %reduce_max3A_414 : f32 to vector<8x1280xf32>
    %eq3A_416 = arith.cmpf oeq, %select_n3A_409, %eq3A_415 : vector<8x1280xf32>
    %jit3A_417 = arith.constant 10240 : i32
    %broadcast_in_dim3A_418 = vector.broadcast %jit3A_417 : i32 to vector<8x1280xi32>
    %select_n3A_419 = arith.select %eq3A_416, %add3A, %broadcast_in_dim3A_418 : vector<8x1280xi1>, vector<8x1280xi32>
    %reduce_min3A_420 = vector.shape_cast %select_n3A_419 : vector<8x1280xi32> to vector<1x8x1280xi32>
    %reduce_min3A_421 = arith.constant dense<2147483647> : vector<1xi32>
    %reduce_min3A_422 = vector.multi_reduction <minsi>, %reduce_min3A_420, %reduce_min3A_421 [1, 2] : vector<1x8x1280xi32> to vector<1xi32>
    %reduce_min3A_423 = vector.shape_cast %reduce_min3A_422 : vector<1xi32> to vector<1x1x1xi32>
    %reduce_min3A_424 = vector.extract %reduce_min3A_423[0, 0, 0] : i32 from vector<1x1x1xi32>
    %broadcast_in_dim3A_425 = vector.broadcast %reduce_min3A_424 : i32 to vector<1x1xi32>
    %eq3A_426 = vector.broadcast %reduce_min3A_424 : i32 to vector<8x1280xi32>
    %eq3A_427 = arith.cmpi eq, %add3A, %eq3A_426 : vector<8x1280xi32>
    %jit3A_428 = arith.constant -1.000000e+30 : f32
    %broadcast_in_dim3A_429 = vector.broadcast %jit3A_428 : f32 to vector<8x1280xf32>
    %select_n3A_430 = arith.select %eq3A_427, %broadcast_in_dim3A_429, %select_n3A_409 : vector<8x1280xi1>, vector<8x1280xf32>
    %reduce_max3A_431 = vector.shape_cast %select_n3A_430 : vector<8x1280xf32> to vector<1x8x1280xf32>
    %reduce_max3A_432 = arith.constant dense<0xFF800000> : vector<1xf32>
    %reduce_max3A_433 = vector.multi_reduction <maximumf>, %reduce_max3A_431, %reduce_max3A_432 [1, 2] : vector<1x8x1280xf32> to vector<1xf32>
    %reduce_max3A_434 = vector.shape_cast %reduce_max3A_433 : vector<1xf32> to vector<1x1x1xf32>
    %reduce_max3A_435 = vector.extract %reduce_max3A_434[0, 0, 0] : f32 from vector<1x1x1xf32>
    %eq3A_436 = vector.broadcast %reduce_max3A_435 : f32 to vector<8x1280xf32>
    %eq3A_437 = arith.cmpf oeq, %select_n3A_430, %eq3A_436 : vector<8x1280xf32>
    %jit3A_438 = arith.constant 10240 : i32
    %broadcast_in_dim3A_439 = vector.broadcast %jit3A_438 : i32 to vector<8x1280xi32>
    %select_n3A_440 = arith.select %eq3A_437, %add3A, %broadcast_in_dim3A_439 : vector<8x1280xi1>, vector<8x1280xi32>
    %reduce_min3A_441 = vector.shape_cast %select_n3A_440 : vector<8x1280xi32> to vector<1x8x1280xi32>
    %reduce_min3A_442 = arith.constant dense<2147483647> : vector<1xi32>
    %reduce_min3A_443 = vector.multi_reduction <minsi>, %reduce_min3A_441, %reduce_min3A_442 [1, 2] : vector<1x8x1280xi32> to vector<1xi32>
    %reduce_min3A_444 = vector.shape_cast %reduce_min3A_443 : vector<1xi32> to vector<1x1x1xi32>
    %reduce_min3A_445 = vector.extract %reduce_min3A_444[0, 0, 0] : i32 from vector<1x1x1xi32>
    %broadcast_in_dim3A_446 = vector.broadcast %reduce_min3A_445 : i32 to vector<1x1xi32>
    %eq3A_447 = vector.broadcast %reduce_min3A_445 : i32 to vector<8x1280xi32>
    %eq3A_448 = arith.cmpi eq, %add3A, %eq3A_447 : vector<8x1280xi32>
    %jit3A_449 = arith.constant -1.000000e+30 : f32
    %broadcast_in_dim3A_450 = vector.broadcast %jit3A_449 : f32 to vector<8x1280xf32>
    %select_n3A_451 = arith.select %eq3A_448, %broadcast_in_dim3A_450, %select_n3A_430 : vector<8x1280xi1>, vector<8x1280xf32>
    %reduce_max3A_452 = vector.shape_cast %select_n3A_451 : vector<8x1280xf32> to vector<1x8x1280xf32>
    %reduce_max3A_453 = arith.constant dense<0xFF800000> : vector<1xf32>
    %reduce_max3A_454 = vector.multi_reduction <maximumf>, %reduce_max3A_452, %reduce_max3A_453 [1, 2] : vector<1x8x1280xf32> to vector<1xf32>
    %reduce_max3A_455 = vector.shape_cast %reduce_max3A_454 : vector<1xf32> to vector<1x1x1xf32>
    %reduce_max3A_456 = vector.extract %reduce_max3A_455[0, 0, 0] : f32 from vector<1x1x1xf32>
    %eq3A_457 = vector.broadcast %reduce_max3A_456 : f32 to vector<8x1280xf32>
    %eq3A_458 = arith.cmpf oeq, %select_n3A_451, %eq3A_457 : vector<8x1280xf32>
    %jit3A_459 = arith.constant 10240 : i32
    %broadcast_in_dim3A_460 = vector.broadcast %jit3A_459 : i32 to vector<8x1280xi32>
    %select_n3A_461 = arith.select %eq3A_458, %add3A, %broadcast_in_dim3A_460 : vector<8x1280xi1>, vector<8x1280xi32>
    %reduce_min3A_462 = vector.shape_cast %select_n3A_461 : vector<8x1280xi32> to vector<1x8x1280xi32>
    %reduce_min3A_463 = arith.constant dense<2147483647> : vector<1xi32>
    %reduce_min3A_464 = vector.multi_reduction <minsi>, %reduce_min3A_462, %reduce_min3A_463 [1, 2] : vector<1x8x1280xi32> to vector<1xi32>
    %reduce_min3A_465 = vector.shape_cast %reduce_min3A_464 : vector<1xi32> to vector<1x1x1xi32>
    %reduce_min3A_466 = vector.extract %reduce_min3A_465[0, 0, 0] : i32 from vector<1x1x1xi32>
    %broadcast_in_dim3A_467 = vector.broadcast %reduce_min3A_466 : i32 to vector<1x1xi32>
    %eq3A_468 = vector.broadcast %reduce_min3A_466 : i32 to vector<8x1280xi32>
    %eq3A_469 = arith.cmpi eq, %add3A, %eq3A_468 : vector<8x1280xi32>
    %jit3A_470 = arith.constant -1.000000e+30 : f32
    %broadcast_in_dim3A_471 = vector.broadcast %jit3A_470 : f32 to vector<8x1280xf32>
    %select_n3A_472 = arith.select %eq3A_469, %broadcast_in_dim3A_471, %select_n3A_451 : vector<8x1280xi1>, vector<8x1280xf32>
    %reduce_max3A_473 = vector.shape_cast %select_n3A_472 : vector<8x1280xf32> to vector<1x8x1280xf32>
    %reduce_max3A_474 = arith.constant dense<0xFF800000> : vector<1xf32>
    %reduce_max3A_475 = vector.multi_reduction <maximumf>, %reduce_max3A_473, %reduce_max3A_474 [1, 2] : vector<1x8x1280xf32> to vector<1xf32>
    %reduce_max3A_476 = vector.shape_cast %reduce_max3A_475 : vector<1xf32> to vector<1x1x1xf32>
    %reduce_max3A_477 = vector.extract %reduce_max3A_476[0, 0, 0] : f32 from vector<1x1x1xf32>
    %eq3A_478 = vector.broadcast %reduce_max3A_477 : f32 to vector<8x1280xf32>
    %eq3A_479 = arith.cmpf oeq, %select_n3A_472, %eq3A_478 : vector<8x1280xf32>
    %jit3A_480 = arith.constant 10240 : i32
    %broadcast_in_dim3A_481 = vector.broadcast %jit3A_480 : i32 to vector<8x1280xi32>
    %select_n3A_482 = arith.select %eq3A_479, %add3A, %broadcast_in_dim3A_481 : vector<8x1280xi1>, vector<8x1280xi32>
    %reduce_min3A_483 = vector.shape_cast %select_n3A_482 : vector<8x1280xi32> to vector<1x8x1280xi32>
    %reduce_min3A_484 = arith.constant dense<2147483647> : vector<1xi32>
    %reduce_min3A_485 = vector.multi_reduction <minsi>, %reduce_min3A_483, %reduce_min3A_484 [1, 2] : vector<1x8x1280xi32> to vector<1xi32>
    %reduce_min3A_486 = vector.shape_cast %reduce_min3A_485 : vector<1xi32> to vector<1x1x1xi32>
    %reduce_min3A_487 = vector.extract %reduce_min3A_486[0, 0, 0] : i32 from vector<1x1x1xi32>
    %broadcast_in_dim3A_488 = vector.broadcast %reduce_min3A_487 : i32 to vector<1x1xi32>
    %eq3A_489 = vector.broadcast %reduce_min3A_487 : i32 to vector<8x1280xi32>
    %eq3A_490 = arith.cmpi eq, %add3A, %eq3A_489 : vector<8x1280xi32>
    %jit3A_491 = arith.constant -1.000000e+30 : f32
    %broadcast_in_dim3A_492 = vector.broadcast %jit3A_491 : f32 to vector<8x1280xf32>
    %select_n3A_493 = arith.select %eq3A_490, %broadcast_in_dim3A_492, %select_n3A_472 : vector<8x1280xi1>, vector<8x1280xf32>
    %reduce_max3A_494 = vector.shape_cast %select_n3A_493 : vector<8x1280xf32> to vector<1x8x1280xf32>
    %reduce_max3A_495 = arith.constant dense<0xFF800000> : vector<1xf32>
    %reduce_max3A_496 = vector.multi_reduction <maximumf>, %reduce_max3A_494, %reduce_max3A_495 [1, 2] : vector<1x8x1280xf32> to vector<1xf32>
    %reduce_max3A_497 = vector.shape_cast %reduce_max3A_496 : vector<1xf32> to vector<1x1x1xf32>
    %reduce_max3A_498 = vector.extract %reduce_max3A_497[0, 0, 0] : f32 from vector<1x1x1xf32>
    %eq3A_499 = vector.broadcast %reduce_max3A_498 : f32 to vector<8x1280xf32>
    %eq3A_500 = arith.cmpf oeq, %select_n3A_493, %eq3A_499 : vector<8x1280xf32>
    %jit3A_501 = arith.constant 10240 : i32
    %broadcast_in_dim3A_502 = vector.broadcast %jit3A_501 : i32 to vector<8x1280xi32>
    %select_n3A_503 = arith.select %eq3A_500, %add3A, %broadcast_in_dim3A_502 : vector<8x1280xi1>, vector<8x1280xi32>
    %reduce_min3A_504 = vector.shape_cast %select_n3A_503 : vector<8x1280xi32> to vector<1x8x1280xi32>
    %reduce_min3A_505 = arith.constant dense<2147483647> : vector<1xi32>
    %reduce_min3A_506 = vector.multi_reduction <minsi>, %reduce_min3A_504, %reduce_min3A_505 [1, 2] : vector<1x8x1280xi32> to vector<1xi32>
    %reduce_min3A_507 = vector.shape_cast %reduce_min3A_506 : vector<1xi32> to vector<1x1x1xi32>
    %reduce_min3A_508 = vector.extract %reduce_min3A_507[0, 0, 0] : i32 from vector<1x1x1xi32>
    %broadcast_in_dim3A_509 = vector.broadcast %reduce_min3A_508 : i32 to vector<1x1xi32>
    %eq3A_510 = vector.broadcast %reduce_min3A_508 : i32 to vector<8x1280xi32>
    %eq3A_511 = arith.cmpi eq, %add3A, %eq3A_510 : vector<8x1280xi32>
    %jit3A_512 = arith.constant -1.000000e+30 : f32
    %broadcast_in_dim3A_513 = vector.broadcast %jit3A_512 : f32 to vector<8x1280xf32>
    %select_n3A_514 = arith.select %eq3A_511, %broadcast_in_dim3A_513, %select_n3A_493 : vector<8x1280xi1>, vector<8x1280xf32>
    %reduce_max3A_515 = vector.shape_cast %select_n3A_514 : vector<8x1280xf32> to vector<1x8x1280xf32>
    %reduce_max3A_516 = arith.constant dense<0xFF800000> : vector<1xf32>
    %reduce_max3A_517 = vector.multi_reduction <maximumf>, %reduce_max3A_515, %reduce_max3A_516 [1, 2] : vector<1x8x1280xf32> to vector<1xf32>
    %reduce_max3A_518 = vector.shape_cast %reduce_max3A_517 : vector<1xf32> to vector<1x1x1xf32>
    %reduce_max3A_519 = vector.extract %reduce_max3A_518[0, 0, 0] : f32 from vector<1x1x1xf32>
    %eq3A_520 = vector.broadcast %reduce_max3A_519 : f32 to vector<8x1280xf32>
    %eq3A_521 = arith.cmpf oeq, %select_n3A_514, %eq3A_520 : vector<8x1280xf32>
    %jit3A_522 = arith.constant 10240 : i32
    %broadcast_in_dim3A_523 = vector.broadcast %jit3A_522 : i32 to vector<8x1280xi32>
    %select_n3A_524 = arith.select %eq3A_521, %add3A, %broadcast_in_dim3A_523 : vector<8x1280xi1>, vector<8x1280xi32>
    %reduce_min3A_525 = vector.shape_cast %select_n3A_524 : vector<8x1280xi32> to vector<1x8x1280xi32>
    %reduce_min3A_526 = arith.constant dense<2147483647> : vector<1xi32>
    %reduce_min3A_527 = vector.multi_reduction <minsi>, %reduce_min3A_525, %reduce_min3A_526 [1, 2] : vector<1x8x1280xi32> to vector<1xi32>
    %reduce_min3A_528 = vector.shape_cast %reduce_min3A_527 : vector<1xi32> to vector<1x1x1xi32>
    %reduce_min3A_529 = vector.extract %reduce_min3A_528[0, 0, 0] : i32 from vector<1x1x1xi32>
    %broadcast_in_dim3A_530 = vector.broadcast %reduce_min3A_529 : i32 to vector<1x1xi32>
    %eq3A_531 = vector.broadcast %reduce_min3A_529 : i32 to vector<8x1280xi32>
    %eq3A_532 = arith.cmpi eq, %add3A, %eq3A_531 : vector<8x1280xi32>
    %jit3A_533 = arith.constant -1.000000e+30 : f32
    %broadcast_in_dim3A_534 = vector.broadcast %jit3A_533 : f32 to vector<8x1280xf32>
    %select_n3A_535 = arith.select %eq3A_532, %broadcast_in_dim3A_534, %select_n3A_514 : vector<8x1280xi1>, vector<8x1280xf32>
    %reduce_max3A_536 = vector.shape_cast %select_n3A_535 : vector<8x1280xf32> to vector<1x8x1280xf32>
    %reduce_max3A_537 = arith.constant dense<0xFF800000> : vector<1xf32>
    %reduce_max3A_538 = vector.multi_reduction <maximumf>, %reduce_max3A_536, %reduce_max3A_537 [1, 2] : vector<1x8x1280xf32> to vector<1xf32>
    %reduce_max3A_539 = vector.shape_cast %reduce_max3A_538 : vector<1xf32> to vector<1x1x1xf32>
    %reduce_max3A_540 = vector.extract %reduce_max3A_539[0, 0, 0] : f32 from vector<1x1x1xf32>
    %eq3A_541 = vector.broadcast %reduce_max3A_540 : f32 to vector<8x1280xf32>
    %eq3A_542 = arith.cmpf oeq, %select_n3A_535, %eq3A_541 : vector<8x1280xf32>
    %jit3A_543 = arith.constant 10240 : i32
    %broadcast_in_dim3A_544 = vector.broadcast %jit3A_543 : i32 to vector<8x1280xi32>
    %select_n3A_545 = arith.select %eq3A_542, %add3A, %broadcast_in_dim3A_544 : vector<8x1280xi1>, vector<8x1280xi32>
    %reduce_min3A_546 = vector.shape_cast %select_n3A_545 : vector<8x1280xi32> to vector<1x8x1280xi32>
    %reduce_min3A_547 = arith.constant dense<2147483647> : vector<1xi32>
    %reduce_min3A_548 = vector.multi_reduction <minsi>, %reduce_min3A_546, %reduce_min3A_547 [1, 2] : vector<1x8x1280xi32> to vector<1xi32>
    %reduce_min3A_549 = vector.shape_cast %reduce_min3A_548 : vector<1xi32> to vector<1x1x1xi32>
    %reduce_min3A_550 = vector.extract %reduce_min3A_549[0, 0, 0] : i32 from vector<1x1x1xi32>
    %broadcast_in_dim3A_551 = vector.broadcast %reduce_min3A_550 : i32 to vector<1x1xi32>
    %eq3A_552 = vector.broadcast %reduce_min3A_550 : i32 to vector<8x1280xi32>
    %eq3A_553 = arith.cmpi eq, %add3A, %eq3A_552 : vector<8x1280xi32>
    %jit3A_554 = arith.constant -1.000000e+30 : f32
    %broadcast_in_dim3A_555 = vector.broadcast %jit3A_554 : f32 to vector<8x1280xf32>
    %select_n3A_556 = arith.select %eq3A_553, %broadcast_in_dim3A_555, %select_n3A_535 : vector<8x1280xi1>, vector<8x1280xf32>
    %reduce_max3A_557 = vector.shape_cast %select_n3A_556 : vector<8x1280xf32> to vector<1x8x1280xf32>
    %reduce_max3A_558 = arith.constant dense<0xFF800000> : vector<1xf32>
    %reduce_max3A_559 = vector.multi_reduction <maximumf>, %reduce_max3A_557, %reduce_max3A_558 [1, 2] : vector<1x8x1280xf32> to vector<1xf32>
    %reduce_max3A_560 = vector.shape_cast %reduce_max3A_559 : vector<1xf32> to vector<1x1x1xf32>
    %reduce_max3A_561 = vector.extract %reduce_max3A_560[0, 0, 0] : f32 from vector<1x1x1xf32>
    %eq3A_562 = vector.broadcast %reduce_max3A_561 : f32 to vector<8x1280xf32>
    %eq3A_563 = arith.cmpf oeq, %select_n3A_556, %eq3A_562 : vector<8x1280xf32>
    %jit3A_564 = arith.constant 10240 : i32
    %broadcast_in_dim3A_565 = vector.broadcast %jit3A_564 : i32 to vector<8x1280xi32>
    %select_n3A_566 = arith.select %eq3A_563, %add3A, %broadcast_in_dim3A_565 : vector<8x1280xi1>, vector<8x1280xi32>
    %reduce_min3A_567 = vector.shape_cast %select_n3A_566 : vector<8x1280xi32> to vector<1x8x1280xi32>
    %reduce_min3A_568 = arith.constant dense<2147483647> : vector<1xi32>
    %reduce_min3A_569 = vector.multi_reduction <minsi>, %reduce_min3A_567, %reduce_min3A_568 [1, 2] : vector<1x8x1280xi32> to vector<1xi32>
    %reduce_min3A_570 = vector.shape_cast %reduce_min3A_569 : vector<1xi32> to vector<1x1x1xi32>
    %reduce_min3A_571 = vector.extract %reduce_min3A_570[0, 0, 0] : i32 from vector<1x1x1xi32>
    %broadcast_in_dim3A_572 = vector.broadcast %reduce_min3A_571 : i32 to vector<1x1xi32>
    %eq3A_573 = vector.broadcast %reduce_min3A_571 : i32 to vector<8x1280xi32>
    %eq3A_574 = arith.cmpi eq, %add3A, %eq3A_573 : vector<8x1280xi32>
    %jit3A_575 = arith.constant -1.000000e+30 : f32
    %broadcast_in_dim3A_576 = vector.broadcast %jit3A_575 : f32 to vector<8x1280xf32>
    %select_n3A_577 = arith.select %eq3A_574, %broadcast_in_dim3A_576, %select_n3A_556 : vector<8x1280xi1>, vector<8x1280xf32>
    %reduce_max3A_578 = vector.shape_cast %select_n3A_577 : vector<8x1280xf32> to vector<1x8x1280xf32>
    %reduce_max3A_579 = arith.constant dense<0xFF800000> : vector<1xf32>
    %reduce_max3A_580 = vector.multi_reduction <maximumf>, %reduce_max3A_578, %reduce_max3A_579 [1, 2] : vector<1x8x1280xf32> to vector<1xf32>
    %reduce_max3A_581 = vector.shape_cast %reduce_max3A_580 : vector<1xf32> to vector<1x1x1xf32>
    %reduce_max3A_582 = vector.extract %reduce_max3A_581[0, 0, 0] : f32 from vector<1x1x1xf32>
    %eq3A_583 = vector.broadcast %reduce_max3A_582 : f32 to vector<8x1280xf32>
    %eq3A_584 = arith.cmpf oeq, %select_n3A_577, %eq3A_583 : vector<8x1280xf32>
    %jit3A_585 = arith.constant 10240 : i32
    %broadcast_in_dim3A_586 = vector.broadcast %jit3A_585 : i32 to vector<8x1280xi32>
    %select_n3A_587 = arith.select %eq3A_584, %add3A, %broadcast_in_dim3A_586 : vector<8x1280xi1>, vector<8x1280xi32>
    %reduce_min3A_588 = vector.shape_cast %select_n3A_587 : vector<8x1280xi32> to vector<1x8x1280xi32>
    %reduce_min3A_589 = arith.constant dense<2147483647> : vector<1xi32>
    %reduce_min3A_590 = vector.multi_reduction <minsi>, %reduce_min3A_588, %reduce_min3A_589 [1, 2] : vector<1x8x1280xi32> to vector<1xi32>
    %reduce_min3A_591 = vector.shape_cast %reduce_min3A_590 : vector<1xi32> to vector<1x1x1xi32>
    %reduce_min3A_592 = vector.extract %reduce_min3A_591[0, 0, 0] : i32 from vector<1x1x1xi32>
    %broadcast_in_dim3A_593 = vector.broadcast %reduce_min3A_592 : i32 to vector<1x1xi32>
    %eq3A_594 = vector.broadcast %reduce_min3A_592 : i32 to vector<8x1280xi32>
    %eq3A_595 = arith.cmpi eq, %add3A, %eq3A_594 : vector<8x1280xi32>
    %jit3A_596 = arith.constant -1.000000e+30 : f32
    %broadcast_in_dim3A_597 = vector.broadcast %jit3A_596 : f32 to vector<8x1280xf32>
    %select_n3A_598 = arith.select %eq3A_595, %broadcast_in_dim3A_597, %select_n3A_577 : vector<8x1280xi1>, vector<8x1280xf32>
    %reduce_max3A_599 = vector.shape_cast %select_n3A_598 : vector<8x1280xf32> to vector<1x8x1280xf32>
    %reduce_max3A_600 = arith.constant dense<0xFF800000> : vector<1xf32>
    %reduce_max3A_601 = vector.multi_reduction <maximumf>, %reduce_max3A_599, %reduce_max3A_600 [1, 2] : vector<1x8x1280xf32> to vector<1xf32>
    %reduce_max3A_602 = vector.shape_cast %reduce_max3A_601 : vector<1xf32> to vector<1x1x1xf32>
    %reduce_max3A_603 = vector.extract %reduce_max3A_602[0, 0, 0] : f32 from vector<1x1x1xf32>
    %eq3A_604 = vector.broadcast %reduce_max3A_603 : f32 to vector<8x1280xf32>
    %eq3A_605 = arith.cmpf oeq, %select_n3A_598, %eq3A_604 : vector<8x1280xf32>
    %jit3A_606 = arith.constant 10240 : i32
    %broadcast_in_dim3A_607 = vector.broadcast %jit3A_606 : i32 to vector<8x1280xi32>
    %select_n3A_608 = arith.select %eq3A_605, %add3A, %broadcast_in_dim3A_607 : vector<8x1280xi1>, vector<8x1280xi32>
    %reduce_min3A_609 = vector.shape_cast %select_n3A_608 : vector<8x1280xi32> to vector<1x8x1280xi32>
    %reduce_min3A_610 = arith.constant dense<2147483647> : vector<1xi32>
    %reduce_min3A_611 = vector.multi_reduction <minsi>, %reduce_min3A_609, %reduce_min3A_610 [1, 2] : vector<1x8x1280xi32> to vector<1xi32>
    %reduce_min3A_612 = vector.shape_cast %reduce_min3A_611 : vector<1xi32> to vector<1x1x1xi32>
    %reduce_min3A_613 = vector.extract %reduce_min3A_612[0, 0, 0] : i32 from vector<1x1x1xi32>
    %broadcast_in_dim3A_614 = vector.broadcast %reduce_min3A_613 : i32 to vector<1x1xi32>
    %eq3A_615 = vector.broadcast %reduce_min3A_613 : i32 to vector<8x1280xi32>
    %eq3A_616 = arith.cmpi eq, %add3A, %eq3A_615 : vector<8x1280xi32>
    %jit3A_617 = arith.constant -1.000000e+30 : f32
    %broadcast_in_dim3A_618 = vector.broadcast %jit3A_617 : f32 to vector<8x1280xf32>
    %select_n3A_619 = arith.select %eq3A_616, %broadcast_in_dim3A_618, %select_n3A_598 : vector<8x1280xi1>, vector<8x1280xf32>
    %reduce_max3A_620 = vector.shape_cast %select_n3A_619 : vector<8x1280xf32> to vector<1x8x1280xf32>
    %reduce_max3A_621 = arith.constant dense<0xFF800000> : vector<1xf32>
    %reduce_max3A_622 = vector.multi_reduction <maximumf>, %reduce_max3A_620, %reduce_max3A_621 [1, 2] : vector<1x8x1280xf32> to vector<1xf32>
    %reduce_max3A_623 = vector.shape_cast %reduce_max3A_622 : vector<1xf32> to vector<1x1x1xf32>
    %reduce_max3A_624 = vector.extract %reduce_max3A_623[0, 0, 0] : f32 from vector<1x1x1xf32>
    %eq3A_625 = vector.broadcast %reduce_max3A_624 : f32 to vector<8x1280xf32>
    %eq3A_626 = arith.cmpf oeq, %select_n3A_619, %eq3A_625 : vector<8x1280xf32>
    %jit3A_627 = arith.constant 10240 : i32
    %broadcast_in_dim3A_628 = vector.broadcast %jit3A_627 : i32 to vector<8x1280xi32>
    %select_n3A_629 = arith.select %eq3A_626, %add3A, %broadcast_in_dim3A_628 : vector<8x1280xi1>, vector<8x1280xi32>
    %reduce_min3A_630 = vector.shape_cast %select_n3A_629 : vector<8x1280xi32> to vector<1x8x1280xi32>
    %reduce_min3A_631 = arith.constant dense<2147483647> : vector<1xi32>
    %reduce_min3A_632 = vector.multi_reduction <minsi>, %reduce_min3A_630, %reduce_min3A_631 [1, 2] : vector<1x8x1280xi32> to vector<1xi32>
    %reduce_min3A_633 = vector.shape_cast %reduce_min3A_632 : vector<1xi32> to vector<1x1x1xi32>
    %reduce_min3A_634 = vector.extract %reduce_min3A_633[0, 0, 0] : i32 from vector<1x1x1xi32>
    %broadcast_in_dim3A_635 = vector.broadcast %reduce_min3A_634 : i32 to vector<1x1xi32>
    %concatenate3A = tpu.concatenate %broadcast_in_dim3A_26, %broadcast_in_dim3A_47, %broadcast_in_dim3A_68, %broadcast_in_dim3A_89, %broadcast_in_dim3A_110, %broadcast_in_dim3A_131, %broadcast_in_dim3A_152, %broadcast_in_dim3A_173, %broadcast_in_dim3A_194, %broadcast_in_dim3A_215, %broadcast_in_dim3A_236, %broadcast_in_dim3A_257, %broadcast_in_dim3A_278, %broadcast_in_dim3A_299, %broadcast_in_dim3A_320, %broadcast_in_dim3A_341, %broadcast_in_dim3A_362, %broadcast_in_dim3A_383, %broadcast_in_dim3A_404, %broadcast_in_dim3A_425, %broadcast_in_dim3A_446, %broadcast_in_dim3A_467, %broadcast_in_dim3A_488, %broadcast_in_dim3A_509, %broadcast_in_dim3A_530, %broadcast_in_dim3A_551, %broadcast_in_dim3A_572, %broadcast_in_dim3A_593, %broadcast_in_dim3A_614, %broadcast_in_dim3A_635 in 0 : vector<1x1xi32>, vector<1x1xi32>, vector<1x1xi32>, vector<1x1xi32>, vector<1x1xi32>, vector<1x1xi32>, vector<1x1xi32>, vector<1x1xi32>, vector<1x1xi32>, vector<1x1xi32>, vector<1x1xi32>, vector<1x1xi32>, vector<1x1xi32>, vector<1x1xi32>, vector<1x1xi32>, vector<1x1xi32>, vector<1x1xi32>, vector<1x1xi32>, vector<1x1xi32>, vector<1x1xi32>, vector<1x1xi32>, vector<1x1xi32>, vector<1x1xi32>, vector<1x1xi32>, vector<1x1xi32>, vector<1x1xi32>, vector<1x1xi32>, vector<1x1xi32>, vector<1x1xi32>, vector<1x1xi32> -> vector<30x1xi32>
    %iota3A_636 = tpu.iota {dimensions = array<i32: 0>} : vector<30x1xi32>
    %lt3A = vector.broadcast %reduce_sum3A_9 : i32 to vector<30x1xi32>
    %lt3A_637 = arith.cmpi slt, %iota3A_636, %lt3A : vector<30x1xi32>
    %convert_element_type3A_638 = arith.extui %lt3A_637 : vector<30x1xi1> to vector<30x1xi32>
    %convert_element_type3A_639 = arith.sitofp %convert_element_type3A_638 : vector<30x1xi32> to vector<30x1xf32>
    %iota3A_640 = tpu.iota {dimensions = array<i32: 1>} : vector<1x10240xi32>
    %eq3A_641 = vector.broadcast %iota3A_640 : vector<1x10240xi32> to vector<30x10240xi32>
    %eq3A_642 = vector.broadcast %concatenate3A : vector<30x1xi32> to vector<30x10240xi32>
    %eq3A_643 = arith.cmpi eq, %eq3A_641, %eq3A_642 : vector<30x10240xi32>
    %convert_element_type3A_644 = arith.extui %eq3A_643 : vector<30x10240xi1> to vector<30x10240xi32>
    %convert_element_type3A_645 = arith.sitofp %convert_element_type3A_644 : vector<30x10240xi32> to vector<30x10240xf32>
    %mul3A_646 = vector.broadcast %convert_element_type3A_639 : vector<30x1xf32> to vector<30x10240xf32>
    %mul3A_647 = arith.mulf %convert_element_type3A_645, %mul3A_646 : vector<30x10240xf32>
    %get3A_648 = arith.constant 0 : index
    %get3A_649 = arith.constant 0 : index
    %get3A_650 = vector.load %arg1[%get3A_648, %get3A_649] : memref<10240x128xf32, #tpu.memory_space<vmem>>, vector<10240x128xf32>
    %dot_general3A = arith.constant dense<0.000000e+00> : vector<30x128xf32>
    %dot_general3A_651 = tpu.matmul %mul3A_647, %get3A_650, %dot_general3A {dimension_numbers = #tpu.dot_dimension_numbers<[1], [0], [0], [1], [0, 0, 1, 1], [], []>, transpose_lhs_hint = false} : vector<30x10240xf32>, vector<10240x128xf32>, vector<30x128xf32> -> vector<30x128xf32>
    %get3A_652 = arith.constant 0 : index
    %get3A_653 = arith.constant 0 : index
    %get3A_654 = vector.load %arg4[%get3A_652, %get3A_653] : memref<128x16xf32, #tpu.memory_space<vmem>>, vector<128x16xf32>
    %dot_general3A_655 = arith.constant dense<0.000000e+00> : vector<30x16xf32>
    %dot_general3A_656 = tpu.matmul %dot_general3A_651, %get3A_654, %dot_general3A_655 {dimension_numbers = #tpu.dot_dimension_numbers<[1], [0], [0], [1], [0, 0, 1, 1], [], []>, transpose_lhs_hint = false} : vector<30x128xf32>, vector<128x16xf32>, vector<30x16xf32> -> vector<30x16xf32>
    %get3A_657 = arith.constant 0 : index
    %get3A_658 = arith.constant 0 : index
    %get3A_659 = vector.load %arg5[%get3A_657, %get3A_658] : memref<1x16xf32, #tpu.memory_space<vmem>>, vector<1x16xf32>
    %add3A_660 = vector.broadcast %get3A_659 : vector<1x16xf32> to vector<30x16xf32>
    %add3A_661 = arith.addf %dot_general3A_656, %add3A_660 : vector<30x16xf32>
    %max3A = arith.constant 0.000000e+00 : f32
    %max3A_662 = vector.broadcast %max3A : f32 to vector<30x16xf32>
    %max3A_663 = arith.maximumf %add3A_661, %max3A_662 : vector<30x16xf32>
    %slice3A = vector.extract_strided_slice %max3A_663 {offsets = [0, 0], sizes = [1, 16], strides = [1, 1]} : vector<30x16xf32> to vector<1x16xf32>
    %slice3A_664 = vector.extract_strided_slice %max3A_663 {offsets = [1, 0], sizes = [1, 16], strides = [1, 1]} : vector<30x16xf32> to vector<1x16xf32>
    %max3A_665 = arith.maximumf %slice3A, %slice3A_664 : vector<1x16xf32>
    %slice3A_666 = vector.extract_strided_slice %max3A_663 {offsets = [2, 0], sizes = [1, 16], strides = [1, 1]} : vector<30x16xf32> to vector<1x16xf32>
    %slice3A_667 = vector.extract_strided_slice %max3A_663 {offsets = [3, 0], sizes = [1, 16], strides = [1, 1]} : vector<30x16xf32> to vector<1x16xf32>
    %max3A_668 = arith.maximumf %slice3A_666, %slice3A_667 : vector<1x16xf32>
    %slice3A_669 = vector.extract_strided_slice %max3A_663 {offsets = [4, 0], sizes = [1, 16], strides = [1, 1]} : vector<30x16xf32> to vector<1x16xf32>
    %slice3A_670 = vector.extract_strided_slice %max3A_663 {offsets = [5, 0], sizes = [1, 16], strides = [1, 1]} : vector<30x16xf32> to vector<1x16xf32>
    %max3A_671 = arith.maximumf %slice3A_669, %slice3A_670 : vector<1x16xf32>
    %slice3A_672 = vector.extract_strided_slice %max3A_663 {offsets = [6, 0], sizes = [1, 16], strides = [1, 1]} : vector<30x16xf32> to vector<1x16xf32>
    %slice3A_673 = vector.extract_strided_slice %max3A_663 {offsets = [7, 0], sizes = [1, 16], strides = [1, 1]} : vector<30x16xf32> to vector<1x16xf32>
    %max3A_674 = arith.maximumf %slice3A_672, %slice3A_673 : vector<1x16xf32>
    %slice3A_675 = vector.extract_strided_slice %max3A_663 {offsets = [8, 0], sizes = [1, 16], strides = [1, 1]} : vector<30x16xf32> to vector<1x16xf32>
    %slice3A_676 = vector.extract_strided_slice %max3A_663 {offsets = [9, 0], sizes = [1, 16], strides = [1, 1]} : vector<30x16xf32> to vector<1x16xf32>
    %max3A_677 = arith.maximumf %slice3A_675, %slice3A_676 : vector<1x16xf32>
    %slice3A_678 = vector.extract_strided_slice %max3A_663 {offsets = [10, 0], sizes = [1, 16], strides = [1, 1]} : vector<30x16xf32> to vector<1x16xf32>
    %slice3A_679 = vector.extract_strided_slice %max3A_663 {offsets = [11, 0], sizes = [1, 16], strides = [1, 1]} : vector<30x16xf32> to vector<1x16xf32>
    %max3A_680 = arith.maximumf %slice3A_678, %slice3A_679 : vector<1x16xf32>
    %slice3A_681 = vector.extract_strided_slice %max3A_663 {offsets = [12, 0], sizes = [1, 16], strides = [1, 1]} : vector<30x16xf32> to vector<1x16xf32>
    %slice3A_682 = vector.extract_strided_slice %max3A_663 {offsets = [13, 0], sizes = [1, 16], strides = [1, 1]} : vector<30x16xf32> to vector<1x16xf32>
    %max3A_683 = arith.maximumf %slice3A_681, %slice3A_682 : vector<1x16xf32>
    %slice3A_684 = vector.extract_strided_slice %max3A_663 {offsets = [14, 0], sizes = [1, 16], strides = [1, 1]} : vector<30x16xf32> to vector<1x16xf32>
    %slice3A_685 = vector.extract_strided_slice %max3A_663 {offsets = [15, 0], sizes = [1, 16], strides = [1, 1]} : vector<30x16xf32> to vector<1x16xf32>
    %max3A_686 = arith.maximumf %slice3A_684, %slice3A_685 : vector<1x16xf32>
    %slice3A_687 = vector.extract_strided_slice %max3A_663 {offsets = [16, 0], sizes = [1, 16], strides = [1, 1]} : vector<30x16xf32> to vector<1x16xf32>
    %slice3A_688 = vector.extract_strided_slice %max3A_663 {offsets = [17, 0], sizes = [1, 16], strides = [1, 1]} : vector<30x16xf32> to vector<1x16xf32>
    %max3A_689 = arith.maximumf %slice3A_687, %slice3A_688 : vector<1x16xf32>
    %slice3A_690 = vector.extract_strided_slice %max3A_663 {offsets = [18, 0], sizes = [1, 16], strides = [1, 1]} : vector<30x16xf32> to vector<1x16xf32>
    %slice3A_691 = vector.extract_strided_slice %max3A_663 {offsets = [19, 0], sizes = [1, 16], strides = [1, 1]} : vector<30x16xf32> to vector<1x16xf32>
    %max3A_692 = arith.maximumf %slice3A_690, %slice3A_691 : vector<1x16xf32>
    %slice3A_693 = vector.extract_strided_slice %max3A_663 {offsets = [20, 0], sizes = [1, 16], strides = [1, 1]} : vector<30x16xf32> to vector<1x16xf32>
    %slice3A_694 = vector.extract_strided_slice %max3A_663 {offsets = [21, 0], sizes = [1, 16], strides = [1, 1]} : vector<30x16xf32> to vector<1x16xf32>
    %max3A_695 = arith.maximumf %slice3A_693, %slice3A_694 : vector<1x16xf32>
    %slice3A_696 = vector.extract_strided_slice %max3A_663 {offsets = [22, 0], sizes = [1, 16], strides = [1, 1]} : vector<30x16xf32> to vector<1x16xf32>
    %slice3A_697 = vector.extract_strided_slice %max3A_663 {offsets = [23, 0], sizes = [1, 16], strides = [1, 1]} : vector<30x16xf32> to vector<1x16xf32>
    %max3A_698 = arith.maximumf %slice3A_696, %slice3A_697 : vector<1x16xf32>
    %slice3A_699 = vector.extract_strided_slice %max3A_663 {offsets = [24, 0], sizes = [1, 16], strides = [1, 1]} : vector<30x16xf32> to vector<1x16xf32>
    %slice3A_700 = vector.extract_strided_slice %max3A_663 {offsets = [25, 0], sizes = [1, 16], strides = [1, 1]} : vector<30x16xf32> to vector<1x16xf32>
    %max3A_701 = arith.maximumf %slice3A_699, %slice3A_700 : vector<1x16xf32>
    %slice3A_702 = vector.extract_strided_slice %max3A_663 {offsets = [26, 0], sizes = [1, 16], strides = [1, 1]} : vector<30x16xf32> to vector<1x16xf32>
    %slice3A_703 = vector.extract_strided_slice %max3A_663 {offsets = [27, 0], sizes = [1, 16], strides = [1, 1]} : vector<30x16xf32> to vector<1x16xf32>
    %max3A_704 = arith.maximumf %slice3A_702, %slice3A_703 : vector<1x16xf32>
    %slice3A_705 = vector.extract_strided_slice %max3A_663 {offsets = [28, 0], sizes = [1, 16], strides = [1, 1]} : vector<30x16xf32> to vector<1x16xf32>
    %slice3A_706 = vector.extract_strided_slice %max3A_663 {offsets = [29, 0], sizes = [1, 16], strides = [1, 1]} : vector<30x16xf32> to vector<1x16xf32>
    %max3A_707 = arith.maximumf %slice3A_705, %slice3A_706 : vector<1x16xf32>
    %concatenate3A_708 = tpu.concatenate %max3A_665, %max3A_668, %max3A_671, %max3A_674, %max3A_677, %max3A_680, %max3A_683, %max3A_686, %max3A_689, %max3A_692, %max3A_695, %max3A_698, %max3A_701, %max3A_704, %max3A_707 in 0 : vector<1x16xf32>, vector<1x16xf32>, vector<1x16xf32>, vector<1x16xf32>, vector<1x16xf32>, vector<1x16xf32>, vector<1x16xf32>, vector<1x16xf32>, vector<1x16xf32>, vector<1x16xf32>, vector<1x16xf32>, vector<1x16xf32>, vector<1x16xf32>, vector<1x16xf32>, vector<1x16xf32> -> vector<15x16xf32>
    %slice3A_709 = vector.extract_strided_slice %concatenate3A_708 {offsets = [0, 0], sizes = [11, 16], strides = [1, 1]} : vector<15x16xf32> to vector<11x16xf32>
    %get3A_710 = arith.constant 0 : index
    %get3A_711 = arith.constant 0 : index
    %get3A_712 = vector.load %arg6[%get3A_710, %get3A_711] : memref<80x32xf32, #tpu.memory_space<vmem>>, vector<16x32xf32>
    %dot_general3A_713 = arith.constant dense<0.000000e+00> : vector<11x32xf32>
    %dot_general3A_714 = tpu.matmul %slice3A_709, %get3A_712, %dot_general3A_713 {dimension_numbers = #tpu.dot_dimension_numbers<[1], [0], [0], [1], [0, 0, 1, 1], [], []>, transpose_lhs_hint = false} : vector<11x16xf32>, vector<16x32xf32>, vector<11x32xf32> -> vector<11x32xf32>
    %slice3A_715 = vector.extract_strided_slice %concatenate3A_708 {offsets = [1, 0], sizes = [11, 16], strides = [1, 1]} : vector<15x16xf32> to vector<11x16xf32>
    %get3A_716 = arith.constant 16 : index
    %get3A_717 = arith.constant 0 : index
    %get3A_718 = vector.load %arg6[%get3A_716, %get3A_717] : memref<80x32xf32, #tpu.memory_space<vmem>>, vector<16x32xf32>
    %dot_general3A_719 = arith.constant dense<0.000000e+00> : vector<11x32xf32>
    %dot_general3A_720 = tpu.matmul %slice3A_715, %get3A_718, %dot_general3A_719 {dimension_numbers = #tpu.dot_dimension_numbers<[1], [0], [0], [1], [0, 0, 1, 1], [], []>, transpose_lhs_hint = false} : vector<11x16xf32>, vector<16x32xf32>, vector<11x32xf32> -> vector<11x32xf32>
    %add3A_721 = arith.addf %dot_general3A_714, %dot_general3A_720 : vector<11x32xf32>
    %slice3A_722 = vector.extract_strided_slice %concatenate3A_708 {offsets = [2, 0], sizes = [11, 16], strides = [1, 1]} : vector<15x16xf32> to vector<11x16xf32>
    %get3A_723 = arith.constant 32 : index
    %get3A_724 = arith.constant 0 : index
    %get3A_725 = vector.load %arg6[%get3A_723, %get3A_724] : memref<80x32xf32, #tpu.memory_space<vmem>>, vector<16x32xf32>
    %dot_general3A_726 = arith.constant dense<0.000000e+00> : vector<11x32xf32>
    %dot_general3A_727 = tpu.matmul %slice3A_722, %get3A_725, %dot_general3A_726 {dimension_numbers = #tpu.dot_dimension_numbers<[1], [0], [0], [1], [0, 0, 1, 1], [], []>, transpose_lhs_hint = false} : vector<11x16xf32>, vector<16x32xf32>, vector<11x32xf32> -> vector<11x32xf32>
    %add3A_728 = arith.addf %add3A_721, %dot_general3A_727 : vector<11x32xf32>
    %slice3A_729 = vector.extract_strided_slice %concatenate3A_708 {offsets = [3, 0], sizes = [11, 16], strides = [1, 1]} : vector<15x16xf32> to vector<11x16xf32>
    %get3A_730 = arith.constant 48 : index
    %get3A_731 = arith.constant 0 : index
    %get3A_732 = vector.load %arg6[%get3A_730, %get3A_731] : memref<80x32xf32, #tpu.memory_space<vmem>>, vector<16x32xf32>
    %dot_general3A_733 = arith.constant dense<0.000000e+00> : vector<11x32xf32>
    %dot_general3A_734 = tpu.matmul %slice3A_729, %get3A_732, %dot_general3A_733 {dimension_numbers = #tpu.dot_dimension_numbers<[1], [0], [0], [1], [0, 0, 1, 1], [], []>, transpose_lhs_hint = false} : vector<11x16xf32>, vector<16x32xf32>, vector<11x32xf32> -> vector<11x32xf32>
    %add3A_735 = arith.addf %add3A_728, %dot_general3A_734 : vector<11x32xf32>
    %slice3A_736 = vector.extract_strided_slice %concatenate3A_708 {offsets = [4, 0], sizes = [11, 16], strides = [1, 1]} : vector<15x16xf32> to vector<11x16xf32>
    %get3A_737 = arith.constant 64 : index
    %get3A_738 = arith.constant 0 : index
    %get3A_739 = vector.load %arg6[%get3A_737, %get3A_738] : memref<80x32xf32, #tpu.memory_space<vmem>>, vector<16x32xf32>
    %dot_general3A_740 = arith.constant dense<0.000000e+00> : vector<11x32xf32>
    %dot_general3A_741 = tpu.matmul %slice3A_736, %get3A_739, %dot_general3A_740 {dimension_numbers = #tpu.dot_dimension_numbers<[1], [0], [0], [1], [0, 0, 1, 1], [], []>, transpose_lhs_hint = false} : vector<11x16xf32>, vector<16x32xf32>, vector<11x32xf32> -> vector<11x32xf32>
    %add3A_742 = arith.addf %add3A_735, %dot_general3A_741 : vector<11x32xf32>
    %get3A_743 = arith.constant 0 : index
    %get3A_744 = arith.constant 0 : index
    %get3A_745 = vector.load %arg7[%get3A_743, %get3A_744] : memref<1x32xf32, #tpu.memory_space<vmem>>, vector<1x32xf32>
    %add3A_746 = vector.broadcast %get3A_745 : vector<1x32xf32> to vector<11x32xf32>
    %add3A_747 = arith.addf %add3A_742, %add3A_746 : vector<11x32xf32>
    %max3A_748 = arith.constant 0.000000e+00 : f32
    %max3A_749 = vector.broadcast %max3A_748 : f32 to vector<11x32xf32>
    %max3A_750 = arith.maximumf %add3A_747, %max3A_749 : vector<11x32xf32>
    %slice3A_751 = vector.extract_strided_slice %max3A_750 {offsets = [0, 0], sizes = [1, 32], strides = [1, 1]} : vector<11x32xf32> to vector<1x32xf32>
    %get3A_752 = arith.constant 0 : index
    %get3A_753 = arith.constant 0 : index
    %get3A_754 = vector.load %arg8[%get3A_752, %get3A_753] : memref<352x128xf32, #tpu.memory_space<vmem>>, vector<32x128xf32>
    %dot_general3A_755 = arith.constant dense<0.000000e+00> : vector<1x128xf32>
    %dot_general3A_756 = tpu.matmul %slice3A_751, %get3A_754, %dot_general3A_755 {dimension_numbers = #tpu.dot_dimension_numbers<[1], [0], [0], [1], [0, 0, 1, 1], [], []>, transpose_lhs_hint = false} : vector<1x32xf32>, vector<32x128xf32>, vector<1x128xf32> -> vector<1x128xf32>
    %slice3A_757 = vector.extract_strided_slice %max3A_750 {offsets = [1, 0], sizes = [1, 32], strides = [1, 1]} : vector<11x32xf32> to vector<1x32xf32>
    %get3A_758 = arith.constant 32 : index
    %get3A_759 = arith.constant 0 : index
    %get3A_760 = vector.load %arg8[%get3A_758, %get3A_759] : memref<352x128xf32, #tpu.memory_space<vmem>>, vector<32x128xf32>
    %dot_general3A_761 = arith.constant dense<0.000000e+00> : vector<1x128xf32>
    %dot_general3A_762 = tpu.matmul %slice3A_757, %get3A_760, %dot_general3A_761 {dimension_numbers = #tpu.dot_dimension_numbers<[1], [0], [0], [1], [0, 0, 1, 1], [], []>, transpose_lhs_hint = false} : vector<1x32xf32>, vector<32x128xf32>, vector<1x128xf32> -> vector<1x128xf32>
    %add3A_763 = arith.addf %dot_general3A_756, %dot_general3A_762 : vector<1x128xf32>
    %slice3A_764 = vector.extract_strided_slice %max3A_750 {offsets = [2, 0], sizes = [1, 32], strides = [1, 1]} : vector<11x32xf32> to vector<1x32xf32>
    %get3A_765 = arith.constant 64 : index
    %get3A_766 = arith.constant 0 : index
    %get3A_767 = vector.load %arg8[%get3A_765, %get3A_766] : memref<352x128xf32, #tpu.memory_space<vmem>>, vector<32x128xf32>
    %dot_general3A_768 = arith.constant dense<0.000000e+00> : vector<1x128xf32>
    %dot_general3A_769 = tpu.matmul %slice3A_764, %get3A_767, %dot_general3A_768 {dimension_numbers = #tpu.dot_dimension_numbers<[1], [0], [0], [1], [0, 0, 1, 1], [], []>, transpose_lhs_hint = false} : vector<1x32xf32>, vector<32x128xf32>, vector<1x128xf32> -> vector<1x128xf32>
    %add3A_770 = arith.addf %add3A_763, %dot_general3A_769 : vector<1x128xf32>
    %slice3A_771 = vector.extract_strided_slice %max3A_750 {offsets = [3, 0], sizes = [1, 32], strides = [1, 1]} : vector<11x32xf32> to vector<1x32xf32>
    %get3A_772 = arith.constant 96 : index
    %get3A_773 = arith.constant 0 : index
    %get3A_774 = vector.load %arg8[%get3A_772, %get3A_773] : memref<352x128xf32, #tpu.memory_space<vmem>>, vector<32x128xf32>
    %dot_general3A_775 = arith.constant dense<0.000000e+00> : vector<1x128xf32>
    %dot_general3A_776 = tpu.matmul %slice3A_771, %get3A_774, %dot_general3A_775 {dimension_numbers = #tpu.dot_dimension_numbers<[1], [0], [0], [1], [0, 0, 1, 1], [], []>, transpose_lhs_hint = false} : vector<1x32xf32>, vector<32x128xf32>, vector<1x128xf32> -> vector<1x128xf32>
    %add3A_777 = arith.addf %add3A_770, %dot_general3A_776 : vector<1x128xf32>
    %slice3A_778 = vector.extract_strided_slice %max3A_750 {offsets = [4, 0], sizes = [1, 32], strides = [1, 1]} : vector<11x32xf32> to vector<1x32xf32>
    %get3A_779 = arith.constant 128 : index
    %get3A_780 = arith.constant 0 : index
    %get3A_781 = vector.load %arg8[%get3A_779, %get3A_780] : memref<352x128xf32, #tpu.memory_space<vmem>>, vector<32x128xf32>
    %dot_general3A_782 = arith.constant dense<0.000000e+00> : vector<1x128xf32>
    %dot_general3A_783 = tpu.matmul %slice3A_778, %get3A_781, %dot_general3A_782 {dimension_numbers = #tpu.dot_dimension_numbers<[1], [0], [0], [1], [0, 0, 1, 1], [], []>, transpose_lhs_hint = false} : vector<1x32xf32>, vector<32x128xf32>, vector<1x128xf32> -> vector<1x128xf32>
    %add3A_784 = arith.addf %add3A_777, %dot_general3A_783 : vector<1x128xf32>
    %slice3A_785 = vector.extract_strided_slice %max3A_750 {offsets = [5, 0], sizes = [1, 32], strides = [1, 1]} : vector<11x32xf32> to vector<1x32xf32>
    %get3A_786 = arith.constant 160 : index
    %get3A_787 = arith.constant 0 : index
    %get3A_788 = vector.load %arg8[%get3A_786, %get3A_787] : memref<352x128xf32, #tpu.memory_space<vmem>>, vector<32x128xf32>
    %dot_general3A_789 = arith.constant dense<0.000000e+00> : vector<1x128xf32>
    %dot_general3A_790 = tpu.matmul %slice3A_785, %get3A_788, %dot_general3A_789 {dimension_numbers = #tpu.dot_dimension_numbers<[1], [0], [0], [1], [0, 0, 1, 1], [], []>, transpose_lhs_hint = false} : vector<1x32xf32>, vector<32x128xf32>, vector<1x128xf32> -> vector<1x128xf32>
    %add3A_791 = arith.addf %add3A_784, %dot_general3A_790 : vector<1x128xf32>
    %slice3A_792 = vector.extract_strided_slice %max3A_750 {offsets = [6, 0], sizes = [1, 32], strides = [1, 1]} : vector<11x32xf32> to vector<1x32xf32>
    %get3A_793 = arith.constant 192 : index
    %get3A_794 = arith.constant 0 : index
    %get3A_795 = vector.load %arg8[%get3A_793, %get3A_794] : memref<352x128xf32, #tpu.memory_space<vmem>>, vector<32x128xf32>
    %dot_general3A_796 = arith.constant dense<0.000000e+00> : vector<1x128xf32>
    %dot_general3A_797 = tpu.matmul %slice3A_792, %get3A_795, %dot_general3A_796 {dimension_numbers = #tpu.dot_dimension_numbers<[1], [0], [0], [1], [0, 0, 1, 1], [], []>, transpose_lhs_hint = false} : vector<1x32xf32>, vector<32x128xf32>, vector<1x128xf32> -> vector<1x128xf32>
    %add3A_798 = arith.addf %add3A_791, %dot_general3A_797 : vector<1x128xf32>
    %slice3A_799 = vector.extract_strided_slice %max3A_750 {offsets = [7, 0], sizes = [1, 32], strides = [1, 1]} : vector<11x32xf32> to vector<1x32xf32>
    %get3A_800 = arith.constant 224 : index
    %get3A_801 = arith.constant 0 : index
    %get3A_802 = vector.load %arg8[%get3A_800, %get3A_801] : memref<352x128xf32, #tpu.memory_space<vmem>>, vector<32x128xf32>
    %dot_general3A_803 = arith.constant dense<0.000000e+00> : vector<1x128xf32>
    %dot_general3A_804 = tpu.matmul %slice3A_799, %get3A_802, %dot_general3A_803 {dimension_numbers = #tpu.dot_dimension_numbers<[1], [0], [0], [1], [0, 0, 1, 1], [], []>, transpose_lhs_hint = false} : vector<1x32xf32>, vector<32x128xf32>, vector<1x128xf32> -> vector<1x128xf32>
    %add3A_805 = arith.addf %add3A_798, %dot_general3A_804 : vector<1x128xf32>
    %slice3A_806 = vector.extract_strided_slice %max3A_750 {offsets = [8, 0], sizes = [1, 32], strides = [1, 1]} : vector<11x32xf32> to vector<1x32xf32>
    %get3A_807 = arith.constant 256 : index
    %get3A_808 = arith.constant 0 : index
    %get3A_809 = vector.load %arg8[%get3A_807, %get3A_808] : memref<352x128xf32, #tpu.memory_space<vmem>>, vector<32x128xf32>
    %dot_general3A_810 = arith.constant dense<0.000000e+00> : vector<1x128xf32>
    %dot_general3A_811 = tpu.matmul %slice3A_806, %get3A_809, %dot_general3A_810 {dimension_numbers = #tpu.dot_dimension_numbers<[1], [0], [0], [1], [0, 0, 1, 1], [], []>, transpose_lhs_hint = false} : vector<1x32xf32>, vector<32x128xf32>, vector<1x128xf32> -> vector<1x128xf32>
    %add3A_812 = arith.addf %add3A_805, %dot_general3A_811 : vector<1x128xf32>
    %slice3A_813 = vector.extract_strided_slice %max3A_750 {offsets = [9, 0], sizes = [1, 32], strides = [1, 1]} : vector<11x32xf32> to vector<1x32xf32>
    %get3A_814 = arith.constant 288 : index
    %get3A_815 = arith.constant 0 : index
    %get3A_816 = vector.load %arg8[%get3A_814, %get3A_815] : memref<352x128xf32, #tpu.memory_space<vmem>>, vector<32x128xf32>
    %dot_general3A_817 = arith.constant dense<0.000000e+00> : vector<1x128xf32>
    %dot_general3A_818 = tpu.matmul %slice3A_813, %get3A_816, %dot_general3A_817 {dimension_numbers = #tpu.dot_dimension_numbers<[1], [0], [0], [1], [0, 0, 1, 1], [], []>, transpose_lhs_hint = false} : vector<1x32xf32>, vector<32x128xf32>, vector<1x128xf32> -> vector<1x128xf32>
    %add3A_819 = arith.addf %add3A_812, %dot_general3A_818 : vector<1x128xf32>
    %slice3A_820 = vector.extract_strided_slice %max3A_750 {offsets = [10, 0], sizes = [1, 32], strides = [1, 1]} : vector<11x32xf32> to vector<1x32xf32>
    %get3A_821 = arith.constant 320 : index
    %get3A_822 = arith.constant 0 : index
    %get3A_823 = vector.load %arg8[%get3A_821, %get3A_822] : memref<352x128xf32, #tpu.memory_space<vmem>>, vector<32x128xf32>
    %dot_general3A_824 = arith.constant dense<0.000000e+00> : vector<1x128xf32>
    %dot_general3A_825 = tpu.matmul %slice3A_820, %get3A_823, %dot_general3A_824 {dimension_numbers = #tpu.dot_dimension_numbers<[1], [0], [0], [1], [0, 0, 1, 1], [], []>, transpose_lhs_hint = false} : vector<1x32xf32>, vector<32x128xf32>, vector<1x128xf32> -> vector<1x128xf32>
    %add3A_826 = arith.addf %add3A_819, %dot_general3A_825 : vector<1x128xf32>
    %get3A_827 = arith.constant 0 : index
    %get3A_828 = arith.constant 0 : index
    %get3A_829 = vector.load %arg9[%get3A_827, %get3A_828] : memref<1x128xf32, #tpu.memory_space<vmem>>, vector<1x128xf32>
    %add3A_830 = arith.addf %add3A_826, %get3A_829 : vector<1x128xf32>
    %max3A_831 = arith.constant 0.000000e+00 : f32
    %max3A_832 = vector.broadcast %max3A_831 : f32 to vector<1x128xf32>
    %max3A_833 = arith.maximumf %add3A_830, %max3A_832 : vector<1x128xf32>
    %get3A_834 = arith.constant 0 : index
    %get3A_835 = arith.constant 0 : index
    %get3A_836 = vector.load %arg10[%get3A_834, %get3A_835] : memref<128x128xf32, #tpu.memory_space<vmem>>, vector<128x128xf32>
    %dot_general3A_837 = arith.constant dense<0.000000e+00> : vector<1x128xf32>
    %dot_general3A_838 = tpu.matmul %max3A_833, %get3A_836, %dot_general3A_837 {dimension_numbers = #tpu.dot_dimension_numbers<[1], [0], [0], [1], [0, 0, 1, 1], [], []>, transpose_lhs_hint = false} : vector<1x128xf32>, vector<128x128xf32>, vector<1x128xf32> -> vector<1x128xf32>
    %get3A_839 = arith.constant 0 : index
    %get3A_840 = arith.constant 0 : index
    %get3A_841 = vector.load %arg11[%get3A_839, %get3A_840] : memref<1x128xf32, #tpu.memory_space<vmem>>, vector<1x128xf32>
    %add3A_842 = arith.addf %dot_general3A_838, %get3A_841 : vector<1x128xf32>
    %iota3A_843 = tpu.iota {dimensions = array<i32: 1>} : vector<1x128xi32>
    %lt3A_844 = arith.constant 2 : i32
    %lt3A_845 = vector.broadcast %lt3A_844 : i32 to vector<1x128xi32>
    %lt3A_846 = arith.cmpi slt, %iota3A_843, %lt3A_845 : vector<1x128xi32>
    %jit3A_847 = arith.constant -1.000000e+30 : f32
    %broadcast_in_dim3A_848 = vector.broadcast %jit3A_847 : f32 to vector<1x128xf32>
    %select_n3A_849 = arith.select %lt3A_846, %add3A_842, %broadcast_in_dim3A_848 : vector<1x128xi1>, vector<1x128xf32>
    %reduce_max3A_850 = vector.shape_cast %select_n3A_849 : vector<1x128xf32> to vector<1x1x128xf32>
    %reduce_max3A_851 = arith.constant dense<0xFF800000> : vector<1xf32>
    %reduce_max3A_852 = vector.multi_reduction <maximumf>, %reduce_max3A_850, %reduce_max3A_851 [1, 2] : vector<1x1x128xf32> to vector<1xf32>
    %reduce_max3A_853 = vector.shape_cast %reduce_max3A_852 : vector<1xf32> to vector<1x1x1xf32>
    %reduce_max3A_854 = vector.extract %reduce_max3A_853[0, 0, 0] : f32 from vector<1x1x1xf32>
    %sub3A = vector.broadcast %reduce_max3A_854 : f32 to vector<1x128xf32>
    %sub3A_855 = arith.subf %add3A_842, %sub3A : vector<1x128xf32>
    %exp3A = math.exp %sub3A_855 : vector<1x128xf32>
    %jit3A_856 = arith.constant 0.000000e+00 : f32
    %broadcast_in_dim3A_857 = vector.broadcast %jit3A_856 : f32 to vector<1x128xf32>
    %select_n3A_858 = arith.select %lt3A_846, %exp3A, %broadcast_in_dim3A_857 : vector<1x128xi1>, vector<1x128xf32>
    %reduce_sum3A_859 = vector.shape_cast %select_n3A_858 : vector<1x128xf32> to vector<1x1x128xf32>
    %reduce_sum3A_860 = arith.constant dense<0.000000e+00> : vector<1xf32>
    %reduce_sum3A_861 = vector.multi_reduction <add>, %reduce_sum3A_859, %reduce_sum3A_860 [1, 2] : vector<1x1x128xf32> to vector<1xf32>
    %reduce_sum3A_862 = vector.shape_cast %reduce_sum3A_861 : vector<1xf32> to vector<1x1x1xf32>
    %reduce_sum3A_863 = vector.extract %reduce_sum3A_862[0, 0, 0] : f32 from vector<1x1x1xf32>
    %sub3A_864 = vector.broadcast %reduce_max3A_854 : f32 to vector<1x128xf32>
    %sub3A_865 = arith.subf %add3A_842, %sub3A_864 : vector<1x128xf32>
    %log3A = math.log %reduce_sum3A_863 : f32
    %sub3A_866 = vector.broadcast %log3A : f32 to vector<1x128xf32>
    %sub3A_867 = arith.subf %sub3A_865, %sub3A_866 : vector<1x128xf32>
    %swap3A = arith.constant 0 : index
    %swap3A_868 = arith.constant 0 : index
    %swap3A_869 = arith.constant 0 : index
    %swap3A_870 = vector.load %arg12[%swap3A, %swap3A_868, %swap3A_869] : memref<1x1x128xf32, #tpu.memory_space<vmem>>, vector<1x1x128xf32>
    %swap3A_871 = vector.shape_cast %swap3A_870 : vector<1x1x128xf32> to vector<1x128xf32>
    %swap3A_872 = vector.shape_cast %sub3A_867 : vector<1x128xf32> to vector<1x1x128xf32>
    tpu.vector_store %arg12[%swap3A, %swap3A_868, %swap3A_869], %swap3A_872 {strides = array<i32>} : memref<1x1x128xf32, #tpu.memory_space<vmem>>, vector<1x1x128xf32>,
    return
  }
  func.func @transform_0(%arg0: i32) -> (i32, i32) {
    %c0_i32 = arith.constant 0 : i32
    %c0_i32_0 = arith.constant 0 : i32
    %c0_i32_1 = arith.constant 0 : i32
    return %c0_i32, %c0_i32_0 : i32, i32
  }
  func.func @transform_1(%arg0: i32) -> (i32, i32) {
    %c0_i32 = arith.constant 0 : i32
    %c0_i32_0 = arith.constant 0 : i32
    %c0_i32_1 = arith.constant 0 : i32
    return %c0_i32, %c0_i32_0 : i32, i32
  }
  func.func @transform_2(%arg0: i32) -> (i32, i32) {
    %c0_i32 = arith.constant 0 : i32
    %c0_i32_0 = arith.constant 0 : i32
    %c0_i32_1 = arith.constant 0 : i32
    return %c0_i32, %c0_i32_0 : i32, i32
  }
  func.func @transform_3(%arg0: i32) -> (i32, i32) {
    %c0_i32 = arith.constant 0 : i32
    %c0_i32_0 = arith.constant 0 : i32
    %c0_i32_1 = arith.constant 0 : i32
    return %c0_i32, %c0_i32_0 : i32, i32
  }
  func.func @transform_4(%arg0: i32) -> (i32, i32) {
    %c0_i32 = arith.constant 0 : i32
    %c0_i32_0 = arith.constant 0 : i32
    %c0_i32_1 = arith.constant 0 : i32
    return %c0_i32, %c0_i32_0 : i32, i32
  }
  func.func @transform_5(%arg0: i32) -> (i32, i32) {
    %c0_i32 = arith.constant 0 : i32
    %c0_i32_0 = arith.constant 0 : i32
    %c0_i32_1 = arith.constant 0 : i32
    return %c0_i32, %c0_i32_0 : i32, i32
  }
  func.func @transform_6(%arg0: i32) -> (i32, i32) {
    %c0_i32 = arith.constant 0 : i32
    %c0_i32_0 = arith.constant 0 : i32
    %c0_i32_1 = arith.constant 0 : i32
    return %c0_i32, %c0_i32_0 : i32, i32
  }
  func.func @transform_7(%arg0: i32) -> (i32, i32) {
    %c0_i32 = arith.constant 0 : i32
    %c0_i32_0 = arith.constant 0 : i32
    %c0_i32_1 = arith.constant 0 : i32
    return %c0_i32, %c0_i32_0 : i32, i32
  }
  func.func @transform_8(%arg0: i32) -> (i32, i32) {
    %c0_i32 = arith.constant 0 : i32
    %c0_i32_0 = arith.constant 0 : i32
    %c0_i32_1 = arith.constant 0 : i32
    return %c0_i32, %c0_i32_0 : i32, i32
  }
  func.func @transform_9(%arg0: i32) -> (i32, i32) {
    %c0_i32 = arith.constant 0 : i32
    %c0_i32_0 = arith.constant 0 : i32
    %c0_i32_1 = arith.constant 0 : i32
    return %c0_i32, %c0_i32_0 : i32, i32
  }
  func.func @transform_10(%arg0: i32) -> (i32, i32) {
    %c0_i32 = arith.constant 0 : i32
    %c0_i32_0 = arith.constant 0 : i32
    %c0_i32_1 = arith.constant 0 : i32
    return %c0_i32, %c0_i32_0 : i32, i32
  }
  func.func @transform_11(%arg0: i32) -> (i32, i32, i32) {
    %c0_i32 = arith.constant 0 : i32
    %c0_i32_0 = arith.constant 0 : i32
    %c0_i32_1 = arith.constant 0 : i32
    return %arg0, %c0_i32, %c0_i32_0 : i32, i32, i32
  }
}

</mosaic_0001>

<sc_bundles>
// kernel: kernel.13.cloned.1.call-start
scs
__scs_entry_jumppad:
0x0: {  	(pc) =	sbr.rel $0x88, $3  }
0x1: {  	(tag) =	ssettag $0x0;
	lr =	simm.s32 $0x1  }
0x2: {  	[smem:$0x3F8E] =	sst lr;
	_ =	strace $0xD0000000  }
0x3: {  	_ = 	snop  }
0x4: {  	_ = 	snop  }
0x5: {  	_ = 	snop  }
0x6: {  	_ = 	snop  }
0x7: {  	_ = 	snop  }
__scs_overlays_trampoline_lowered:
0x8: {  	[smem:$0x3F9D] =	sst s0  }
0x9: {  	[smem:$0x3F9E] =	sst s1  }
0xa: {  	[smem:$0x3F9F] =	sst s2  }
0xb: {  	[smem:$0x3FA0] =	sst s3  }
0xc: {  	[smem:$0x3FA1] =	sst s4  }
0xd: {  	[smem:$0x3FA2] =	sst s5  }
0xe: {  	[smem:$0x3FA3] =	sst s6  }
0xf: {  	[smem:$0x3FA4] =	sst s7  }
0x10: {  	[smem:$0x3FA5] =	sst s8  }
0x11: {  	[smem:$0x3FA6] =	sst s9;
	s0 =	simm.s32 @!p0 $0x0  }
0x12: {  	s1 =	sld [smem:$0x3F8C];
	s0 =	simm.s32 @p0 $0x1  }
0x13: {  	[smem:$0x3FA7] =	sst s0;
	s0 =	simm.s32 @!p1 $0x0  }
0x14: {  	s2 =	sld [smem:$0x3F8B];
	s0 =	simm.s32 @p1 $0x1  }
0x15: {  	[smem:$0x3FA8] =	sst s0;
	s0 =	simm.s32 @!p2 $0x0  }
0x16: {  	s3 =	sld [smem:$0x3FDB];
	s0 =	simm.s32 @p2 $0x1  }
0x17: {  	s4 =	simm.s32 $0x1BF5;
	[smem:$0x3FAA] =	sst s0  }
0x18: {  	s0 =	sld [smem:$0x3F8D];
	_ =	swait.ge [sflag:s4], $0x0  }
0x19: {  	s7 =	sld [smem:$0x3F8E]  }
0x1a: {  	s8 =	sadd.s32 $0xFFFFE003, lr  }
0x1b: {  	s9 =	sadd.s32 $0xFFFFFEF7, lr;
	s5 =	simm.s32 $0xFFFFFFFF;
	p2 =	slt.u32 s8, $0xFFFFF086  }
0x1c: {  	p1 =	slt.u32 s9, $0xF7A;
	s5 =	simm.s32 @!p2 $0x0  }
0x1d: {  	s5 =	simm.s32 @p1 $0x1;
	p0 =	seq.s32 s7, s2  }
0x1e: {  	s7 =	smul.u32 @!p0 $0xF7A, s2;
	p2 =	seq.s32 @!p0 s5, $0x0  }
0x1f: {  	s9 =	smul.u32 $0xF7A, s1;
	s8 =	simm.s32 @!p0 $0x1BF5;
	p2 =	por !p2, p0  }
0x20: {  	[sflag:s8] =	ssyncset.s32 @!p0 $0xFFFFF086;
	s6 =	sadd.s32 @!p0 s3, s7;
	s7 =	simm.s32 @!p0 $0x108  }
0x21: {  	s3 =	sadd.s32 s3, s9;
	s6 =	sadd.s32 @!p0 $0x88, s6;
	s7 =	simm.s32 @p2 $0x1082  }
0x22: {  	[simem:s7], [sflag:s8] =	dma.local @!p0 [hbm:s6], $0xF7A  }
0x23: {  	s9 =	sor.u32 $0xD0000000, s2;
	s6 =	simm.s32 $0x108;
	_ =	swait.ge @!p0 [sflag:s8], $0x0  }
0x24: {  	s3 =	sadd.s32 $0x88, s3;
	s6 =	simm.s32 @!p1 $0x1082;
	[sflag:s4] =	ssyncset.s32 $0xFFFFF086  }
0x25: {  	[simem:s6], [sflag:s4] =	dma.local [hbm:s3], $0xF7A  }
0x26: {  	[smem:$0x3F8E] =	sst s1;
	(tag) =	ssettag s2;
	_ =	strace s9  }
0x27: {  	s1 =	sld [smem:$0x3F9E]  }
0x28: {  	s2 =	sld [smem:$0x3F9F]  }
0x29: {  	s4 =	sld [smem:$0x3FA1]  }
0x2a: {  	p0 =	seq.s32 s5, $0x0;
	s5 =	sld [smem:$0x3FA2]  }
0x2b: {  	s6 =	sld [smem:$0x3FA3]  }
0x2c: {  	s7 =	sld [smem:$0x3FA4]  }
0x2d: {  	s3 =	simm.s32 $0x108;
	s8 =	sld [smem:$0x3FA5]  }
0x2e: {  	s3 =	simm.s32 @!p0 $0x1082;
	s9 =	sld [smem:$0x3FA6]  }
0x2f: {  	lr =	sadd.s32 s0, s3;
	s0 =	sld [smem:$0x3F9D]  }
0x30: {  	s3 =	sld [smem:$0x3FA0]  }
0x31: {  	[smem:$0x3FA9] =	sst s10  }
0x32: {  	s10 =	sld [smem:$0x3FA7];
	_ =	sdelay $0x3  }
0x33: {  	p0 =	seq.s32 s10, $0x1;
	s10 =	sld [smem:$0x3FA9];
	_ =	sdelay $0x3  }
0x34: {  	[smem:$0x3FA9] =	sst s10  }
0x35: {  	s10 =	sld [smem:$0x3FA8];
	_ =	sdelay $0x3  }
0x36: {  	p1 =	seq.s32 s10, $0x1;
	s10 =	sld [smem:$0x3FA9];
	_ =	sdelay $0x3  }
0x37: {  	[smem:$0x3FA9] =	sst s10  }
0x38: {  	s10 =	sld [smem:$0x3FAA]  }
0x39: {  	_ = 	snop;
	(pc) =	sbr.ind lr, $3  }
0x3a: {  	_ = 	snop  }
0x3b: {  	_ = 	snop  }
0x3c: {  	p2 =	seq.s32 s10, $0x1;
	s10 =	sld [smem:$0x3FA9]  }
0x3d: {  	_ =	shalt  }
0x3e: {  	_ =	shalt  }
0x3f: {  	_ =	shalt  }
0x40: {  	_ =	shalt  }
0x41: {  	_ =	shalt  }
0x42: {  	_ =	shalt  }
0x43: {  	_ =	shalt  }
0x44: {  	_ =	shalt  }
0x45: {  	_ =	shalt  }
0x46: {  	_ =	shalt  }
0x47: {  	_ =	shalt  }
0x48: {  	_ =	shalt  }
0x49: {  	_ =	shalt  }
0x4a: {  	_ =	shalt  }
0x4b: {  	_ =	shalt  }
0x4c: {  	_ =	shalt  }
0x4d: {  	_ =	shalt  }
0x4e: {  	_ =	shalt  }
0x4f: {  	_ =	shalt  }
0x50: {  	_ =	shalt  }
0x51: {  	_ =	shalt  }
0x52: {  	_ =	shalt  }
0x53: {  	_ =	shalt  }
0x54: {  	_ =	shalt  }
0x55: {  	_ =	shalt  }
0x56: {  	_ =	shalt  }
0x57: {  	_ =	shalt  }
0x58: {  	_ =	shalt  }
0x59: {  	_ =	shalt  }
0x5a: {  	_ =	shalt  }
0x5b: {  	_ =	shalt  }
0x5c: {  	_ =	shalt  }
0x5d: {  	_ =	shalt  }
0x5e: {  	_ =	shalt  }
0x5f: {  	_ =	shalt  }
0x60: {  	_ =	shalt  }
0x61: {  	_ =	shalt  }
0x62: {  	_ =	shalt  }
0x63: {  	_ =	shalt  }
0x64: {  	_ =	shalt  }
0x65: {  	_ =	shalt  }
0x66: {  	_ =	shalt  }
0x67: {  	_ =	shalt  }
0x68: {  	_ =	shalt  }
0x69: {  	_ =	shalt  }
0x6a: {  	_ =	shalt  }
0x6b: {  	_ =	shalt  }
0x6c: {  	_ =	shalt  }
0x6d: {  	_ =	shalt  }
0x6e: {  	_ =	shalt  }
0x6f: {  	_ =	shalt  }
0x70: {  	_ =	shalt  }
0x71: {  	_ =	shalt  }
0x72: {  	_ =	shalt  }
0x73: {  	_ =	shalt  }
0x74: {  	_ =	shalt  }
0x75: {  	_ =	shalt  }
0x76: {  	_ =	shalt  }
0x77: {  	_ =	shalt  }
0x78: {  	_ =	shalt  }
0x79: {  	_ =	shalt  }
0x7a: {  	_ =	shalt  }
0x7b: {  	_ =	shalt  }
0x7c: {  	_ =	shalt  }
0x7d: {  	_ =	shalt  }
0x7e: {  	_ =	shalt  }
0x7f: {  	_ =	shalt  }
0x80: {  	_ =	shalt  }
0x81: {  	_ =	shalt  }
0x82: {  	_ =	shalt  }
0x83: {  	_ =	shalt  }
0x84: {  	_ =	shalt  }
0x85: {  	_ =	shalt  }
0x86: {  	_ =	shalt  }
0x87: {  	_ =	shalt  }
.Lfunc_end0:
.L_simem_size_0:
called_computation_lowered:
.L_overlay_start_0:
0x88: {  	s2 =	sld [smem:$0x3FD9]  }
0x89: {  	s3 =	sld [smem:$0x3FFE];
	_ =	sdelay $0x1  }
0x8a: {  	s1 =	srdreg.scid  }
0x8b: {  	s0 =	sand.u32 $0x1, s1  }
0x8c: {  	s16 =	sshll.u32 s0, $0xA;
	s2 =	sadd.s32 s3, s2  }
0x8d: {  	s2 =	sadd.s32 s2, s16  }
0x8e: {  	[smem:$0x3FB5] =	sst s2  }
0x8f: {  	_ = 	snop  }
0x90: {  	(tm) =	ssettm $0x1  }
0x91: {  	s17 =	sld [smem:$0x3FFB];
	_ =	sdelay $0x3  }
0x92: {  	_ =	strace s17  }
0x93: {  	s2 =	sld [smem:$0x3FFC];
	_ =	sdelay $0x3  }
0x94: {  	_ =	strace s2  }
0x95: {  	s2 =	sld [smem:$0x3FFD];
	_ =	sdelay $0x3  }
0x96: {  	_ =	strace s2  }
0x97: {  	_ =	strace $0x8FFFFFFF  }
0x98: {  	s18 =	sld [smem:$0x3FDB];
	_ =	sdelay $0x1  }
0x99: {  	s19 =	simm.s32 $_scs_section_size  }
0x9a: {  	s4 =	simm.s32 $_size__tile_overlayer_lowered;
	s5 =	simm.s32 $_tile_overlayer_lowered  }
0x9b: {  	s22 =	simm.s32 $0x1BFF;
	s21 =	sshll.u32 s5, $0x1;
	s2 =	sadd.s32 s19, s18  }
0x9c: {  	s6 =	simm.s32 $0x0;
	s20 =	sshll.u32 s4, $0x1;
	s4 =	sadd.s32 s21, s2  }
0x9d: {  	[timem:s6], [sflag:s22] =	dma.local [hbm:s4], s20  }
0x9e: {  	_ =	swait.ge [sflag:s22], s20  }
0x9f: {  	s3 =	ssub.s32 $0x0, s20;
	[sflag:s22] =	ssyncset.done $0x0  }
0xa0: {  	[sflag:s22] =	ssyncadd.s32 s3;
	_ =	sdelay $0x1  }
0xa1: {  	s23 =	simm.s32 $0x1B8B  }
0xa2: {  	_ =	swait.ge [sflag:s23], $0x1  }
0xa3: {  	[sflag:s23] =	ssyncset.done $0x0  }
0xa4: {  	s25 =	simm.s32 $0x1B8E;
	s24 =	sld [smem:$0x3FFE];
	[sflag:s23] =	ssyncadd.s32 $0xFFFFFFFF  }
0xa5: {  	s26 =	simm.s32 $execute0_lowered;
	[smem:$0x3FD2] =	sst s25  }
0xa6: {  	s4 =	sshll.u32 s26, $0x1;
	_ =	strace $0x80000046;
	[dreg:$0x1] =	wrdreg $0xFFFFFFFF  }
0xa7: {  	s28 =	simm.s32 $_size_execute0_lowered;
	s2 =	sadd.s32 s2, s4;
	[dreg:$0x0] =	wrdreg $0x0  }
0xa8: {  	s4 =	sshll.u32 s28, $0x1;
	[dreg:$0x2] =	wrdreg s2  }
0xa9: {  	[dreg:$0x3] =	wrdreg s4  }
0xaa: {  	[dreg:$0x4] =	wrdreg $0xC0  }
0xab: {  	_ =	task [dreg:s6], $0x5FFFF  }
0xac: {  	[dreg:$0x1] =	wrdreg $0xFFFFFFFF  }
0xad: {  	[dreg:$0x0] =	wrdreg $0x60  }
0xae: {  	[dreg:$0x2] =	wrdreg s24  }
0xaf: {  	[dreg:$0x3] =	wrdreg $0x5A00  }
0xb0: {  	[dreg:$0x4] =	wrdreg $0x9  }
0xb1: {  	_ =	task.clear_ibuf [dreg:s6], $0x5FFFF;
	_ =	strace $0x90000046  }
0xb2: {  	s29 =	simm.s32 $0x9;
	_ =	strace $0x80000048  }
0xb3: {  	_ =	swait.ge [sflag:s29], $0x1  }
0xb4: {  	[sflag:s29] =	ssyncadd.s32 $0xFFFFFFFF  }
0xb5: {  	_ =	strace $0x90000048  }
0xb6: {  	_ =	sfence  }
0xb7: {  	s30 =	sld [smem:$0x0];
	_ =	sdelay $0x2  }
0xb8: {  	s31 =	sshll.u32 s1, $0xD;
	s1 =	sshrl.u32 s1, $0x2  }
0xb9: {  	s3 =	sand.u32 $0x4000, s31;
	s1 =	sadd.s32 s1, s30  }
0xba: {  	s0 =	sor.u32 s3, s0;
	s1 =	sshll.u32 s1, $0x11  }
0xbb: {  	s0 =	sor.u32 s1, s0  }
0xbc: {  	s0 =	sadd.s32 $0x8F2B, s0  }
0xbd: {  	[sflag:s0] =	ssyncadd.remote.s32 $0x1  }
0xbe: {  	_ =	sfence.sel $0xFFFF  }
0xbf: {  	[dreg:$0x0] =	wrdreg $0xFFFFFFFF;
	(pc) =	sbr.abs _section_cstart, $3  }
0xc0: {  	[dreg:$0x1] =	wrdreg $0xFFFFFFFF  }
0xc1: {  	_ =	task.clear_ibuf [dreg:s6], $0x2FFFF;
	_ =	strace $0x9FFFFFFF  }
0xc2: {  	(tm) =	ssettm $0x7FFFFFFF  }
0xc3: {  	_ =	shalt  }
tec
execute0_lowered:
.L_overlay_start_1:
0x0: {  	(tag) =	ssettag $0x1  }
0x1: {  	s1 =	srdreg.scid;
	s5 =	rddreg [dreg:$0x0]  }
0x2: {  	s0 =	stileid.u32;
	s2 =	rddreg [dreg:$0x1];
	s3 =	simm.s32 $0x0  }
0x3: {  	s13 =	simm.s32 $0x50;
	s14 =	simm.s32 $0xA0;
	s4 =	smul.u32 $0x4E20, s0  }
0x4: {  	s6 =	sand.u32 $0x1, s1;
	s1 =	rddreg [dreg:$0x2];
	s29 =	smul.u32 $0x2800, s0  }
0x5: {  	s15 =	simm.s32 $0x0;
	[smem:$0x7FF] =	sst s3;
	s7 =	smul.u32 $0x2710, s6  }
0x6: {  	s31 =	sshll.u32 s0, $0x6;
	s9 =	smul.u32 $0x28000, s6;
	s6 =	ssub.s32 $0x2, s6  }
0x7: {  	_ =	strace $0x80000047;
	s30 =	sshrl.u32 s29, $0x3;
	s11 =	sshrl.u32 s6, $0x1  }
0x8: {  	s12 =	sadd.s32 s29, s2;
	s4 =	sadd.s32 s7, s4;
	s9 =	sadd.s32 s29, s9  }
0x9: {  	s11 =	ssub.s32 s6, s11;
	s6 =	sor.u32 $0x1C01, s31;
	s8 =	sshrl.u32 s4, $0x3  }
0xa: {  	s9 =	sshrl.u32 s9, $0x3;
	s10 =	sadd.s32 s8, s5;
	s8 =	sadd.s32 s30, s5  }
0xb: {  	s4 =	sadd.s32 $0x18400, s5;
	s9 =	sadd.s32 s9, s5;
	s5 =	sadd.s32 $0x1D400, s8  }
0xc: {  	s7 =	sadd.s32 $0x22400, s9;
	s8 =	smax.u32 s11, $0x1;
	s9 =	sadd.s32 $0xE600, s10  }
0xd: {  	s10 =	sadd.s32 $0x4800, s10;
	s11 =	sshrl.u32 s12, $0x3;
	s12 =	simm.s32 $0x1  }
.LBB2_1:
0xe: {  	[spmem:s11], [sflag:s6] =	dma.local [hbm:s5], $0x500  }
0xf: {  	_ =	swait.ge [sflag:s12], $0x500  }
0x10: {  	[sflag:s12] =	ssyncset.done $0x0  }
0x11: {  	[sflag:s12] =	ssyncadd.s32 $0xFFFFFB00  }
0x12: {  	s16 =	sadd.s32 $0x0, s10;
	[bflag:$0x0] =	sbarrier.arrive $0xFFFF  }
0x13: {  	[tilespmem:s3], [sflag:$0x1] =	stream.linear.gather [hbm4b:s16+s3], $0x50, $0x38;
	[tilespmem:$0x2DA0] =	vst v63  }
0x14: {  	_ =	swait.ge [sflag:s12], $0x50  }
0x15: {  	[sflag:s12] =	ssyncset.done $0x0  }
0x16: {  	s31 =	sadd.s32 $0x0, s9;
	[sflag:s12] =	ssyncadd.s32 $0xFFFFFFB0  }
0x17: {  	[tilespmem:s13], [sflag:$0x1] =	stream.linear.gather [hbm4b:s31+s3], $0x50, $0x38;
	[tilespmem:$0x2DA0] =	vst v63  }
0x18: {  	_ =	swait.ge [sflag:s12], $0x50  }
0x19: {  	[sflag:s12] =	ssyncset.done $0x0  }
0x1a: {  	[sflag:s12] =	ssyncadd.s32 $0xFFFFFFB0  }
0x1b: {  	[tilespmem:s14], [sflag:$0x1] =	stream.indirect.gather [hbm4b:s4+s13], $0x10, s3, s13, $0xb8;
	[tilespmem:$0x2DA0] =	vst v63  }
0x1c: {  	_ =	swait.ge [sflag:s12], $0x500  }
0x1d: {  	[sflag:s12] =	ssyncset.done $0x0  }
0x1e: {  	[sflag:s12] =	ssyncadd.s32 $0xFFFFFB00  }
0x1f: {  	[spmem:s2] =	stream.indirect.scatter.add.f32 [tilespmem:s14], [sflag:$0x1], $0x10, s13, s13, $0xb8;
	[tilespmem:$0x2DA0] =	vst v63  }
0x20: {  	_ =	swait.ge [sflag:s12], $0x500  }
0x21: {  	s17 =	simm.s32 $0x14;
	s16 =	simm.s32 $0xA;
	[sflag:s12] =	ssyncset.done $0x0  }
.LBB2_2:
0x22: {  	s18 =	sadd.s32 s16, s10  }
0x23: {  	[sflag:s12] =	ssyncadd.s32 $0xFFFFFB00;
	s19 =	smov.u32 s17;
	s20 =	sadd.s32 $0xA, s17  }
0x24: {  	[tilespmem:s3], [sflag:$0x1] =	stream.linear.gather [hbm4b:s18+s3], $0x50, $0x38;
	[tilespmem:$0x2DA0] =	vst v63  }
0x25: {  	p0 =	sne.s32 s17, $0x4D8;
	_ =	swait.ge [sflag:s12], $0x50  }
0x26: {  	[sflag:s12] =	ssyncset.done $0x0  }
0x27: {  	s17 =	sadd.s32 s16, s9;
	s16 =	smov.u32 s19;
	[sflag:s12] =	ssyncadd.s32 $0xFFFFFFB0  }
0x28: {  	[tilespmem:s13], [sflag:$0x1] =	stream.linear.gather [hbm4b:s17+s3], $0x50, $0x38;
	[tilespmem:$0x2DA0] =	vst v63  }
0x29: {  	_ =	swait.ge [sflag:s12], $0x50  }
0x2a: {  	[sflag:s12] =	ssyncset.done $0x0  }
0x2b: {  	[sflag:s12] =	ssyncadd.s32 $0xFFFFFFB0  }
0x2c: {  	[tilespmem:s14], [sflag:$0x1] =	stream.indirect.gather [hbm4b:s4+s13], $0x10, s3, s13, $0xb8;
	[tilespmem:$0x2DA0] =	vst v63  }
0x2d: {  	_ =	swait.ge [sflag:s12], $0x500  }
.Ltmp0:
0x2e: {  	[sflag:s12] =	ssyncset.done $0x0;
	(pc) =	sbr.rel @p0 .LBB2_2-.Ltmp0, $4  }
0x2f: {  	[sflag:s12] =	ssyncadd.s32 $0xFFFFFB00  }
0x30: {  	[spmem:s2] =	stream.indirect.scatter.add.f32 [tilespmem:s14], [sflag:$0x1], $0x10, s13, s13, $0xb8;
	[tilespmem:$0x2DA0] =	vst v63  }
0x31: {  	_ =	swait.ge [sflag:s12], $0x500  }
0x32: {  	s17 =	smov.u32 s20;
	[sflag:s12] =	ssyncset.done $0x0  }
0x33: {  	s17 =	sadd.s32 s16, s10;
	[sflag:s12] =	ssyncadd.s32 $0xFFFFFB00  }
0x34: {  	[tilespmem:s3], [sflag:$0x1] =	stream.linear.gather [hbm4b:s17+s3], $0x50, $0x38;
	[tilespmem:$0x2DA0] =	vst v63  }
0x35: {  	_ =	swait.ge [sflag:s12], $0x50  }
0x36: {  	[sflag:s12] =	ssyncset.done $0x0  }
0x37: {  	s31 =	sadd.s32 s16, s9;
	[sflag:s12] =	ssyncadd.s32 $0xFFFFFFB0  }
0x38: {  	[tilespmem:s13], [sflag:$0x1] =	stream.linear.gather [hbm4b:s31+s3], $0x50, $0x38;
	[tilespmem:$0x2DA0] =	vst v63  }
0x39: {  	_ =	swait.ge [sflag:s12], $0x50  }
0x3a: {  	[sflag:s12] =	ssyncset.done $0x0  }
0x3b: {  	[sflag:s12] =	ssyncadd.s32 $0xFFFFFFB0  }
0x3c: {  	[tilespmem:s14], [sflag:$0x1] =	stream.indirect.gather [hbm4b:s4+s13], $0x10, s3, s13, $0xb8;
	[tilespmem:$0x2DA0] =	vst v63  }
0x3d: {  	_ =	swait.ge [sflag:s12], $0x500  }
0x3e: {  	[sflag:s12] =	ssyncset.done $0x0  }
0x3f: {  	[sflag:s12] =	ssyncadd.s32 $0xFFFFFB00  }
0x40: {  	[spmem:s2] =	stream.indirect.scatter.add.f32 [tilespmem:s14], [sflag:$0x1], $0x10, s13, s13, $0xb8;
	[tilespmem:$0x2DA0] =	vst v63  }
0x41: {  	_ =	swait.ge [sflag:s12], $0x500  }
0x42: {  	s15 =	sadd.s32 $0x1, s15;
	[sflag:s12] =	ssyncset.done $0x0  }
0x43: {  	p0 =	sne.s32 s15, s8;
	[sflag:s12] =	ssyncadd.s32 $0xFFFFFB00  }
.Ltmp1:
0x44: {  	[bflag:$0x0] =	sbarrier.arrive $0xFFFF;
	(pc) =	sbr.rel @p0 .LBB2_1-.Ltmp1, $4  }
0x45: {  	[hbm:s7], [sflag:s6] =	dma.local [spmem:s11], $0x500  }
0x46: {  	_ =	swait.ge [sflag:s12], $0x500  }
0x47: {  	[sflag:s12] =	ssyncset.done $0x0  }
0x48: {  	[sflag:s12] =	ssyncadd.s32 $0xFFFFFB00  }
0x49: {  	_ =	sfence.sel $0x180000  }
0x4a: {  	[bflag:$0x0] =	sbarrier.arrive $0xFFFF  }
0x4b: {  	p0 =	sne.s32 s0, $0x0;
	_ =	strace $0x90000047  }
0x4c: {  	s0 =	sadd.s32 @!p0 $0x100000, s1;
	[bflag:$0x2] =	sbarrier.arrive $0xFFFF  }
0x4d: {  	[sflag:s0] =	ssyncadd.tile.s32 @!p0 $0x1;
	_ =	shalt  }
.Lfunc_end2:
_tile_overlayer_lowered:
.L_overlay_start_2:
0x4e: {  	(tag) =	ssettag $0x2  }
0x4f: {  	s0 =	rddreg [dreg:$0x0];
	s2 =	stileid.u32  }
0x50: {  	s1 =	rddreg [dreg:$0x1];
	p0 =	sne.s32 s2, $0x0  }
0x51: {  	s3 =	rddreg [dreg:$0x2];
	[bflag:$0x3] =	sbarrier.arrive $0xFFFF;
	s2 =	simm.s32 @!p0 $0x1C01  }
0x52: {  	[timem:s3], [sflag:s2] =	dma.local @!p0 [hbm:s0], s1  }
0x53: {  	s0 =	simm.s32 @!p0 $0x1  }
0x54: {  	_ =	swait.ge @!p0 [sflag:s0], s1  }
0x55: {  	s1 =	ssub.s32 @!p0 $0x0, s1;
	[sflag:s0] =	ssyncset.done @!p0 $0x0  }
0x56: {  	[sflag:s0] =	ssyncadd.s32 @!p0 s1  }
0x57: {  	[bflag:$0x3] =	sbarrier.arrive $0xFFFF  }
0x58: {  	_ =	shalt  }

// kernel: kernel.16.cloned.1.call-start
scs
__scs_entry_jumppad:
0x0: {  	(pc) =	sbr.rel $0x88, $3  }
0x1: {  	(tag) =	ssettag $0x0;
	lr =	simm.s32 $0x1  }
0x2: {  	[smem:$0x3F8E] =	sst lr;
	_ =	strace $0xD0000000  }
0x3: {  	_ = 	snop  }
0x4: {  	_ = 	snop  }
0x5: {  	_ = 	snop  }
0x6: {  	_ = 	snop  }
0x7: {  	_ = 	snop  }
__scs_overlays_trampoline_lowered:
0x8: {  	[smem:$0x3F9D] =	sst s0  }
0x9: {  	[smem:$0x3F9E] =	sst s1  }
0xa: {  	[smem:$0x3F9F] =	sst s2  }
0xb: {  	[smem:$0x3FA0] =	sst s3  }
0xc: {  	[smem:$0x3FA1] =	sst s4  }
0xd: {  	[smem:$0x3FA2] =	sst s5  }
0xe: {  	[smem:$0x3FA3] =	sst s6  }
0xf: {  	[smem:$0x3FA4] =	sst s7  }
0x10: {  	[smem:$0x3FA5] =	sst s8  }
0x11: {  	[smem:$0x3FA6] =	sst s9;
	s0 =	simm.s32 @!p0 $0x0  }
0x12: {  	s1 =	sld [smem:$0x3F8C];
	s0 =	simm.s32 @p0 $0x1  }
0x13: {  	[smem:$0x3FA7] =	sst s0;
	s0 =	simm.s32 @!p1 $0x0  }
0x14: {  	s2 =	sld [smem:$0x3F8B];
	s0 =	simm.s32 @p1 $0x1  }
0x15: {  	[smem:$0x3FA8] =	sst s0;
	s0 =	simm.s32 @!p2 $0x0  }
0x16: {  	s3 =	sld [smem:$0x3FDB];
	s0 =	simm.s32 @p2 $0x1  }
0x17: {  	s4 =	simm.s32 $0x1BF5;
	[smem:$0x3FAA] =	sst s0  }
0x18: {  	s0 =	sld [smem:$0x3F8D];
	_ =	swait.ge [sflag:s4], $0x0  }
0x19: {  	s7 =	sld [smem:$0x3F8E]  }
0x1a: {  	s8 =	sadd.s32 $0xFFFFE003, lr  }
0x1b: {  	s9 =	sadd.s32 $0xFFFFFEF7, lr;
	s5 =	simm.s32 $0xFFFFFFFF;
	p2 =	slt.u32 s8, $0xFFFFF086  }
0x1c: {  	p1 =	slt.u32 s9, $0xF7A;
	s5 =	simm.s32 @!p2 $0x0  }
0x1d: {  	s5 =	simm.s32 @p1 $0x1;
	p0 =	seq.s32 s7, s2  }
0x1e: {  	s7 =	smul.u32 @!p0 $0xF7A, s2;
	p2 =	seq.s32 @!p0 s5, $0x0  }
0x1f: {  	s9 =	smul.u32 $0xF7A, s1;
	s8 =	simm.s32 @!p0 $0x1BF5;
	p2 =	por !p2, p0  }
0x20: {  	[sflag:s8] =	ssyncset.s32 @!p0 $0xFFFFF086;
	s6 =	sadd.s32 @!p0 s3, s7;
	s7 =	simm.s32 @!p0 $0x108  }
0x21: {  	s3 =	sadd.s32 s3, s9;
	s6 =	sadd.s32 @!p0 $0x88, s6;
	s7 =	simm.s32 @p2 $0x1082  }
0x22: {  	[simem:s7], [sflag:s8] =	dma.local @!p0 [hbm:s6], $0xF7A  }
0x23: {  	s9 =	sor.u32 $0xD0000000, s2;
	s6 =	simm.s32 $0x108;
	_ =	swait.ge @!p0 [sflag:s8], $0x0  }
0x24: {  	s3 =	sadd.s32 $0x88, s3;
	s6 =	simm.s32 @!p1 $0x1082;
	[sflag:s4] =	ssyncset.s32 $0xFFFFF086  }
0x25: {  	[simem:s6], [sflag:s4] =	dma.local [hbm:s3], $0xF7A  }
0x26: {  	[smem:$0x3F8E] =	sst s1;
	(tag) =	ssettag s2;
	_ =	strace s9  }
0x27: {  	s1 =	sld [smem:$0x3F9E]  }
0x28: {  	s2 =	sld [smem:$0x3F9F]  }
0x29: {  	s4 =	sld [smem:$0x3FA1]  }
0x2a: {  	p0 =	seq.s32 s5, $0x0;
	s5 =	sld [smem:$0x3FA2]  }
0x2b: {  	s6 =	sld [smem:$0x3FA3]  }
0x2c: {  	s7 =	sld [smem:$0x3FA4]  }
0x2d: {  	s3 =	simm.s32 $0x108;
	s8 =	sld [smem:$0x3FA5]  }
0x2e: {  	s3 =	simm.s32 @!p0 $0x1082;
	s9 =	sld [smem:$0x3FA6]  }
0x2f: {  	lr =	sadd.s32 s0, s3;
	s0 =	sld [smem:$0x3F9D]  }
0x30: {  	s3 =	sld [smem:$0x3FA0]  }
0x31: {  	[smem:$0x3FA9] =	sst s10  }
0x32: {  	s10 =	sld [smem:$0x3FA7];
	_ =	sdelay $0x3  }
0x33: {  	p0 =	seq.s32 s10, $0x1;
	s10 =	sld [smem:$0x3FA9];
	_ =	sdelay $0x3  }
0x34: {  	[smem:$0x3FA9] =	sst s10  }
0x35: {  	s10 =	sld [smem:$0x3FA8];
	_ =	sdelay $0x3  }
0x36: {  	p1 =	seq.s32 s10, $0x1;
	s10 =	sld [smem:$0x3FA9];
	_ =	sdelay $0x3  }
0x37: {  	[smem:$0x3FA9] =	sst s10  }
0x38: {  	s10 =	sld [smem:$0x3FAA]  }
0x39: {  	_ = 	snop;
	(pc) =	sbr.ind lr, $3  }
0x3a: {  	_ = 	snop  }
0x3b: {  	_ = 	snop  }
0x3c: {  	p2 =	seq.s32 s10, $0x1;
	s10 =	sld [smem:$0x3FA9]  }
0x3d: {  	_ =	shalt  }
0x3e: {  	_ =	shalt  }
0x3f: {  	_ =	shalt  }
0x40: {  	_ =	shalt  }
0x41: {  	_ =	shalt  }
0x42: {  	_ =	shalt  }
0x43: {  	_ =	shalt  }
0x44: {  	_ =	shalt  }
0x45: {  	_ =	shalt  }
0x46: {  	_ =	shalt  }
0x47: {  	_ =	shalt  }
0x48: {  	_ =	shalt  }
0x49: {  	_ =	shalt  }
0x4a: {  	_ =	shalt  }
0x4b: {  	_ =	shalt  }
0x4c: {  	_ =	shalt  }
0x4d: {  	_ =	shalt  }
0x4e: {  	_ =	shalt  }
0x4f: {  	_ =	shalt  }
0x50: {  	_ =	shalt  }
0x51: {  	_ =	shalt  }
0x52: {  	_ =	shalt  }
0x53: {  	_ =	shalt  }
0x54: {  	_ =	shalt  }
0x55: {  	_ =	shalt  }
0x56: {  	_ =	shalt  }
0x57: {  	_ =	shalt  }
0x58: {  	_ =	shalt  }
0x59: {  	_ =	shalt  }
0x5a: {  	_ =	shalt  }
0x5b: {  	_ =	shalt  }
0x5c: {  	_ =	shalt  }
0x5d: {  	_ =	shalt  }
0x5e: {  	_ =	shalt  }
0x5f: {  	_ =	shalt  }
0x60: {  	_ =	shalt  }
0x61: {  	_ =	shalt  }
0x62: {  	_ =	shalt  }
0x63: {  	_ =	shalt  }
0x64: {  	_ =	shalt  }
0x65: {  	_ =	shalt  }
0x66: {  	_ =	shalt  }
0x67: {  	_ =	shalt  }
0x68: {  	_ =	shalt  }
0x69: {  	_ =	shalt  }
0x6a: {  	_ =	shalt  }
0x6b: {  	_ =	shalt  }
0x6c: {  	_ =	shalt  }
0x6d: {  	_ =	shalt  }
0x6e: {  	_ =	shalt  }
0x6f: {  	_ =	shalt  }
0x70: {  	_ =	shalt  }
0x71: {  	_ =	shalt  }
0x72: {  	_ =	shalt  }
0x73: {  	_ =	shalt  }
0x74: {  	_ =	shalt  }
0x75: {  	_ =	shalt  }
0x76: {  	_ =	shalt  }
0x77: {  	_ =	shalt  }
0x78: {  	_ =	shalt  }
0x79: {  	_ =	shalt  }
0x7a: {  	_ =	shalt  }
0x7b: {  	_ =	shalt  }
0x7c: {  	_ =	shalt  }
0x7d: {  	_ =	shalt  }
0x7e: {  	_ =	shalt  }
0x7f: {  	_ =	shalt  }
0x80: {  	_ =	shalt  }
0x81: {  	_ =	shalt  }
0x82: {  	_ =	shalt  }
0x83: {  	_ =	shalt  }
0x84: {  	_ =	shalt  }
0x85: {  	_ =	shalt  }
0x86: {  	_ =	shalt  }
0x87: {  	_ =	shalt  }
.Lfunc_end0:
.L_simem_size_0:
called_computation.1_lowered:
.L_overlay_start_0:
0x88: {  	s2 =	sld [smem:$0x3FD9]  }
0x89: {  	s3 =	sld [smem:$0x3FFE];
	_ =	sdelay $0x1  }
0x8a: {  	s1 =	srdreg.scid  }
0x8b: {  	s0 =	sand.u32 $0x1, s1  }
0x8c: {  	s16 =	sshll.u32 s0, $0xA;
	s2 =	sadd.s32 s3, s2  }
0x8d: {  	s2 =	sadd.s32 s2, s16  }
0x8e: {  	[smem:$0x3FB5] =	sst s2  }
0x8f: {  	_ = 	snop  }
0x90: {  	(tm) =	ssettm $0x1  }
0x91: {  	s17 =	sld [smem:$0x3FFB];
	_ =	sdelay $0x3  }
0x92: {  	_ =	strace s17  }
0x93: {  	s2 =	sld [smem:$0x3FFC];
	_ =	sdelay $0x3  }
0x94: {  	_ =	strace s2  }
0x95: {  	s2 =	sld [smem:$0x3FFD];
	_ =	sdelay $0x3  }
0x96: {  	_ =	strace s2  }
0x97: {  	_ =	strace $0x8FFFFFFF  }
0x98: {  	s18 =	sld [smem:$0x3FDB];
	_ =	sdelay $0x1  }
0x99: {  	s19 =	simm.s32 $_scs_section_size  }
0x9a: {  	s4 =	simm.s32 $_size__tile_overlayer_lowered;
	s5 =	simm.s32 $_tile_overlayer_lowered  }
0x9b: {  	s22 =	simm.s32 $0x1BFF;
	s21 =	sshll.u32 s5, $0x1;
	s2 =	sadd.s32 s19, s18  }
0x9c: {  	s6 =	simm.s32 $0x0;
	s20 =	sshll.u32 s4, $0x1;
	s4 =	sadd.s32 s21, s2  }
0x9d: {  	[timem:s6], [sflag:s22] =	dma.local [hbm:s4], s20  }
0x9e: {  	_ =	swait.ge [sflag:s22], s20  }
0x9f: {  	s3 =	ssub.s32 $0x0, s20;
	[sflag:s22] =	ssyncset.done $0x0  }
0xa0: {  	[sflag:s22] =	ssyncadd.s32 s3;
	_ =	sdelay $0x1  }
0xa1: {  	s23 =	simm.s32 $0x1B8B  }
0xa2: {  	_ =	swait.ge [sflag:s23], $0x1  }
0xa3: {  	[sflag:s23] =	ssyncset.done $0x0  }
0xa4: {  	s25 =	simm.s32 $0x1B8E;
	s24 =	sld [smem:$0x3FFE];
	[sflag:s23] =	ssyncadd.s32 $0xFFFFFFFF  }
0xa5: {  	s26 =	simm.s32 $execute0_lowered;
	[smem:$0x3FD2] =	sst s25  }
0xa6: {  	s4 =	sshll.u32 s26, $0x1;
	_ =	strace $0x80000049;
	[dreg:$0x1] =	wrdreg $0xFFFFFFFF  }
0xa7: {  	s28 =	simm.s32 $_size_execute0_lowered;
	s2 =	sadd.s32 s2, s4;
	[dreg:$0x0] =	wrdreg $0x0  }
0xa8: {  	s4 =	sshll.u32 s28, $0x1;
	[dreg:$0x2] =	wrdreg s2  }
0xa9: {  	[dreg:$0x3] =	wrdreg s4  }
0xaa: {  	[dreg:$0x4] =	wrdreg $0xC0  }
0xab: {  	_ =	task [dreg:s6], $0x5FFFF  }
0xac: {  	[dreg:$0x1] =	wrdreg $0xFFFFFFFF  }
0xad: {  	[dreg:$0x0] =	wrdreg $0x60  }
0xae: {  	[dreg:$0x2] =	wrdreg s24  }
0xaf: {  	[dreg:$0x3] =	wrdreg $0xAA00  }
0xb0: {  	[dreg:$0x4] =	wrdreg $0x9  }
0xb1: {  	_ =	task.clear_ibuf [dreg:s6], $0x5FFFF;
	_ =	strace $0x90000049  }
0xb2: {  	s29 =	simm.s32 $0x9;
	_ =	strace $0x8000004B  }
0xb3: {  	_ =	swait.ge [sflag:s29], $0x1  }
0xb4: {  	[sflag:s29] =	ssyncadd.s32 $0xFFFFFFFF  }
0xb5: {  	_ =	strace $0x9000004B  }
0xb6: {  	_ =	sfence  }
0xb7: {  	s30 =	sld [smem:$0x0];
	_ =	sdelay $0x2  }
0xb8: {  	s31 =	sshll.u32 s1, $0xD;
	s1 =	sshrl.u32 s1, $0x2  }
0xb9: {  	s3 =	sand.u32 $0x4000, s31;
	s1 =	sadd.s32 s1, s30  }
0xba: {  	s0 =	sor.u32 s3, s0;
	s1 =	sshll.u32 s1, $0x11  }
0xbb: {  	s0 =	sor.u32 s1, s0  }
0xbc: {  	s0 =	sadd.s32 $0x8F2B, s0  }
0xbd: {  	[sflag:s0] =	ssyncadd.remote.s32 $0x1  }
0xbe: {  	_ =	sfence.sel $0xFFFF  }
0xbf: {  	[dreg:$0x0] =	wrdreg $0xFFFFFFFF;
	(pc) =	sbr.abs _section_cstart, $3  }
0xc0: {  	[dreg:$0x1] =	wrdreg $0xFFFFFFFF  }
0xc1: {  	_ =	task.clear_ibuf [dreg:s6], $0x2FFFF;
	_ =	strace $0x9FFFFFFF  }
0xc2: {  	(tm) =	ssettm $0x7FFFFFFF  }
0xc3: {  	_ =	shalt  }
tec
execute0_lowered:
.L_overlay_start_1:
0x0: {  	(tag) =	ssettag $0x1  }
0x1: {  	s1 =	srdreg.scid;
	s5 =	rddreg [dreg:$0x0]  }
0x2: {  	s0 =	stileid.u32;
	s2 =	rddreg [dreg:$0x1];
	s3 =	simm.s32 $0x0  }
0x3: {  	s13 =	simm.s32 $0x50;
	s14 =	simm.s32 $0xA0;
	s4 =	smul.u32 $0x4E20, s0  }
0x4: {  	s6 =	sand.u32 $0x1, s1;
	s1 =	rddreg [dreg:$0x2];
	s29 =	smul.u32 $0x5000, s0  }
0x5: {  	s15 =	simm.s32 $0x0;
	[smem:$0x7FF] =	sst s3;
	s7 =	smul.u32 $0x2710, s6  }
0x6: {  	s31 =	sshll.u32 s0, $0x6;
	s9 =	smul.u32 $0x50000, s6;
	s6 =	ssub.s32 $0x2, s6  }
0x7: {  	_ =	strace $0x8000004A;
	s30 =	sshrl.u32 s29, $0x3;
	s11 =	sshrl.u32 s6, $0x1  }
0x8: {  	s12 =	sadd.s32 s29, s2;
	s4 =	sadd.s32 s7, s4;
	s9 =	sadd.s32 s29, s9  }
0x9: {  	s11 =	ssub.s32 s6, s11;
	s6 =	sor.u32 $0x1C01, s31;
	s8 =	sshrl.u32 s4, $0x3  }
0xa: {  	s9 =	sshrl.u32 s9, $0x3;
	s10 =	sadd.s32 s8, s5;
	s8 =	sadd.s32 s30, s5  }
0xb: {  	s4 =	sadd.s32 $0x22400, s5;
	s9 =	sadd.s32 s9, s5;
	s5 =	sadd.s32 $0x2C400, s8  }
0xc: {  	s7 =	sadd.s32 $0x36400, s9;
	s8 =	smax.u32 s11, $0x1;
	s9 =	sadd.s32 $0xE600, s10  }
0xd: {  	s10 =	sadd.s32 $0x4800, s10;
	s11 =	sshrl.u32 s12, $0x3;
	s12 =	simm.s32 $0x1  }
.LBB2_1:
0xe: {  	[spmem:s11], [sflag:s6] =	dma.local [hbm:s5], $0xA00  }
0xf: {  	_ =	swait.ge [sflag:s12], $0xA00  }
0x10: {  	[sflag:s12] =	ssyncset.done $0x0  }
0x11: {  	[sflag:s12] =	ssyncadd.s32 $0xFFFFF600  }
0x12: {  	s16 =	sadd.s32 $0x0, s10;
	[bflag:$0x0] =	sbarrier.arrive $0xFFFF  }
0x13: {  	[tilespmem:s3], [sflag:$0x1] =	stream.linear.gather [hbm4b:s16+s3], $0x50, $0x38;
	[tilespmem:$0x5AA0] =	vst v63  }
0x14: {  	_ =	swait.ge [sflag:s12], $0x50  }
0x15: {  	[sflag:s12] =	ssyncset.done $0x0  }
0x16: {  	s31 =	sadd.s32 $0x0, s9;
	[sflag:s12] =	ssyncadd.s32 $0xFFFFFFB0  }
0x17: {  	[tilespmem:s13], [sflag:$0x1] =	stream.linear.gather [hbm4b:s31+s3], $0x50, $0x38;
	[tilespmem:$0x5AA0] =	vst v63  }
0x18: {  	_ =	swait.ge [sflag:s12], $0x50  }
0x19: {  	[sflag:s12] =	ssyncset.done $0x0  }
0x1a: {  	[sflag:s12] =	ssyncadd.s32 $0xFFFFFFB0  }
0x1b: {  	[tilespmem:s14], [sflag:$0x1] =	stream.indirect.gather [hbm4b:s4+s13], $0x20, s3, s13, $0xb8;
	[tilespmem:$0x5AA0] =	vst v63  }
0x1c: {  	_ =	swait.ge [sflag:s12], $0xA00  }
0x1d: {  	[sflag:s12] =	ssyncset.done $0x0  }
0x1e: {  	[sflag:s12] =	ssyncadd.s32 $0xFFFFF600  }
0x1f: {  	[spmem:s2] =	stream.indirect.scatter.add.f32 [tilespmem:s14], [sflag:$0x1], $0x20, s13, s13, $0xb8;
	[tilespmem:$0x5AA0] =	vst v63  }
0x20: {  	_ =	swait.ge [sflag:s12], $0xA00  }
0x21: {  	s17 =	simm.s32 $0x14;
	s16 =	simm.s32 $0xA;
	[sflag:s12] =	ssyncset.done $0x0  }
.LBB2_2:
0x22: {  	s18 =	sadd.s32 s16, s10  }
0x23: {  	[sflag:s12] =	ssyncadd.s32 $0xFFFFF600;
	s19 =	smov.u32 s17;
	s20 =	sadd.s32 $0xA, s17  }
0x24: {  	[tilespmem:s3], [sflag:$0x1] =	stream.linear.gather [hbm4b:s18+s3], $0x50, $0x38;
	[tilespmem:$0x5AA0] =	vst v63  }
0x25: {  	p0 =	sne.s32 s17, $0x4D8;
	_ =	swait.ge [sflag:s12], $0x50  }
0x26: {  	[sflag:s12] =	ssyncset.done $0x0  }
0x27: {  	s17 =	sadd.s32 s16, s9;
	s16 =	smov.u32 s19;
	[sflag:s12] =	ssyncadd.s32 $0xFFFFFFB0  }
0x28: {  	[tilespmem:s13], [sflag:$0x1] =	stream.linear.gather [hbm4b:s17+s3], $0x50, $0x38;
	[tilespmem:$0x5AA0] =	vst v63  }
0x29: {  	_ =	swait.ge [sflag:s12], $0x50  }
0x2a: {  	[sflag:s12] =	ssyncset.done $0x0  }
0x2b: {  	[sflag:s12] =	ssyncadd.s32 $0xFFFFFFB0  }
0x2c: {  	[tilespmem:s14], [sflag:$0x1] =	stream.indirect.gather [hbm4b:s4+s13], $0x20, s3, s13, $0xb8;
	[tilespmem:$0x5AA0] =	vst v63  }
0x2d: {  	_ =	swait.ge [sflag:s12], $0xA00  }
.Ltmp0:
0x2e: {  	[sflag:s12] =	ssyncset.done $0x0;
	(pc) =	sbr.rel @p0 .LBB2_2-.Ltmp0, $4  }
0x2f: {  	[sflag:s12] =	ssyncadd.s32 $0xFFFFF600  }
0x30: {  	[spmem:s2] =	stream.indirect.scatter.add.f32 [tilespmem:s14], [sflag:$0x1], $0x20, s13, s13, $0xb8;
	[tilespmem:$0x5AA0] =	vst v63  }
0x31: {  	_ =	swait.ge [sflag:s12], $0xA00  }
0x32: {  	s17 =	smov.u32 s20;
	[sflag:s12] =	ssyncset.done $0x0  }
0x33: {  	s17 =	sadd.s32 s16, s10;
	[sflag:s12] =	ssyncadd.s32 $0xFFFFF600  }
0x34: {  	[tilespmem:s3], [sflag:$0x1] =	stream.linear.gather [hbm4b:s17+s3], $0x50, $0x38;
	[tilespmem:$0x5AA0] =	vst v63  }
0x35: {  	_ =	swait.ge [sflag:s12], $0x50  }
0x36: {  	[sflag:s12] =	ssyncset.done $0x0  }
0x37: {  	s31 =	sadd.s32 s16, s9;
	[sflag:s12] =	ssyncadd.s32 $0xFFFFFFB0  }
0x38: {  	[tilespmem:s13], [sflag:$0x1] =	stream.linear.gather [hbm4b:s31+s3], $0x50, $0x38;
	[tilespmem:$0x5AA0] =	vst v63  }
0x39: {  	_ =	swait.ge [sflag:s12], $0x50  }
0x3a: {  	[sflag:s12] =	ssyncset.done $0x0  }
0x3b: {  	[sflag:s12] =	ssyncadd.s32 $0xFFFFFFB0  }
0x3c: {  	[tilespmem:s14], [sflag:$0x1] =	stream.indirect.gather [hbm4b:s4+s13], $0x20, s3, s13, $0xb8;
	[tilespmem:$0x5AA0] =	vst v63  }
0x3d: {  	_ =	swait.ge [sflag:s12], $0xA00  }
0x3e: {  	[sflag:s12] =	ssyncset.done $0x0  }
0x3f: {  	[sflag:s12] =	ssyncadd.s32 $0xFFFFF600  }
0x40: {  	[spmem:s2] =	stream.indirect.scatter.add.f32 [tilespmem:s14], [sflag:$0x1], $0x20, s13, s13, $0xb8;
	[tilespmem:$0x5AA0] =	vst v63  }
0x41: {  	_ =	swait.ge [sflag:s12], $0xA00  }
0x42: {  	s15 =	sadd.s32 $0x1, s15;
	[sflag:s12] =	ssyncset.done $0x0  }
0x43: {  	p0 =	sne.s32 s15, s8;
	[sflag:s12] =	ssyncadd.s32 $0xFFFFF600  }
.Ltmp1:
0x44: {  	[bflag:$0x0] =	sbarrier.arrive $0xFFFF;
	(pc) =	sbr.rel @p0 .LBB2_1-.Ltmp1, $4  }
0x45: {  	[hbm:s7], [sflag:s6] =	dma.local [spmem:s11], $0xA00  }
0x46: {  	_ =	swait.ge [sflag:s12], $0xA00  }
0x47: {  	[sflag:s12] =	ssyncset.done $0x0  }
0x48: {  	[sflag:s12] =	ssyncadd.s32 $0xFFFFF600  }
0x49: {  	_ =	sfence.sel $0x180000  }
0x4a: {  	[bflag:$0x0] =	sbarrier.arrive $0xFFFF  }
0x4b: {  	p0 =	sne.s32 s0, $0x0;
	_ =	strace $0x9000004A  }
0x4c: {  	s0 =	sadd.s32 @!p0 $0x100000, s1;
	[bflag:$0x2] =	sbarrier.arrive $0xFFFF  }
0x4d: {  	[sflag:s0] =	ssyncadd.tile.s32 @!p0 $0x1;
	_ =	shalt  }
.Lfunc_end2:
_tile_overlayer_lowered:
.L_overlay_start_2:
0x4e: {  	(tag) =	ssettag $0x2  }
0x4f: {  	s0 =	rddreg [dreg:$0x0];
	s2 =	stileid.u32  }
0x50: {  	s1 =	rddreg [dreg:$0x1];
	p0 =	sne.s32 s2, $0x0  }
0x51: {  	s3 =	rddreg [dreg:$0x2];
	[bflag:$0x3] =	sbarrier.arrive $0xFFFF;
	s2 =	simm.s32 @!p0 $0x1C01  }
0x52: {  	[timem:s3], [sflag:s2] =	dma.local @!p0 [hbm:s0], s1  }
0x53: {  	s0 =	simm.s32 @!p0 $0x1  }
0x54: {  	_ =	swait.ge @!p0 [sflag:s0], s1  }
0x55: {  	s1 =	ssub.s32 @!p0 $0x0, s1;
	[sflag:s0] =	ssyncset.done @!p0 $0x0  }
0x56: {  	[sflag:s0] =	ssyncadd.s32 @!p0 s1  }
0x57: {  	[bflag:$0x3] =	sbarrier.arrive $0xFFFF  }
0x58: {  	_ =	shalt  }

// kernel: kernel.19.cloned.1.call-start
scs
__scs_entry_jumppad:
0x0: {  	(pc) =	sbr.rel $0x88, $3  }
0x1: {  	(tag) =	ssettag $0x0;
	lr =	simm.s32 $0x1  }
0x2: {  	[smem:$0x3F8E] =	sst lr;
	_ =	strace $0xD0000000  }
0x3: {  	_ = 	snop  }
0x4: {  	_ = 	snop  }
0x5: {  	_ = 	snop  }
0x6: {  	_ = 	snop  }
0x7: {  	_ = 	snop  }
__scs_overlays_trampoline_lowered:
0x8: {  	[smem:$0x3F9D] =	sst s0  }
0x9: {  	[smem:$0x3F9E] =	sst s1  }
0xa: {  	[smem:$0x3F9F] =	sst s2  }
0xb: {  	[smem:$0x3FA0] =	sst s3  }
0xc: {  	[smem:$0x3FA1] =	sst s4  }
0xd: {  	[smem:$0x3FA2] =	sst s5  }
0xe: {  	[smem:$0x3FA3] =	sst s6  }
0xf: {  	[smem:$0x3FA4] =	sst s7  }
0x10: {  	[smem:$0x3FA5] =	sst s8  }
0x11: {  	[smem:$0x3FA6] =	sst s9;
	s0 =	simm.s32 @!p0 $0x0  }
0x12: {  	s1 =	sld [smem:$0x3F8C];
	s0 =	simm.s32 @p0 $0x1  }
0x13: {  	[smem:$0x3FA7] =	sst s0;
	s0 =	simm.s32 @!p1 $0x0  }
0x14: {  	s2 =	sld [smem:$0x3F8B];
	s0 =	simm.s32 @p1 $0x1  }
0x15: {  	[smem:$0x3FA8] =	sst s0;
	s0 =	simm.s32 @!p2 $0x0  }
0x16: {  	s3 =	sld [smem:$0x3FDB];
	s0 =	simm.s32 @p2 $0x1  }
0x17: {  	s4 =	simm.s32 $0x1BF5;
	[smem:$0x3FAA] =	sst s0  }
0x18: {  	s0 =	sld [smem:$0x3F8D];
	_ =	swait.ge [sflag:s4], $0x0  }
0x19: {  	s7 =	sld [smem:$0x3F8E]  }
0x1a: {  	s8 =	sadd.s32 $0xFFFFE003, lr  }
0x1b: {  	s9 =	sadd.s32 $0xFFFFFEF7, lr;
	s5 =	simm.s32 $0xFFFFFFFF;
	p2 =	slt.u32 s8, $0xFFFFF086  }
0x1c: {  	p1 =	slt.u32 s9, $0xF7A;
	s5 =	simm.s32 @!p2 $0x0  }
0x1d: {  	s5 =	simm.s32 @p1 $0x1;
	p0 =	seq.s32 s7, s2  }
0x1e: {  	s7 =	smul.u32 @!p0 $0xF7A, s2;
	p2 =	seq.s32 @!p0 s5, $0x0  }
0x1f: {  	s9 =	smul.u32 $0xF7A, s1;
	s8 =	simm.s32 @!p0 $0x1BF5;
	p2 =	por !p2, p0  }
0x20: {  	[sflag:s8] =	ssyncset.s32 @!p0 $0xFFFFF086;
	s6 =	sadd.s32 @!p0 s3, s7;
	s7 =	simm.s32 @!p0 $0x108  }
0x21: {  	s3 =	sadd.s32 s3, s9;
	s6 =	sadd.s32 @!p0 $0x88, s6;
	s7 =	simm.s32 @p2 $0x1082  }
0x22: {  	[simem:s7], [sflag:s8] =	dma.local @!p0 [hbm:s6], $0xF7A  }
0x23: {  	s9 =	sor.u32 $0xD0000000, s2;
	s6 =	simm.s32 $0x108;
	_ =	swait.ge @!p0 [sflag:s8], $0x0  }
0x24: {  	s3 =	sadd.s32 $0x88, s3;
	s6 =	simm.s32 @!p1 $0x1082;
	[sflag:s4] =	ssyncset.s32 $0xFFFFF086  }
0x25: {  	[simem:s6], [sflag:s4] =	dma.local [hbm:s3], $0xF7A  }
0x26: {  	[smem:$0x3F8E] =	sst s1;
	(tag) =	ssettag s2;
	_ =	strace s9  }
0x27: {  	s1 =	sld [smem:$0x3F9E]  }
0x28: {  	s2 =	sld [smem:$0x3F9F]  }
0x29: {  	s4 =	sld [smem:$0x3FA1]  }
0x2a: {  	p0 =	seq.s32 s5, $0x0;
	s5 =	sld [smem:$0x3FA2]  }
0x2b: {  	s6 =	sld [smem:$0x3FA3]  }
0x2c: {  	s7 =	sld [smem:$0x3FA4]  }
0x2d: {  	s3 =	simm.s32 $0x108;
	s8 =	sld [smem:$0x3FA5]  }
0x2e: {  	s3 =	simm.s32 @!p0 $0x1082;
	s9 =	sld [smem:$0x3FA6]  }
0x2f: {  	lr =	sadd.s32 s0, s3;
	s0 =	sld [smem:$0x3F9D]  }
0x30: {  	s3 =	sld [smem:$0x3FA0]  }
0x31: {  	[smem:$0x3FA9] =	sst s10  }
0x32: {  	s10 =	sld [smem:$0x3FA7];
	_ =	sdelay $0x3  }
0x33: {  	p0 =	seq.s32 s10, $0x1;
	s10 =	sld [smem:$0x3FA9];
	_ =	sdelay $0x3  }
0x34: {  	[smem:$0x3FA9] =	sst s10  }
0x35: {  	s10 =	sld [smem:$0x3FA8];
	_ =	sdelay $0x3  }
0x36: {  	p1 =	seq.s32 s10, $0x1;
	s10 =	sld [smem:$0x3FA9];
	_ =	sdelay $0x3  }
0x37: {  	[smem:$0x3FA9] =	sst s10  }
0x38: {  	s10 =	sld [smem:$0x3FAA]  }
0x39: {  	_ = 	snop;
	(pc) =	sbr.ind lr, $3  }
0x3a: {  	_ = 	snop  }
0x3b: {  	_ = 	snop  }
0x3c: {  	p2 =	seq.s32 s10, $0x1;
	s10 =	sld [smem:$0x3FA9]  }
0x3d: {  	_ =	shalt  }
0x3e: {  	_ =	shalt  }
0x3f: {  	_ =	shalt  }
0x40: {  	_ =	shalt  }
0x41: {  	_ =	shalt  }
0x42: {  	_ =	shalt  }
0x43: {  	_ =	shalt  }
0x44: {  	_ =	shalt  }
0x45: {  	_ =	shalt  }
0x46: {  	_ =	shalt  }
0x47: {  	_ =	shalt  }
0x48: {  	_ =	shalt  }
0x49: {  	_ =	shalt  }
0x4a: {  	_ =	shalt  }
0x4b: {  	_ =	shalt  }
0x4c: {  	_ =	shalt  }
0x4d: {  	_ =	shalt  }
0x4e: {  	_ =	shalt  }
0x4f: {  	_ =	shalt  }
0x50: {  	_ =	shalt  }
0x51: {  	_ =	shalt  }
0x52: {  	_ =	shalt  }
0x53: {  	_ =	shalt  }
0x54: {  	_ =	shalt  }
0x55: {  	_ =	shalt  }
0x56: {  	_ =	shalt  }
0x57: {  	_ =	shalt  }
0x58: {  	_ =	shalt  }
0x59: {  	_ =	shalt  }
0x5a: {  	_ =	shalt  }
0x5b: {  	_ =	shalt  }
0x5c: {  	_ =	shalt  }
0x5d: {  	_ =	shalt  }
0x5e: {  	_ =	shalt  }
0x5f: {  	_ =	shalt  }
0x60: {  	_ =	shalt  }
0x61: {  	_ =	shalt  }
0x62: {  	_ =	shalt  }
0x63: {  	_ =	shalt  }
0x64: {  	_ =	shalt  }
0x65: {  	_ =	shalt  }
0x66: {  	_ =	shalt  }
0x67: {  	_ =	shalt  }
0x68: {  	_ =	shalt  }
0x69: {  	_ =	shalt  }
0x6a: {  	_ =	shalt  }
0x6b: {  	_ =	shalt  }
0x6c: {  	_ =	shalt  }
0x6d: {  	_ =	shalt  }
0x6e: {  	_ =	shalt  }
0x6f: {  	_ =	shalt  }
0x70: {  	_ =	shalt  }
0x71: {  	_ =	shalt  }
0x72: {  	_ =	shalt  }
0x73: {  	_ =	shalt  }
0x74: {  	_ =	shalt  }
0x75: {  	_ =	shalt  }
0x76: {  	_ =	shalt  }
0x77: {  	_ =	shalt  }
0x78: {  	_ =	shalt  }
0x79: {  	_ =	shalt  }
0x7a: {  	_ =	shalt  }
0x7b: {  	_ =	shalt  }
0x7c: {  	_ =	shalt  }
0x7d: {  	_ =	shalt  }
0x7e: {  	_ =	shalt  }
0x7f: {  	_ =	shalt  }
0x80: {  	_ =	shalt  }
0x81: {  	_ =	shalt  }
0x82: {  	_ =	shalt  }
0x83: {  	_ =	shalt  }
0x84: {  	_ =	shalt  }
0x85: {  	_ =	shalt  }
0x86: {  	_ =	shalt  }
0x87: {  	_ =	shalt  }
.Lfunc_end0:
.L_simem_size_0:
called_computation.2_lowered:
.L_overlay_start_0:
0x88: {  	s2 =	sld [smem:$0x3FD9]  }
0x89: {  	s3 =	sld [smem:$0x3FFE];
	_ =	sdelay $0x1  }
0x8a: {  	s1 =	srdreg.scid  }
0x8b: {  	s0 =	sand.u32 $0x1, s1  }
0x8c: {  	s16 =	sshll.u32 s0, $0xA;
	s2 =	sadd.s32 s3, s2  }
0x8d: {  	s2 =	sadd.s32 s2, s16  }
0x8e: {  	[smem:$0x3FB5] =	sst s2  }
0x8f: {  	_ = 	snop  }
0x90: {  	(tm) =	ssettm $0x1  }
0x91: {  	s17 =	sld [smem:$0x3FFB];
	_ =	sdelay $0x3  }
0x92: {  	_ =	strace s17  }
0x93: {  	s2 =	sld [smem:$0x3FFC];
	_ =	sdelay $0x3  }
0x94: {  	_ =	strace s2  }
0x95: {  	s2 =	sld [smem:$0x3FFD];
	_ =	sdelay $0x3  }
0x96: {  	_ =	strace s2  }
0x97: {  	_ =	strace $0x8FFFFFFF  }
0x98: {  	s18 =	sld [smem:$0x3FDB];
	_ =	sdelay $0x1  }
0x99: {  	s19 =	simm.s32 $_scs_section_size  }
0x9a: {  	s4 =	simm.s32 $_size__tile_overlayer_lowered;
	s5 =	simm.s32 $_tile_overlayer_lowered  }
0x9b: {  	s22 =	simm.s32 $0x1BFF;
	s21 =	sshll.u32 s5, $0x1;
	s2 =	sadd.s32 s19, s18  }
0x9c: {  	s6 =	simm.s32 $0x0;
	s20 =	sshll.u32 s4, $0x1;
	s4 =	sadd.s32 s21, s2  }
0x9d: {  	[timem:s6], [sflag:s22] =	dma.local [hbm:s4], s20  }
0x9e: {  	_ =	swait.ge [sflag:s22], s20  }
0x9f: {  	s3 =	ssub.s32 $0x0, s20;
	[sflag:s22] =	ssyncset.done $0x0  }
0xa0: {  	[sflag:s22] =	ssyncadd.s32 s3;
	_ =	sdelay $0x1  }
0xa1: {  	s23 =	simm.s32 $0x1B8B  }
0xa2: {  	_ =	swait.ge [sflag:s23], $0x1  }
0xa3: {  	[sflag:s23] =	ssyncset.done $0x0  }
0xa4: {  	s25 =	simm.s32 $0x1B8E;
	s24 =	sld [smem:$0x3FFE];
	[sflag:s23] =	ssyncadd.s32 $0xFFFFFFFF  }
0xa5: {  	s26 =	simm.s32 $execute0_lowered;
	[smem:$0x3FD2] =	sst s25  }
0xa6: {  	s4 =	sshll.u32 s26, $0x1;
	_ =	strace $0x8000004C;
	[dreg:$0x1] =	wrdreg $0xFFFFFFFF  }
0xa7: {  	s28 =	simm.s32 $_size_execute0_lowered;
	s2 =	sadd.s32 s2, s4;
	[dreg:$0x0] =	wrdreg $0x0  }
0xa8: {  	s4 =	sshll.u32 s28, $0x1;
	[dreg:$0x2] =	wrdreg s2  }
0xa9: {  	[dreg:$0x3] =	wrdreg s4  }
0xaa: {  	[dreg:$0x4] =	wrdreg $0xC0  }
0xab: {  	_ =	task [dreg:s6], $0x5FFFF  }
0xac: {  	[dreg:$0x1] =	wrdreg $0xFFFFFFFF  }
0xad: {  	[dreg:$0x0] =	wrdreg $0x60  }
0xae: {  	[dreg:$0x2] =	wrdreg s24  }
0xaf: {  	[dreg:$0x3] =	wrdreg $0xAA00  }
0xb0: {  	[dreg:$0x4] =	wrdreg $0x9  }
0xb1: {  	_ =	task.clear_ibuf [dreg:s6], $0x5FFFF;
	_ =	strace $0x9000004C  }
0xb2: {  	s29 =	simm.s32 $0x9;
	_ =	strace $0x8000004E  }
0xb3: {  	_ =	swait.ge [sflag:s29], $0x1  }
0xb4: {  	[sflag:s29] =	ssyncadd.s32 $0xFFFFFFFF  }
0xb5: {  	_ =	strace $0x9000004E  }
0xb6: {  	_ =	sfence  }
0xb7: {  	s30 =	sld [smem:$0x0];
	_ =	sdelay $0x2  }
0xb8: {  	s31 =	sshll.u32 s1, $0xD;
	s1 =	sshrl.u32 s1, $0x2  }
0xb9: {  	s3 =	sand.u32 $0x4000, s31;
	s1 =	sadd.s32 s1, s30  }
0xba: {  	s0 =	sor.u32 s3, s0;
	s1 =	sshll.u32 s1, $0x11  }
0xbb: {  	s0 =	sor.u32 s1, s0  }
0xbc: {  	s0 =	sadd.s32 $0x8F2B, s0  }
0xbd: {  	[sflag:s0] =	ssyncadd.remote.s32 $0x1  }
0xbe: {  	_ =	sfence.sel $0xFFFF  }
0xbf: {  	[dreg:$0x0] =	wrdreg $0xFFFFFFFF;
	(pc) =	sbr.abs _section_cstart, $3  }
0xc0: {  	[dreg:$0x1] =	wrdreg $0xFFFFFFFF  }
0xc1: {  	_ =	task.clear_ibuf [dreg:s6], $0x2FFFF;
	_ =	strace $0x9FFFFFFF  }
0xc2: {  	(tm) =	ssettm $0x7FFFFFFF  }
0xc3: {  	_ =	shalt  }
tec
execute0_lowered:
.L_overlay_start_1:
0x0: {  	(tag) =	ssettag $0x1  }
0x1: {  	s1 =	srdreg.scid;
	s5 =	rddreg [dreg:$0x0]  }
0x2: {  	s0 =	stileid.u32;
	s2 =	rddreg [dreg:$0x1];
	s3 =	simm.s32 $0x0  }
0x3: {  	s13 =	simm.s32 $0x50;
	s14 =	simm.s32 $0xA0;
	s4 =	smul.u32 $0x4E20, s0  }
0x4: {  	s6 =	sand.u32 $0x1, s1;
	s1 =	rddreg [dreg:$0x2];
	s29 =	smul.u32 $0x5000, s0  }
0x5: {  	s15 =	simm.s32 $0x0;
	[smem:$0x7FF] =	sst s3;
	s7 =	smul.u32 $0x2710, s6  }
0x6: {  	s31 =	sshll.u32 s0, $0x6;
	s9 =	smul.u32 $0x50000, s6;
	s6 =	ssub.s32 $0x2, s6  }
0x7: {  	_ =	strace $0x8000004D;
	s30 =	sshrl.u32 s29, $0x3;
	s11 =	sshrl.u32 s6, $0x1  }
0x8: {  	s12 =	sadd.s32 s29, s2;
	s4 =	sadd.s32 s7, s4;
	s9 =	sadd.s32 s29, s9  }
0x9: {  	s11 =	ssub.s32 s6, s11;
	s6 =	sor.u32 $0x1C01, s31;
	s8 =	sshrl.u32 s4, $0x3  }
0xa: {  	s9 =	sshrl.u32 s9, $0x3;
	s10 =	sadd.s32 s8, s5;
	s8 =	sadd.s32 s30, s5  }
0xb: {  	s4 =	sadd.s32 $0x22400, s5;
	s9 =	sadd.s32 s9, s5;
	s5 =	sadd.s32 $0x2C400, s8  }
0xc: {  	s7 =	sadd.s32 $0x5E400, s9;
	s8 =	smax.u32 s11, $0x1;
	s9 =	sadd.s32 $0xE600, s10  }
0xd: {  	s10 =	sadd.s32 $0x4800, s10;
	s11 =	sshrl.u32 s12, $0x3;
	s12 =	simm.s32 $0x1  }
.LBB2_1:
0xe: {  	[spmem:s11], [sflag:s6] =	dma.local [hbm:s5], $0xA00  }
0xf: {  	_ =	swait.ge [sflag:s12], $0xA00  }
0x10: {  	[sflag:s12] =	ssyncset.done $0x0  }
0x11: {  	[sflag:s12] =	ssyncadd.s32 $0xFFFFF600  }
0x12: {  	s16 =	sadd.s32 $0x0, s10;
	[bflag:$0x0] =	sbarrier.arrive $0xFFFF  }
0x13: {  	[tilespmem:s3], [sflag:$0x1] =	stream.linear.gather [hbm4b:s16+s3], $0x50, $0x38;
	[tilespmem:$0x5AA0] =	vst v63  }
0x14: {  	_ =	swait.ge [sflag:s12], $0x50  }
0x15: {  	[sflag:s12] =	ssyncset.done $0x0  }
0x16: {  	s31 =	sadd.s32 $0x0, s9;
	[sflag:s12] =	ssyncadd.s32 $0xFFFFFFB0  }
0x17: {  	[tilespmem:s13], [sflag:$0x1] =	stream.linear.gather [hbm4b:s31+s3], $0x50, $0x38;
	[tilespmem:$0x5AA0] =	vst v63  }
0x18: {  	_ =	swait.ge [sflag:s12], $0x50  }
0x19: {  	[sflag:s12] =	ssyncset.done $0x0  }
0x1a: {  	[sflag:s12] =	ssyncadd.s32 $0xFFFFFFB0  }
0x1b: {  	[tilespmem:s14], [sflag:$0x1] =	stream.indirect.gather [hbm4b:s4+s13], $0x20, s3, s13, $0xb8;
	[tilespmem:$0x5AA0] =	vst v63  }
0x1c: {  	_ =	swait.ge [sflag:s12], $0xA00  }
0x1d: {  	[sflag:s12] =	ssyncset.done $0x0  }
0x1e: {  	[sflag:s12] =	ssyncadd.s32 $0xFFFFF600  }
0x1f: {  	[spmem:s2] =	stream.indirect.scatter.add.f32 [tilespmem:s14], [sflag:$0x1], $0x20, s13, s13, $0xb8;
	[tilespmem:$0x5AA0] =	vst v63  }
0x20: {  	_ =	swait.ge [sflag:s12], $0xA00  }
0x21: {  	s17 =	simm.s32 $0x14;
	s16 =	simm.s32 $0xA;
	[sflag:s12] =	ssyncset.done $0x0  }
.LBB2_2:
0x22: {  	s18 =	sadd.s32 s16, s10  }
0x23: {  	[sflag:s12] =	ssyncadd.s32 $0xFFFFF600;
	s19 =	smov.u32 s17;
	s20 =	sadd.s32 $0xA, s17  }
0x24: {  	[tilespmem:s3], [sflag:$0x1] =	stream.linear.gather [hbm4b:s18+s3], $0x50, $0x38;
	[tilespmem:$0x5AA0] =	vst v63  }
0x25: {  	p0 =	sne.s32 s17, $0x4D8;
	_ =	swait.ge [sflag:s12], $0x50  }
0x26: {  	[sflag:s12] =	ssyncset.done $0x0  }
0x27: {  	s17 =	sadd.s32 s16, s9;
	s16 =	smov.u32 s19;
	[sflag:s12] =	ssyncadd.s32 $0xFFFFFFB0  }
0x28: {  	[tilespmem:s13], [sflag:$0x1] =	stream.linear.gather [hbm4b:s17+s3], $0x50, $0x38;
	[tilespmem:$0x5AA0] =	vst v63  }
0x29: {  	_ =	swait.ge [sflag:s12], $0x50  }
0x2a: {  	[sflag:s12] =	ssyncset.done $0x0  }
0x2b: {  	[sflag:s12] =	ssyncadd.s32 $0xFFFFFFB0  }
0x2c: {  	[tilespmem:s14], [sflag:$0x1] =	stream.indirect.gather [hbm4b:s4+s13], $0x20, s3, s13, $0xb8;
	[tilespmem:$0x5AA0] =	vst v63  }
0x2d: {  	_ =	swait.ge [sflag:s12], $0xA00  }
.Ltmp0:
0x2e: {  	[sflag:s12] =	ssyncset.done $0x0;
	(pc) =	sbr.rel @p0 .LBB2_2-.Ltmp0, $4  }
0x2f: {  	[sflag:s12] =	ssyncadd.s32 $0xFFFFF600  }
0x30: {  	[spmem:s2] =	stream.indirect.scatter.add.f32 [tilespmem:s14], [sflag:$0x1], $0x20, s13, s13, $0xb8;
	[tilespmem:$0x5AA0] =	vst v63  }
0x31: {  	_ =	swait.ge [sflag:s12], $0xA00  }
0x32: {  	s17 =	smov.u32 s20;
	[sflag:s12] =	ssyncset.done $0x0  }
0x33: {  	s17 =	sadd.s32 s16, s10;
	[sflag:s12] =	ssyncadd.s32 $0xFFFFF600  }
0x34: {  	[tilespmem:s3], [sflag:$0x1] =	stream.linear.gather [hbm4b:s17+s3], $0x50, $0x38;
	[tilespmem:$0x5AA0] =	vst v63  }
0x35: {  	_ =	swait.ge [sflag:s12], $0x50  }
0x36: {  	[sflag:s12] =	ssyncset.done $0x0  }
0x37: {  	s31 =	sadd.s32 s16, s9;
	[sflag:s12] =	ssyncadd.s32 $0xFFFFFFB0  }
0x38: {  	[tilespmem:s13], [sflag:$0x1] =	stream.linear.gather [hbm4b:s31+s3], $0x50, $0x38;
	[tilespmem:$0x5AA0] =	vst v63  }
0x39: {  	_ =	swait.ge [sflag:s12], $0x50  }
0x3a: {  	[sflag:s12] =	ssyncset.done $0x0  }
0x3b: {  	[sflag:s12] =	ssyncadd.s32 $0xFFFFFFB0  }
0x3c: {  	[tilespmem:s14], [sflag:$0x1] =	stream.indirect.gather [hbm4b:s4+s13], $0x20, s3, s13, $0xb8;
	[tilespmem:$0x5AA0] =	vst v63  }
0x3d: {  	_ =	swait.ge [sflag:s12], $0xA00  }
0x3e: {  	[sflag:s12] =	ssyncset.done $0x0  }
0x3f: {  	[sflag:s12] =	ssyncadd.s32 $0xFFFFF600  }
0x40: {  	[spmem:s2] =	stream.indirect.scatter.add.f32 [tilespmem:s14], [sflag:$0x1], $0x20, s13, s13, $0xb8;
	[tilespmem:$0x5AA0] =	vst v63  }
0x41: {  	_ =	swait.ge [sflag:s12], $0xA00  }
0x42: {  	s15 =	sadd.s32 $0x1, s15;
	[sflag:s12] =	ssyncset.done $0x0  }
0x43: {  	p0 =	sne.s32 s15, s8;
	[sflag:s12] =	ssyncadd.s32 $0xFFFFF600  }
.Ltmp1:
0x44: {  	[bflag:$0x0] =	sbarrier.arrive $0xFFFF;
	(pc) =	sbr.rel @p0 .LBB2_1-.Ltmp1, $4  }
0x45: {  	[hbm:s7], [sflag:s6] =	dma.local [spmem:s11], $0xA00  }
0x46: {  	_ =	swait.ge [sflag:s12], $0xA00  }
0x47: {  	[sflag:s12] =	ssyncset.done $0x0  }
0x48: {  	[sflag:s12] =	ssyncadd.s32 $0xFFFFF600  }
0x49: {  	_ =	sfence.sel $0x180000  }
0x4a: {  	[bflag:$0x0] =	sbarrier.arrive $0xFFFF  }
0x4b: {  	p0 =	sne.s32 s0, $0x0;
	_ =	strace $0x9000004D  }
0x4c: {  	s0 =	sadd.s32 @!p0 $0x100000, s1;
	[bflag:$0x2] =	sbarrier.arrive $0xFFFF  }
0x4d: {  	[sflag:s0] =	ssyncadd.tile.s32 @!p0 $0x1;
	_ =	shalt  }
.Lfunc_end2:
_tile_overlayer_lowered:
.L_overlay_start_2:
0x4e: {  	(tag) =	ssettag $0x2  }
0x4f: {  	s0 =	rddreg [dreg:$0x0];
	s2 =	stileid.u32  }
0x50: {  	s1 =	rddreg [dreg:$0x1];
	p0 =	sne.s32 s2, $0x0  }
0x51: {  	s3 =	rddreg [dreg:$0x2];
	[bflag:$0x3] =	sbarrier.arrive $0xFFFF;
	s2 =	simm.s32 @!p0 $0x1C01  }
0x52: {  	[timem:s3], [sflag:s2] =	dma.local @!p0 [hbm:s0], s1  }
0x53: {  	s0 =	simm.s32 @!p0 $0x1  }
0x54: {  	_ =	swait.ge @!p0 [sflag:s0], s1  }
0x55: {  	s1 =	ssub.s32 @!p0 $0x0, s1;
	[sflag:s0] =	ssyncset.done @!p0 $0x0  }
0x56: {  	[sflag:s0] =	ssyncadd.s32 @!p0 s1  }
0x57: {  	[bflag:$0x3] =	sbarrier.arrive $0xFFFF  }
0x58: {  	_ =	shalt  }

// kernel: kernel.22.cloned.1.call-start
scs
__scs_entry_jumppad:
0x0: {  	(pc) =	sbr.rel $0x88, $3  }
0x1: {  	(tag) =	ssettag $0x0;
	lr =	simm.s32 $0x1  }
0x2: {  	[smem:$0x3F8E] =	sst lr;
	_ =	strace $0xD0000000  }
0x3: {  	_ = 	snop  }
0x4: {  	_ = 	snop  }
0x5: {  	_ = 	snop  }
0x6: {  	_ = 	snop  }
0x7: {  	_ = 	snop  }
__scs_overlays_trampoline_lowered:
0x8: {  	[smem:$0x3F9D] =	sst s0  }
0x9: {  	[smem:$0x3F9E] =	sst s1  }
0xa: {  	[smem:$0x3F9F] =	sst s2  }
0xb: {  	[smem:$0x3FA0] =	sst s3  }
0xc: {  	[smem:$0x3FA1] =	sst s4  }
0xd: {  	[smem:$0x3FA2] =	sst s5  }
0xe: {  	[smem:$0x3FA3] =	sst s6  }
0xf: {  	[smem:$0x3FA4] =	sst s7  }
0x10: {  	[smem:$0x3FA5] =	sst s8  }
0x11: {  	[smem:$0x3FA6] =	sst s9;
	s0 =	simm.s32 @!p0 $0x0  }
0x12: {  	s1 =	sld [smem:$0x3F8C];
	s0 =	simm.s32 @p0 $0x1  }
0x13: {  	[smem:$0x3FA7] =	sst s0;
	s0 =	simm.s32 @!p1 $0x0  }
0x14: {  	s2 =	sld [smem:$0x3F8B];
	s0 =	simm.s32 @p1 $0x1  }
0x15: {  	[smem:$0x3FA8] =	sst s0;
	s0 =	simm.s32 @!p2 $0x0  }
0x16: {  	s3 =	sld [smem:$0x3FDB];
	s0 =	simm.s32 @p2 $0x1  }
0x17: {  	s4 =	simm.s32 $0x1BF5;
	[smem:$0x3FAA] =	sst s0  }
0x18: {  	s0 =	sld [smem:$0x3F8D];
	_ =	swait.ge [sflag:s4], $0x0  }
0x19: {  	s7 =	sld [smem:$0x3F8E]  }
0x1a: {  	s8 =	sadd.s32 $0xFFFFE003, lr  }
0x1b: {  	s9 =	sadd.s32 $0xFFFFFEF7, lr;
	s5 =	simm.s32 $0xFFFFFFFF;
	p2 =	slt.u32 s8, $0xFFFFF086  }
0x1c: {  	p1 =	slt.u32 s9, $0xF7A;
	s5 =	simm.s32 @!p2 $0x0  }
0x1d: {  	s5 =	simm.s32 @p1 $0x1;
	p0 =	seq.s32 s7, s2  }
0x1e: {  	s7 =	smul.u32 @!p0 $0xF7A, s2;
	p2 =	seq.s32 @!p0 s5, $0x0  }
0x1f: {  	s9 =	smul.u32 $0xF7A, s1;
	s8 =	simm.s32 @!p0 $0x1BF5;
	p2 =	por !p2, p0  }
0x20: {  	[sflag:s8] =	ssyncset.s32 @!p0 $0xFFFFF086;
	s6 =	sadd.s32 @!p0 s3, s7;
	s7 =	simm.s32 @!p0 $0x108  }
0x21: {  	s3 =	sadd.s32 s3, s9;
	s6 =	sadd.s32 @!p0 $0x88, s6;
	s7 =	simm.s32 @p2 $0x1082  }
0x22: {  	[simem:s7], [sflag:s8] =	dma.local @!p0 [hbm:s6], $0xF7A  }
0x23: {  	s9 =	sor.u32 $0xD0000000, s2;
	s6 =	simm.s32 $0x108;
	_ =	swait.ge @!p0 [sflag:s8], $0x0  }
0x24: {  	s3 =	sadd.s32 $0x88, s3;
	s6 =	simm.s32 @!p1 $0x1082;
	[sflag:s4] =	ssyncset.s32 $0xFFFFF086  }
0x25: {  	[simem:s6], [sflag:s4] =	dma.local [hbm:s3], $0xF7A  }
0x26: {  	[smem:$0x3F8E] =	sst s1;
	(tag) =	ssettag s2;
	_ =	strace s9  }
0x27: {  	s1 =	sld [smem:$0x3F9E]  }
0x28: {  	s2 =	sld [smem:$0x3F9F]  }
0x29: {  	s4 =	sld [smem:$0x3FA1]  }
0x2a: {  	p0 =	seq.s32 s5, $0x0;
	s5 =	sld [smem:$0x3FA2]  }
0x2b: {  	s6 =	sld [smem:$0x3FA3]  }
0x2c: {  	s7 =	sld [smem:$0x3FA4]  }
0x2d: {  	s3 =	simm.s32 $0x108;
	s8 =	sld [smem:$0x3FA5]  }
0x2e: {  	s3 =	simm.s32 @!p0 $0x1082;
	s9 =	sld [smem:$0x3FA6]  }
0x2f: {  	lr =	sadd.s32 s0, s3;
	s0 =	sld [smem:$0x3F9D]  }
0x30: {  	s3 =	sld [smem:$0x3FA0]  }
0x31: {  	[smem:$0x3FA9] =	sst s10  }
0x32: {  	s10 =	sld [smem:$0x3FA7];
	_ =	sdelay $0x3  }
0x33: {  	p0 =	seq.s32 s10, $0x1;
	s10 =	sld [smem:$0x3FA9];
	_ =	sdelay $0x3  }
0x34: {  	[smem:$0x3FA9] =	sst s10  }
0x35: {  	s10 =	sld [smem:$0x3FA8];
	_ =	sdelay $0x3  }
0x36: {  	p1 =	seq.s32 s10, $0x1;
	s10 =	sld [smem:$0x3FA9];
	_ =	sdelay $0x3  }
0x37: {  	[smem:$0x3FA9] =	sst s10  }
0x38: {  	s10 =	sld [smem:$0x3FAA]  }
0x39: {  	_ = 	snop;
	(pc) =	sbr.ind lr, $3  }
0x3a: {  	_ = 	snop  }
0x3b: {  	_ = 	snop  }
0x3c: {  	p2 =	seq.s32 s10, $0x1;
	s10 =	sld [smem:$0x3FA9]  }
0x3d: {  	_ =	shalt  }
0x3e: {  	_ =	shalt  }
0x3f: {  	_ =	shalt  }
0x40: {  	_ =	shalt  }
0x41: {  	_ =	shalt  }
0x42: {  	_ =	shalt  }
0x43: {  	_ =	shalt  }
0x44: {  	_ =	shalt  }
0x45: {  	_ =	shalt  }
0x46: {  	_ =	shalt  }
0x47: {  	_ =	shalt  }
0x48: {  	_ =	shalt  }
0x49: {  	_ =	shalt  }
0x4a: {  	_ =	shalt  }
0x4b: {  	_ =	shalt  }
0x4c: {  	_ =	shalt  }
0x4d: {  	_ =	shalt  }
0x4e: {  	_ =	shalt  }
0x4f: {  	_ =	shalt  }
0x50: {  	_ =	shalt  }
0x51: {  	_ =	shalt  }
0x52: {  	_ =	shalt  }
0x53: {  	_ =	shalt  }
0x54: {  	_ =	shalt  }
0x55: {  	_ =	shalt  }
0x56: {  	_ =	shalt  }
0x57: {  	_ =	shalt  }
0x58: {  	_ =	shalt  }
0x59: {  	_ =	shalt  }
0x5a: {  	_ =	shalt  }
0x5b: {  	_ =	shalt  }
0x5c: {  	_ =	shalt  }
0x5d: {  	_ =	shalt  }
0x5e: {  	_ =	shalt  }
0x5f: {  	_ =	shalt  }
0x60: {  	_ =	shalt  }
0x61: {  	_ =	shalt  }
0x62: {  	_ =	shalt  }
0x63: {  	_ =	shalt  }
0x64: {  	_ =	shalt  }
0x65: {  	_ =	shalt  }
0x66: {  	_ =	shalt  }
0x67: {  	_ =	shalt  }
0x68: {  	_ =	shalt  }
0x69: {  	_ =	shalt  }
0x6a: {  	_ =	shalt  }
0x6b: {  	_ =	shalt  }
0x6c: {  	_ =	shalt  }
0x6d: {  	_ =	shalt  }
0x6e: {  	_ =	shalt  }
0x6f: {  	_ =	shalt  }
0x70: {  	_ =	shalt  }
0x71: {  	_ =	shalt  }
0x72: {  	_ =	shalt  }
0x73: {  	_ =	shalt  }
0x74: {  	_ =	shalt  }
0x75: {  	_ =	shalt  }
0x76: {  	_ =	shalt  }
0x77: {  	_ =	shalt  }
0x78: {  	_ =	shalt  }
0x79: {  	_ =	shalt  }
0x7a: {  	_ =	shalt  }
0x7b: {  	_ =	shalt  }
0x7c: {  	_ =	shalt  }
0x7d: {  	_ =	shalt  }
0x7e: {  	_ =	shalt  }
0x7f: {  	_ =	shalt  }
0x80: {  	_ =	shalt  }
0x81: {  	_ =	shalt  }
0x82: {  	_ =	shalt  }
0x83: {  	_ =	shalt  }
0x84: {  	_ =	shalt  }
0x85: {  	_ =	shalt  }
0x86: {  	_ =	shalt  }
0x87: {  	_ =	shalt  }
.Lfunc_end0:
.L_simem_size_0:
called_computation.3_lowered:
.L_overlay_start_0:
0x88: {  	s2 =	sld [smem:$0x3FD9]  }
0x89: {  	s3 =	sld [smem:$0x3FFE];
	_ =	sdelay $0x1  }
0x8a: {  	s1 =	srdreg.scid  }
0x8b: {  	s0 =	sand.u32 $0x1, s1  }
0x8c: {  	s16 =	sshll.u32 s0, $0xA;
	s2 =	sadd.s32 s3, s2  }
0x8d: {  	s2 =	sadd.s32 s2, s16  }
0x8e: {  	[smem:$0x3FB5] =	sst s2  }
0x8f: {  	_ = 	snop  }
0x90: {  	(tm) =	ssettm $0x1  }
0x91: {  	s17 =	sld [smem:$0x3FFB];
	_ =	sdelay $0x3  }
0x92: {  	_ =	strace s17  }
0x93: {  	s2 =	sld [smem:$0x3FFC];
	_ =	sdelay $0x3  }
0x94: {  	_ =	strace s2  }
0x95: {  	s2 =	sld [smem:$0x3FFD];
	_ =	sdelay $0x3  }
0x96: {  	_ =	strace s2  }
0x97: {  	_ =	strace $0x8FFFFFFF  }
0x98: {  	s18 =	sld [smem:$0x3FDB];
	_ =	sdelay $0x1  }
0x99: {  	s19 =	simm.s32 $_scs_section_size  }
0x9a: {  	s4 =	simm.s32 $_size__tile_overlayer_lowered;
	s5 =	simm.s32 $_tile_overlayer_lowered  }
0x9b: {  	s22 =	simm.s32 $0x1BFF;
	s21 =	sshll.u32 s5, $0x1;
	s2 =	sadd.s32 s19, s18  }
0x9c: {  	s6 =	simm.s32 $0x0;
	s20 =	sshll.u32 s4, $0x1;
	s4 =	sadd.s32 s21, s2  }
0x9d: {  	[timem:s6], [sflag:s22] =	dma.local [hbm:s4], s20  }
0x9e: {  	_ =	swait.ge [sflag:s22], s20  }
0x9f: {  	s3 =	ssub.s32 $0x0, s20;
	[sflag:s22] =	ssyncset.done $0x0  }
0xa0: {  	[sflag:s22] =	ssyncadd.s32 s3;
	_ =	sdelay $0x1  }
0xa1: {  	s23 =	simm.s32 $0x1B8B  }
0xa2: {  	_ =	swait.ge [sflag:s23], $0x1  }
0xa3: {  	[sflag:s23] =	ssyncset.done $0x0  }
0xa4: {  	s25 =	simm.s32 $0x1B8E;
	s24 =	sld [smem:$0x3FFE];
	[sflag:s23] =	ssyncadd.s32 $0xFFFFFFFF  }
0xa5: {  	s26 =	simm.s32 $execute0_lowered;
	[smem:$0x3FD2] =	sst s25  }
0xa6: {  	s4 =	sshll.u32 s26, $0x1;
	_ =	strace $0x8000004F;
	[dreg:$0x1] =	wrdreg $0xFFFFFFFF  }
0xa7: {  	s28 =	simm.s32 $_size_execute0_lowered;
	s2 =	sadd.s32 s2, s4;
	[dreg:$0x0] =	wrdreg $0x0  }
0xa8: {  	s4 =	sshll.u32 s28, $0x1;
	[dreg:$0x2] =	wrdreg s2  }
0xa9: {  	[dreg:$0x3] =	wrdreg s4  }
0xaa: {  	[dreg:$0x4] =	wrdreg $0xC0  }
0xab: {  	_ =	task [dreg:s6], $0x5FFFF  }
0xac: {  	[dreg:$0x1] =	wrdreg $0xFFFFFFFF  }
0xad: {  	[dreg:$0x0] =	wrdreg $0x60  }
0xae: {  	[dreg:$0x2] =	wrdreg s24  }
0xaf: {  	[dreg:$0x3] =	wrdreg $0xAA00  }
0xb0: {  	[dreg:$0x4] =	wrdreg $0x9  }
0xb1: {  	_ =	task.clear_ibuf [dreg:s6], $0x5FFFF;
	_ =	strace $0x9000004F  }
0xb2: {  	s29 =	simm.s32 $0x9;
	_ =	strace $0x80000051  }
0xb3: {  	_ =	swait.ge [sflag:s29], $0x1  }
0xb4: {  	[sflag:s29] =	ssyncadd.s32 $0xFFFFFFFF  }
0xb5: {  	_ =	strace $0x90000051  }
0xb6: {  	_ =	sfence  }
0xb7: {  	s30 =	sld [smem:$0x0];
	_ =	sdelay $0x2  }
0xb8: {  	s31 =	sshll.u32 s1, $0xD;
	s1 =	sshrl.u32 s1, $0x2  }
0xb9: {  	s3 =	sand.u32 $0x4000, s31;
	s1 =	sadd.s32 s1, s30  }
0xba: {  	s0 =	sor.u32 s3, s0;
	s1 =	sshll.u32 s1, $0x11  }
0xbb: {  	s0 =	sor.u32 s1, s0  }
0xbc: {  	s0 =	sadd.s32 $0x8F2B, s0  }
0xbd: {  	[sflag:s0] =	ssyncadd.remote.s32 $0x1  }
0xbe: {  	_ =	sfence.sel $0xFFFF  }
0xbf: {  	[dreg:$0x0] =	wrdreg $0xFFFFFFFF;
	(pc) =	sbr.abs _section_cstart, $3  }
0xc0: {  	[dreg:$0x1] =	wrdreg $0xFFFFFFFF  }
0xc1: {  	_ =	task.clear_ibuf [dreg:s6], $0x2FFFF;
	_ =	strace $0x9FFFFFFF  }
0xc2: {  	(tm) =	ssettm $0x7FFFFFFF  }
0xc3: {  	_ =	shalt  }
tec
execute0_lowered:
.L_overlay_start_1:
0x0: {  	(tag) =	ssettag $0x1  }
0x1: {  	s1 =	srdreg.scid;
	s5 =	rddreg [dreg:$0x0]  }
0x2: {  	s0 =	stileid.u32;
	s2 =	rddreg [dreg:$0x1];
	s3 =	simm.s32 $0x0  }
0x3: {  	s13 =	simm.s32 $0x50;
	s14 =	simm.s32 $0xA0;
	s4 =	smul.u32 $0x4E20, s0  }
0x4: {  	s6 =	sand.u32 $0x1, s1;
	s1 =	rddreg [dreg:$0x2];
	s29 =	smul.u32 $0x5000, s0  }
0x5: {  	s15 =	simm.s32 $0x0;
	[smem:$0x7FF] =	sst s3;
	s7 =	smul.u32 $0x2710, s6  }
0x6: {  	s31 =	sshll.u32 s0, $0x6;
	s9 =	smul.u32 $0x50000, s6;
	s6 =	ssub.s32 $0x2, s6  }
0x7: {  	_ =	strace $0x80000050;
	s30 =	sshrl.u32 s29, $0x3;
	s11 =	sshrl.u32 s6, $0x1  }
0x8: {  	s12 =	sadd.s32 s29, s2;
	s4 =	sadd.s32 s7, s4;
	s9 =	sadd.s32 s29, s9  }
0x9: {  	s11 =	ssub.s32 s6, s11;
	s6 =	sor.u32 $0x1C01, s31;
	s8 =	sshrl.u32 s4, $0x3  }
0xa: {  	s9 =	sshrl.u32 s9, $0x3;
	s10 =	sadd.s32 s8, s5;
	s8 =	sadd.s32 s30, s5  }
0xb: {  	s4 =	sadd.s32 $0x22400, s5;
	s9 =	sadd.s32 s9, s5;
	s5 =	sadd.s32 $0x2C400, s8  }
0xc: {  	s7 =	sadd.s32 $0x5E400, s9;
	s8 =	smax.u32 s11, $0x1;
	s9 =	sadd.s32 $0xE600, s10  }
0xd: {  	s10 =	sadd.s32 $0x4800, s10;
	s11 =	sshrl.u32 s12, $0x3;
	s12 =	simm.s32 $0x1  }
.LBB2_1:
0xe: {  	[spmem:s11], [sflag:s6] =	dma.local [hbm:s5], $0xA00  }
0xf: {  	_ =	swait.ge [sflag:s12], $0xA00  }
0x10: {  	[sflag:s12] =	ssyncset.done $0x0  }
0x11: {  	[sflag:s12] =	ssyncadd.s32 $0xFFFFF600  }
0x12: {  	s16 =	sadd.s32 $0x0, s10;
	[bflag:$0x0] =	sbarrier.arrive $0xFFFF  }
0x13: {  	[tilespmem:s3], [sflag:$0x1] =	stream.linear.gather [hbm4b:s16+s3], $0x50, $0x38;
	[tilespmem:$0x5AA0] =	vst v63  }
0x14: {  	_ =	swait.ge [sflag:s12], $0x50  }
0x15: {  	[sflag:s12] =	ssyncset.done $0x0  }
0x16: {  	s31 =	sadd.s32 $0x0, s9;
	[sflag:s12] =	ssyncadd.s32 $0xFFFFFFB0  }
0x17: {  	[tilespmem:s13], [sflag:$0x1] =	stream.linear.gather [hbm4b:s31+s3], $0x50, $0x38;
	[tilespmem:$0x5AA0] =	vst v63  }
0x18: {  	_ =	swait.ge [sflag:s12], $0x50  }
0x19: {  	[sflag:s12] =	ssyncset.done $0x0  }
0x1a: {  	[sflag:s12] =	ssyncadd.s32 $0xFFFFFFB0  }
0x1b: {  	[tilespmem:s14], [sflag:$0x1] =	stream.indirect.gather [hbm4b:s4+s13], $0x20, s3, s13, $0xb8;
	[tilespmem:$0x5AA0] =	vst v63  }
0x1c: {  	_ =	swait.ge [sflag:s12], $0xA00  }
0x1d: {  	[sflag:s12] =	ssyncset.done $0x0  }
0x1e: {  	[sflag:s12] =	ssyncadd.s32 $0xFFFFF600  }
0x1f: {  	[spmem:s2] =	stream.indirect.scatter.add.f32 [tilespmem:s14], [sflag:$0x1], $0x20, s13, s13, $0xb8;
	[tilespmem:$0x5AA0] =	vst v63  }
0x20: {  	_ =	swait.ge [sflag:s12], $0xA00  }
0x21: {  	s17 =	simm.s32 $0x14;
	s16 =	simm.s32 $0xA;
	[sflag:s12] =	ssyncset.done $0x0  }
.LBB2_2:
0x22: {  	s18 =	sadd.s32 s16, s10  }
0x23: {  	[sflag:s12] =	ssyncadd.s32 $0xFFFFF600;
	s19 =	smov.u32 s17;
	s20 =	sadd.s32 $0xA, s17  }
0x24: {  	[tilespmem:s3], [sflag:$0x1] =	stream.linear.gather [hbm4b:s18+s3], $0x50, $0x38;
	[tilespmem:$0x5AA0] =	vst v63  }
0x25: {  	p0 =	sne.s32 s17, $0x4D8;
	_ =	swait.ge [sflag:s12], $0x50  }
0x26: {  	[sflag:s12] =	ssyncset.done $0x0  }
0x27: {  	s17 =	sadd.s32 s16, s9;
	s16 =	smov.u32 s19;
	[sflag:s12] =	ssyncadd.s32 $0xFFFFFFB0  }
0x28: {  	[tilespmem:s13], [sflag:$0x1] =	stream.linear.gather [hbm4b:s17+s3], $0x50, $0x38;
	[tilespmem:$0x5AA0] =	vst v63  }
0x29: {  	_ =	swait.ge [sflag:s12], $0x50  }
0x2a: {  	[sflag:s12] =	ssyncset.done $0x0  }
0x2b: {  	[sflag:s12] =	ssyncadd.s32 $0xFFFFFFB0  }
0x2c: {  	[tilespmem:s14], [sflag:$0x1] =	stream.indirect.gather [hbm4b:s4+s13], $0x20, s3, s13, $0xb8;
	[tilespmem:$0x5AA0] =	vst v63  }
0x2d: {  	_ =	swait.ge [sflag:s12], $0xA00  }
.Ltmp0:
0x2e: {  	[sflag:s12] =	ssyncset.done $0x0;
	(pc) =	sbr.rel @p0 .LBB2_2-.Ltmp0, $4  }
0x2f: {  	[sflag:s12] =	ssyncadd.s32 $0xFFFFF600  }
0x30: {  	[spmem:s2] =	stream.indirect.scatter.add.f32 [tilespmem:s14], [sflag:$0x1], $0x20, s13, s13, $0xb8;
	[tilespmem:$0x5AA0] =	vst v63  }
0x31: {  	_ =	swait.ge [sflag:s12], $0xA00  }
0x32: {  	s17 =	smov.u32 s20;
	[sflag:s12] =	ssyncset.done $0x0  }
0x33: {  	s17 =	sadd.s32 s16, s10;
	[sflag:s12] =	ssyncadd.s32 $0xFFFFF600  }
0x34: {  	[tilespmem:s3], [sflag:$0x1] =	stream.linear.gather [hbm4b:s17+s3], $0x50, $0x38;
	[tilespmem:$0x5AA0] =	vst v63  }
0x35: {  	_ =	swait.ge [sflag:s12], $0x50  }
0x36: {  	[sflag:s12] =	ssyncset.done $0x0  }
0x37: {  	s31 =	sadd.s32 s16, s9;
	[sflag:s12] =	ssyncadd.s32 $0xFFFFFFB0  }
0x38: {  	[tilespmem:s13], [sflag:$0x1] =	stream.linear.gather [hbm4b:s31+s3], $0x50, $0x38;
	[tilespmem:$0x5AA0] =	vst v63  }
0x39: {  	_ =	swait.ge [sflag:s12], $0x50  }
0x3a: {  	[sflag:s12] =	ssyncset.done $0x0  }
0x3b: {  	[sflag:s12] =	ssyncadd.s32 $0xFFFFFFB0  }
0x3c: {  	[tilespmem:s14], [sflag:$0x1] =	stream.indirect.gather [hbm4b:s4+s13], $0x20, s3, s13, $0xb8;
	[tilespmem:$0x5AA0] =	vst v63  }
0x3d: {  	_ =	swait.ge [sflag:s12], $0xA00  }
0x3e: {  	[sflag:s12] =	ssyncset.done $0x0  }
0x3f: {  	[sflag:s12] =	ssyncadd.s32 $0xFFFFF600  }
0x40: {  	[spmem:s2] =	stream.indirect.scatter.add.f32 [tilespmem:s14], [sflag:$0x1], $0x20, s13, s13, $0xb8;
	[tilespmem:$0x5AA0] =	vst v63  }
0x41: {  	_ =	swait.ge [sflag:s12], $0xA00  }
0x42: {  	s15 =	sadd.s32 $0x1, s15;
	[sflag:s12] =	ssyncset.done $0x0  }
0x43: {  	p0 =	sne.s32 s15, s8;
	[sflag:s12] =	ssyncadd.s32 $0xFFFFF600  }
.Ltmp1:
0x44: {  	[bflag:$0x0] =	sbarrier.arrive $0xFFFF;
	(pc) =	sbr.rel @p0 .LBB2_1-.Ltmp1, $4  }
0x45: {  	[hbm:s7], [sflag:s6] =	dma.local [spmem:s11], $0xA00  }
0x46: {  	_ =	swait.ge [sflag:s12], $0xA00  }
0x47: {  	[sflag:s12] =	ssyncset.done $0x0  }
0x48: {  	[sflag:s12] =	ssyncadd.s32 $0xFFFFF600  }
0x49: {  	_ =	sfence.sel $0x180000  }
0x4a: {  	[bflag:$0x0] =	sbarrier.arrive $0xFFFF  }
0x4b: {  	p0 =	sne.s32 s0, $0x0;
	_ =	strace $0x90000050  }
0x4c: {  	s0 =	sadd.s32 @!p0 $0x100000, s1;
	[bflag:$0x2] =	sbarrier.arrive $0xFFFF  }
0x4d: {  	[sflag:s0] =	ssyncadd.tile.s32 @!p0 $0x1;
	_ =	shalt  }
.Lfunc_end2:
_tile_overlayer_lowered:
.L_overlay_start_2:
0x4e: {  	(tag) =	ssettag $0x2  }
0x4f: {  	s0 =	rddreg [dreg:$0x0];
	s2 =	stileid.u32  }
0x50: {  	s1 =	rddreg [dreg:$0x1];
	p0 =	sne.s32 s2, $0x0  }
0x51: {  	s3 =	rddreg [dreg:$0x2];
	[bflag:$0x3] =	sbarrier.arrive $0xFFFF;
	s2 =	simm.s32 @!p0 $0x1C01  }
0x52: {  	[timem:s3], [sflag:s2] =	dma.local @!p0 [hbm:s0], s1  }
0x53: {  	s0 =	simm.s32 @!p0 $0x1  }
0x54: {  	_ =	swait.ge @!p0 [sflag:s0], s1  }
0x55: {  	s1 =	ssub.s32 @!p0 $0x0, s1;
	[sflag:s0] =	ssyncset.done @!p0 $0x0  }
0x56: {  	[sflag:s0] =	ssyncadd.s32 @!p0 s1  }
0x57: {  	[bflag:$0x3] =	sbarrier.arrive $0xFFFF  }
0x58: {  	_ =	shalt  }

// kernel: kernel.25.cloned.1.call-start
scs
__scs_entry_jumppad:
0x0: {  	(pc) =	sbr.rel $0x88, $3  }
0x1: {  	(tag) =	ssettag $0x0;
	lr =	simm.s32 $0x1  }
0x2: {  	[smem:$0x3F8E] =	sst lr;
	_ =	strace $0xD0000000  }
0x3: {  	_ = 	snop  }
0x4: {  	_ = 	snop  }
0x5: {  	_ = 	snop  }
0x6: {  	_ = 	snop  }
0x7: {  	_ = 	snop  }
__scs_overlays_trampoline_lowered:
0x8: {  	[smem:$0x3F9D] =	sst s0  }
0x9: {  	[smem:$0x3F9E] =	sst s1  }
0xa: {  	[smem:$0x3F9F] =	sst s2  }
0xb: {  	[smem:$0x3FA0] =	sst s3  }
0xc: {  	[smem:$0x3FA1] =	sst s4  }
0xd: {  	[smem:$0x3FA2] =	sst s5  }
0xe: {  	[smem:$0x3FA3] =	sst s6  }
0xf: {  	[smem:$0x3FA4] =	sst s7  }
0x10: {  	[smem:$0x3FA5] =	sst s8  }
0x11: {  	[smem:$0x3FA6] =	sst s9;
	s0 =	simm.s32 @!p0 $0x0  }
0x12: {  	s1 =	sld [smem:$0x3F8C];
	s0 =	simm.s32 @p0 $0x1  }
0x13: {  	[smem:$0x3FA7] =	sst s0;
	s0 =	simm.s32 @!p1 $0x0  }
0x14: {  	s2 =	sld [smem:$0x3F8B];
	s0 =	simm.s32 @p1 $0x1  }
0x15: {  	[smem:$0x3FA8] =	sst s0;
	s0 =	simm.s32 @!p2 $0x0  }
0x16: {  	s3 =	sld [smem:$0x3FDB];
	s0 =	simm.s32 @p2 $0x1  }
0x17: {  	s4 =	simm.s32 $0x1BF5;
	[smem:$0x3FAA] =	sst s0  }
0x18: {  	s0 =	sld [smem:$0x3F8D];
	_ =	swait.ge [sflag:s4], $0x0  }
0x19: {  	s7 =	sld [smem:$0x3F8E]  }
0x1a: {  	s8 =	sadd.s32 $0xFFFFE003, lr  }
0x1b: {  	s9 =	sadd.s32 $0xFFFFFEF7, lr;
	s5 =	simm.s32 $0xFFFFFFFF;
	p2 =	slt.u32 s8, $0xFFFFF086  }
0x1c: {  	p1 =	slt.u32 s9, $0xF7A;
	s5 =	simm.s32 @!p2 $0x0  }
0x1d: {  	s5 =	simm.s32 @p1 $0x1;
	p0 =	seq.s32 s7, s2  }
0x1e: {  	s7 =	smul.u32 @!p0 $0xF7A, s2;
	p2 =	seq.s32 @!p0 s5, $0x0  }
0x1f: {  	s9 =	smul.u32 $0xF7A, s1;
	s8 =	simm.s32 @!p0 $0x1BF5;
	p2 =	por !p2, p0  }
0x20: {  	[sflag:s8] =	ssyncset.s32 @!p0 $0xFFFFF086;
	s6 =	sadd.s32 @!p0 s3, s7;
	s7 =	simm.s32 @!p0 $0x108  }
0x21: {  	s3 =	sadd.s32 s3, s9;
	s6 =	sadd.s32 @!p0 $0x88, s6;
	s7 =	simm.s32 @p2 $0x1082  }
0x22: {  	[simem:s7], [sflag:s8] =	dma.local @!p0 [hbm:s6], $0xF7A  }
0x23: {  	s9 =	sor.u32 $0xD0000000, s2;
	s6 =	simm.s32 $0x108;
	_ =	swait.ge @!p0 [sflag:s8], $0x0  }
0x24: {  	s3 =	sadd.s32 $0x88, s3;
	s6 =	simm.s32 @!p1 $0x1082;
	[sflag:s4] =	ssyncset.s32 $0xFFFFF086  }
0x25: {  	[simem:s6], [sflag:s4] =	dma.local [hbm:s3], $0xF7A  }
0x26: {  	[smem:$0x3F8E] =	sst s1;
	(tag) =	ssettag s2;
	_ =	strace s9  }
0x27: {  	s1 =	sld [smem:$0x3F9E]  }
0x28: {  	s2 =	sld [smem:$0x3F9F]  }
0x29: {  	s4 =	sld [smem:$0x3FA1]  }
0x2a: {  	p0 =	seq.s32 s5, $0x0;
	s5 =	sld [smem:$0x3FA2]  }
0x2b: {  	s6 =	sld [smem:$0x3FA3]  }
0x2c: {  	s7 =	sld [smem:$0x3FA4]  }
0x2d: {  	s3 =	simm.s32 $0x108;
	s8 =	sld [smem:$0x3FA5]  }
0x2e: {  	s3 =	simm.s32 @!p0 $0x1082;
	s9 =	sld [smem:$0x3FA6]  }
0x2f: {  	lr =	sadd.s32 s0, s3;
	s0 =	sld [smem:$0x3F9D]  }
0x30: {  	s3 =	sld [smem:$0x3FA0]  }
0x31: {  	[smem:$0x3FA9] =	sst s10  }
0x32: {  	s10 =	sld [smem:$0x3FA7];
	_ =	sdelay $0x3  }
0x33: {  	p0 =	seq.s32 s10, $0x1;
	s10 =	sld [smem:$0x3FA9];
	_ =	sdelay $0x3  }
0x34: {  	[smem:$0x3FA9] =	sst s10  }
0x35: {  	s10 =	sld [smem:$0x3FA8];
	_ =	sdelay $0x3  }
0x36: {  	p1 =	seq.s32 s10, $0x1;
	s10 =	sld [smem:$0x3FA9];
	_ =	sdelay $0x3  }
0x37: {  	[smem:$0x3FA9] =	sst s10  }
0x38: {  	s10 =	sld [smem:$0x3FAA]  }
0x39: {  	_ = 	snop;
	(pc) =	sbr.ind lr, $3  }
0x3a: {  	_ = 	snop  }
0x3b: {  	_ = 	snop  }
0x3c: {  	p2 =	seq.s32 s10, $0x1;
	s10 =	sld [smem:$0x3FA9]  }
0x3d: {  	_ =	shalt  }
0x3e: {  	_ =	shalt  }
0x3f: {  	_ =	shalt  }
0x40: {  	_ =	shalt  }
0x41: {  	_ =	shalt  }
0x42: {  	_ =	shalt  }
0x43: {  	_ =	shalt  }
0x44: {  	_ =	shalt  }
0x45: {  	_ =	shalt  }
0x46: {  	_ =	shalt  }
0x47: {  	_ =	shalt  }
0x48: {  	_ =	shalt  }
0x49: {  	_ =	shalt  }
0x4a: {  	_ =	shalt  }
0x4b: {  	_ =	shalt  }
0x4c: {  	_ =	shalt  }
0x4d: {  	_ =	shalt  }
0x4e: {  	_ =	shalt  }
0x4f: {  	_ =	shalt  }
0x50: {  	_ =	shalt  }
0x51: {  	_ =	shalt  }
0x52: {  	_ =	shalt  }
0x53: {  	_ =	shalt  }
0x54: {  	_ =	shalt  }
0x55: {  	_ =	shalt  }
0x56: {  	_ =	shalt  }
0x57: {  	_ =	shalt  }
0x58: {  	_ =	shalt  }
0x59: {  	_ =	shalt  }
0x5a: {  	_ =	shalt  }
0x5b: {  	_ =	shalt  }
0x5c: {  	_ =	shalt  }
0x5d: {  	_ =	shalt  }
0x5e: {  	_ =	shalt  }
0x5f: {  	_ =	shalt  }
0x60: {  	_ =	shalt  }
0x61: {  	_ =	shalt  }
0x62: {  	_ =	shalt  }
0x63: {  	_ =	shalt  }
0x64: {  	_ =	shalt  }
0x65: {  	_ =	shalt  }
0x66: {  	_ =	shalt  }
0x67: {  	_ =	shalt  }
0x68: {  	_ =	shalt  }
0x69: {  	_ =	shalt  }
0x6a: {  	_ =	shalt  }
0x6b: {  	_ =	shalt  }
0x6c: {  	_ =	shalt  }
0x6d: {  	_ =	shalt  }
0x6e: {  	_ =	shalt  }
0x6f: {  	_ =	shalt  }
0x70: {  	_ =	shalt  }
0x71: {  	_ =	shalt  }
0x72: {  	_ =	shalt  }
0x73: {  	_ =	shalt  }
0x74: {  	_ =	shalt  }
0x75: {  	_ =	shalt  }
0x76: {  	_ =	shalt  }
0x77: {  	_ =	shalt  }
0x78: {  	_ =	shalt  }
0x79: {  	_ =	shalt  }
0x7a: {  	_ =	shalt  }
0x7b: {  	_ =	shalt  }
0x7c: {  	_ =	shalt  }
0x7d: {  	_ =	shalt  }
0x7e: {  	_ =	shalt  }
0x7f: {  	_ =	shalt  }
0x80: {  	_ =	shalt  }
0x81: {  	_ =	shalt  }
0x82: {  	_ =	shalt  }
0x83: {  	_ =	shalt  }
0x84: {  	_ =	shalt  }
0x85: {  	_ =	shalt  }
0x86: {  	_ =	shalt  }
0x87: {  	_ =	shalt  }
.Lfunc_end0:
.L_simem_size_0:
called_computation.4_lowered:
.L_overlay_start_0:
0x88: {  	s2 =	sld [smem:$0x3FD9]  }
0x89: {  	s3 =	sld [smem:$0x3FFE];
	_ =	sdelay $0x1  }
0x8a: {  	s1 =	srdreg.scid  }
0x8b: {  	s0 =	sand.u32 $0x1, s1  }
0x8c: {  	s16 =	sshll.u32 s0, $0xA;
	s2 =	sadd.s32 s3, s2  }
0x8d: {  	s2 =	sadd.s32 s2, s16  }
0x8e: {  	[smem:$0x3FB5] =	sst s2  }
0x8f: {  	_ = 	snop  }
0x90: {  	(tm) =	ssettm $0x1  }
0x91: {  	s17 =	sld [smem:$0x3FFB];
	_ =	sdelay $0x3  }
0x92: {  	_ =	strace s17  }
0x93: {  	s2 =	sld [smem:$0x3FFC];
	_ =	sdelay $0x3  }
0x94: {  	_ =	strace s2  }
0x95: {  	s2 =	sld [smem:$0x3FFD];
	_ =	sdelay $0x3  }
0x96: {  	_ =	strace s2  }
0x97: {  	_ =	strace $0x8FFFFFFF  }
0x98: {  	s18 =	sld [smem:$0x3FDB];
	_ =	sdelay $0x1  }
0x99: {  	s19 =	simm.s32 $_scs_section_size  }
0x9a: {  	s4 =	simm.s32 $_size__tile_overlayer_lowered;
	s5 =	simm.s32 $_tile_overlayer_lowered  }
0x9b: {  	s22 =	simm.s32 $0x1BFF;
	s21 =	sshll.u32 s5, $0x1;
	s2 =	sadd.s32 s19, s18  }
0x9c: {  	s6 =	simm.s32 $0x0;
	s20 =	sshll.u32 s4, $0x1;
	s4 =	sadd.s32 s21, s2  }
0x9d: {  	[timem:s6], [sflag:s22] =	dma.local [hbm:s4], s20  }
0x9e: {  	_ =	swait.ge [sflag:s22], s20  }
0x9f: {  	s3 =	ssub.s32 $0x0, s20;
	[sflag:s22] =	ssyncset.done $0x0  }
0xa0: {  	[sflag:s22] =	ssyncadd.s32 s3;
	_ =	sdelay $0x1  }
0xa1: {  	s23 =	simm.s32 $0x1B8B  }
0xa2: {  	_ =	swait.ge [sflag:s23], $0x1  }
0xa3: {  	[sflag:s23] =	ssyncset.done $0x0  }
0xa4: {  	s25 =	simm.s32 $0x1B8E;
	s24 =	sld [smem:$0x3FFE];
	[sflag:s23] =	ssyncadd.s32 $0xFFFFFFFF  }
0xa5: {  	s26 =	simm.s32 $execute0_lowered;
	[smem:$0x3FD2] =	sst s25  }
0xa6: {  	s4 =	sshll.u32 s26, $0x1;
	_ =	strace $0x80000052;
	[dreg:$0x1] =	wrdreg $0xFFFFFFFF  }
0xa7: {  	s28 =	simm.s32 $_size_execute0_lowered;
	s2 =	sadd.s32 s2, s4;
	[dreg:$0x0] =	wrdreg $0x0  }
0xa8: {  	s4 =	sshll.u32 s28, $0x1;
	[dreg:$0x2] =	wrdreg s2  }
0xa9: {  	[dreg:$0x3] =	wrdreg s4  }
0xaa: {  	[dreg:$0x4] =	wrdreg $0xC0  }
0xab: {  	_ =	task [dreg:s6], $0x5FFFF  }
0xac: {  	[dreg:$0x1] =	wrdreg $0xFFFFFFFF  }
0xad: {  	[dreg:$0x0] =	wrdreg $0x60  }
0xae: {  	[dreg:$0x2] =	wrdreg s24  }
0xaf: {  	[dreg:$0x3] =	wrdreg $0x5A00  }
0xb0: {  	[dreg:$0x4] =	wrdreg $0x9  }
0xb1: {  	_ =	task.clear_ibuf [dreg:s6], $0x5FFFF;
	_ =	strace $0x90000052  }
0xb2: {  	s29 =	simm.s32 $0x9;
	_ =	strace $0x80000054  }
0xb3: {  	_ =	swait.ge [sflag:s29], $0x1  }
0xb4: {  	[sflag:s29] =	ssyncadd.s32 $0xFFFFFFFF  }
0xb5: {  	_ =	strace $0x90000054  }
0xb6: {  	_ =	sfence  }
0xb7: {  	s30 =	sld [smem:$0x0];
	_ =	sdelay $0x2  }
0xb8: {  	s31 =	sshll.u32 s1, $0xD;
	s1 =	sshrl.u32 s1, $0x2  }
0xb9: {  	s3 =	sand.u32 $0x4000, s31;
	s1 =	sadd.s32 s1, s30  }
0xba: {  	s0 =	sor.u32 s3, s0;
	s1 =	sshll.u32 s1, $0x11  }
0xbb: {  	s0 =	sor.u32 s1, s0  }
0xbc: {  	s0 =	sadd.s32 $0x8F2B, s0  }
0xbd: {  	[sflag:s0] =	ssyncadd.remote.s32 $0x1  }
0xbe: {  	_ =	sfence.sel $0xFFFF  }
0xbf: {  	[dreg:$0x0] =	wrdreg $0xFFFFFFFF;
	(pc) =	sbr.abs _section_cstart, $3  }
0xc0: {  	[dreg:$0x1] =	wrdreg $0xFFFFFFFF  }
0xc1: {  	_ =	task.clear_ibuf [dreg:s6], $0x2FFFF;
	_ =	strace $0x9FFFFFFF  }
0xc2: {  	(tm) =	ssettm $0x7FFFFFFF  }
0xc3: {  	_ =	shalt  }
tec
execute0_lowered:
.L_overlay_start_1:
0x0: {  	(tag) =	ssettag $0x1  }
0x1: {  	s1 =	srdreg.scid;
	s5 =	rddreg [dreg:$0x0]  }
0x2: {  	s0 =	stileid.u32;
	s2 =	rddreg [dreg:$0x1];
	s3 =	simm.s32 $0x0  }
0x3: {  	s13 =	simm.s32 $0x50;
	s14 =	simm.s32 $0xA0;
	s4 =	smul.u32 $0x4E20, s0  }
0x4: {  	s6 =	sand.u32 $0x1, s1;
	s1 =	rddreg [dreg:$0x2];
	s29 =	smul.u32 $0x2800, s0  }
0x5: {  	s15 =	simm.s32 $0x0;
	[smem:$0x7FF] =	sst s3;
	s7 =	smul.u32 $0x2710, s6  }
0x6: {  	s31 =	sshll.u32 s0, $0x6;
	s9 =	smul.u32 $0x28000, s6;
	s6 =	ssub.s32 $0x2, s6  }
0x7: {  	_ =	strace $0x80000053;
	s30 =	sshrl.u32 s29, $0x3;
	s11 =	sshrl.u32 s6, $0x1  }
0x8: {  	s12 =	sadd.s32 s29, s2;
	s4 =	sadd.s32 s7, s4;
	s9 =	sadd.s32 s29, s9  }
0x9: {  	s11 =	ssub.s32 s6, s11;
	s6 =	sor.u32 $0x1C01, s31;
	s8 =	sshrl.u32 s4, $0x3  }
0xa: {  	s9 =	sshrl.u32 s9, $0x3;
	s10 =	sadd.s32 s8, s5;
	s8 =	sadd.s32 s30, s5  }
0xb: {  	s4 =	sadd.s32 $0x18400, s5;
	s9 =	sadd.s32 s9, s5;
	s5 =	sadd.s32 $0x1D400, s8  }
0xc: {  	s7 =	sadd.s32 $0x22400, s9;
	s8 =	smax.u32 s11, $0x1;
	s9 =	sadd.s32 $0xE600, s10  }
0xd: {  	s10 =	sadd.s32 $0x4800, s10;
	s11 =	sshrl.u32 s12, $0x3;
	s12 =	simm.s32 $0x1  }
.LBB2_1:
0xe: {  	[spmem:s11], [sflag:s6] =	dma.local [hbm:s5], $0x500  }
0xf: {  	_ =	swait.ge [sflag:s12], $0x500  }
0x10: {  	[sflag:s12] =	ssyncset.done $0x0  }
0x11: {  	[sflag:s12] =	ssyncadd.s32 $0xFFFFFB00  }
0x12: {  	s16 =	sadd.s32 $0x0, s10;
	[bflag:$0x0] =	sbarrier.arrive $0xFFFF  }
0x13: {  	[tilespmem:s3], [sflag:$0x1] =	stream.linear.gather [hbm4b:s16+s3], $0x50, $0x38;
	[tilespmem:$0x2DA0] =	vst v63  }
0x14: {  	_ =	swait.ge [sflag:s12], $0x50  }
0x15: {  	[sflag:s12] =	ssyncset.done $0x0  }
0x16: {  	s31 =	sadd.s32 $0x0, s9;
	[sflag:s12] =	ssyncadd.s32 $0xFFFFFFB0  }
0x17: {  	[tilespmem:s13], [sflag:$0x1] =	stream.linear.gather [hbm4b:s31+s3], $0x50, $0x38;
	[tilespmem:$0x2DA0] =	vst v63  }
0x18: {  	_ =	swait.ge [sflag:s12], $0x50  }
0x19: {  	[sflag:s12] =	ssyncset.done $0x0  }
0x1a: {  	[sflag:s12] =	ssyncadd.s32 $0xFFFFFFB0  }
0x1b: {  	[tilespmem:s14], [sflag:$0x1] =	stream.indirect.gather [hbm4b:s4+s13], $0x10, s3, s13, $0xb8;
	[tilespmem:$0x2DA0] =	vst v63  }
0x1c: {  	_ =	swait.ge [sflag:s12], $0x500  }
0x1d: {  	[sflag:s12] =	ssyncset.done $0x0  }
0x1e: {  	[sflag:s12] =	ssyncadd.s32 $0xFFFFFB00  }
0x1f: {  	[spmem:s2] =	stream.indirect.scatter.add.f32 [tilespmem:s14], [sflag:$0x1], $0x10, s13, s13, $0xb8;
	[tilespmem:$0x2DA0] =	vst v63  }
0x20: {  	_ =	swait.ge [sflag:s12], $0x500  }
0x21: {  	s17 =	simm.s32 $0x14;
	s16 =	simm.s32 $0xA;
	[sflag:s12] =	ssyncset.done $0x0  }
.LBB2_2:
0x22: {  	s18 =	sadd.s32 s16, s10  }
0x23: {  	[sflag:s12] =	ssyncadd.s32 $0xFFFFFB00;
	s19 =	smov.u32 s17;
	s20 =	sadd.s32 $0xA, s17  }
0x24: {  	[tilespmem:s3], [sflag:$0x1] =	stream.linear.gather [hbm4b:s18+s3], $0x50, $0x38;
	[tilespmem:$0x2DA0] =	vst v63  }
0x25: {  	p0 =	sne.s32 s17, $0x4D8;
	_ =	swait.ge [sflag:s12], $0x50  }
0x26: {  	[sflag:s12] =	ssyncset.done $0x0  }
0x27: {  	s17 =	sadd.s32 s16, s9;
	s16 =	smov.u32 s19;
	[sflag:s12] =	ssyncadd.s32 $0xFFFFFFB0  }
0x28: {  	[tilespmem:s13], [sflag:$0x1] =	stream.linear.gather [hbm4b:s17+s3], $0x50, $0x38;
	[tilespmem:$0x2DA0] =	vst v63  }
0x29: {  	_ =	swait.ge [sflag:s12], $0x50  }
0x2a: {  	[sflag:s12] =	ssyncset.done $0x0  }
0x2b: {  	[sflag:s12] =	ssyncadd.s32 $0xFFFFFFB0  }
0x2c: {  	[tilespmem:s14], [sflag:$0x1] =	stream.indirect.gather [hbm4b:s4+s13], $0x10, s3, s13, $0xb8;
	[tilespmem:$0x2DA0] =	vst v63  }
0x2d: {  	_ =	swait.ge [sflag:s12], $0x500  }
.Ltmp0:
0x2e: {  	[sflag:s12] =	ssyncset.done $0x0;
	(pc) =	sbr.rel @p0 .LBB2_2-.Ltmp0, $4  }
0x2f: {  	[sflag:s12] =	ssyncadd.s32 $0xFFFFFB00  }
0x30: {  	[spmem:s2] =	stream.indirect.scatter.add.f32 [tilespmem:s14], [sflag:$0x1], $0x10, s13, s13, $0xb8;
	[tilespmem:$0x2DA0] =	vst v63  }
0x31: {  	_ =	swait.ge [sflag:s12], $0x500  }
0x32: {  	s17 =	smov.u32 s20;
	[sflag:s12] =	ssyncset.done $0x0  }
0x33: {  	s17 =	sadd.s32 s16, s10;
	[sflag:s12] =	ssyncadd.s32 $0xFFFFFB00  }
0x34: {  	[tilespmem:s3], [sflag:$0x1] =	stream.linear.gather [hbm4b:s17+s3], $0x50, $0x38;
	[tilespmem:$0x2DA0] =	vst v63  }
0x35: {  	_ =	swait.ge [sflag:s12], $0x50  }
0x36: {  	[sflag:s12] =	ssyncset.done $0x0  }
0x37: {  	s31 =	sadd.s32 s16, s9;
	[sflag:s12] =	ssyncadd.s32 $0xFFFFFFB0  }
0x38: {  	[tilespmem:s13], [sflag:$0x1] =	stream.linear.gather [hbm4b:s31+s3], $0x50, $0x38;
	[tilespmem:$0x2DA0] =	vst v63  }
0x39: {  	_ =	swait.ge [sflag:s12], $0x50  }
0x3a: {  	[sflag:s12] =	ssyncset.done $0x0  }
0x3b: {  	[sflag:s12] =	ssyncadd.s32 $0xFFFFFFB0  }
0x3c: {  	[tilespmem:s14], [sflag:$0x1] =	stream.indirect.gather [hbm4b:s4+s13], $0x10, s3, s13, $0xb8;
	[tilespmem:$0x2DA0] =	vst v63  }
0x3d: {  	_ =	swait.ge [sflag:s12], $0x500  }
0x3e: {  	[sflag:s12] =	ssyncset.done $0x0  }
0x3f: {  	[sflag:s12] =	ssyncadd.s32 $0xFFFFFB00  }
0x40: {  	[spmem:s2] =	stream.indirect.scatter.add.f32 [tilespmem:s14], [sflag:$0x1], $0x10, s13, s13, $0xb8;
	[tilespmem:$0x2DA0] =	vst v63  }
0x41: {  	_ =	swait.ge [sflag:s12], $0x500  }
0x42: {  	s15 =	sadd.s32 $0x1, s15;
	[sflag:s12] =	ssyncset.done $0x0  }
0x43: {  	p0 =	sne.s32 s15, s8;
	[sflag:s12] =	ssyncadd.s32 $0xFFFFFB00  }
.Ltmp1:
0x44: {  	[bflag:$0x0] =	sbarrier.arrive $0xFFFF;
	(pc) =	sbr.rel @p0 .LBB2_1-.Ltmp1, $4  }
0x45: {  	[hbm:s7], [sflag:s6] =	dma.local [spmem:s11], $0x500  }
0x46: {  	_ =	swait.ge [sflag:s12], $0x500  }
0x47: {  	[sflag:s12] =	ssyncset.done $0x0  }
0x48: {  	[sflag:s12] =	ssyncadd.s32 $0xFFFFFB00  }
0x49: {  	_ =	sfence.sel $0x180000  }
0x4a: {  	[bflag:$0x0] =	sbarrier.arrive $0xFFFF  }
0x4b: {  	p0 =	sne.s32 s0, $0x0;
	_ =	strace $0x90000053  }
0x4c: {  	s0 =	sadd.s32 @!p0 $0x100000, s1;
	[bflag:$0x2] =	sbarrier.arrive $0xFFFF  }
0x4d: {  	[sflag:s0] =	ssyncadd.tile.s32 @!p0 $0x1;
	_ =	shalt  }
.Lfunc_end2:
_tile_overlayer_lowered:
.L_overlay_start_2:
0x4e: {  	(tag) =	ssettag $0x2  }
0x4f: {  	s0 =	rddreg [dreg:$0x0];
	s2 =	stileid.u32  }
0x50: {  	s1 =	rddreg [dreg:$0x1];
	p0 =	sne.s32 s2, $0x0  }
0x51: {  	s3 =	rddreg [dreg:$0x2];
	[bflag:$0x3] =	sbarrier.arrive $0xFFFF;
	s2 =	simm.s32 @!p0 $0x1C01  }
0x52: {  	[timem:s3], [sflag:s2] =	dma.local @!p0 [hbm:s0], s1  }
0x53: {  	s0 =	simm.s32 @!p0 $0x1  }
0x54: {  	_ =	swait.ge @!p0 [sflag:s0], s1  }
0x55: {  	s1 =	ssub.s32 @!p0 $0x0, s1;
	[sflag:s0] =	ssyncset.done @!p0 $0x0  }
0x56: {  	[sflag:s0] =	ssyncadd.s32 @!p0 s1  }
0x57: {  	[bflag:$0x3] =	sbarrier.arrive $0xFFFF  }
0x58: {  	_ =	shalt  }

</sc_bundles>
